<compile_context>
chip_gen: v7x
topology: tpu7x:2x2x1
jax: 0.10.2.dev20260603
libtpu: 0.0.44.dev20260713+nightly
codegen_flags: <defaults>
</compile_context>

<pallas_src>
import functools

import jax
import jax.numpy as jnp
from jax import lax
from jax.experimental import pallas as pl
from jax.experimental.pallas import tpu as pltpu
from jax.experimental.pallas import tpu_sc as plsc

N_NODES = 10000
HIDDEN = 128
AGENTS = 4
PENDING = 8
ACTION = 64
BATCH = 64
N_EDGES = 320000

NC, NS = 2, 16
NW = NC * NS
EPW = 10240
E_PAD = NW * EPW
NCHUNK = 80
SLOT = 64
NSLOT = EPW // SLOT
N_PAD = 10240
ROWS_PT = N_PAD // NS
BAP = BATCH * AGENTS * PENDING
GPW = BAP // NW

_MESH = plsc.VectorSubcoreMesh(core_axis_name="c", subcore_axis_name="s")
_F32 = jnp.float32


NBUF = 4
RCHUNK = (N_EDGES - (NW - 1) * EPW) // (2 * SLOT)
NPCHUNK = NCHUNK - RCHUNK


@functools.partial(
    pl.kernel,
    out_type=[
        jax.ShapeDtypeStruct((NC, BAP, HIDDEN), _F32),
        jax.ShapeDtypeStruct((BAP, HIDDEN), _F32),
    ],
    mesh=_MESH,
    scratch_types=[
        pltpu.VMEM((2, 2, 2 * SLOT), jnp.int32),
        pltpu.VMEM((NBUF, SLOT), jnp.int32),
        pltpu.VMEM((NBUF, SLOT), jnp.int32),
        pltpu.VMEM((NBUF, SLOT, HIDDEN), _F32),
        pltpu.VMEM((2 * GPW,), jnp.int32),
        pltpu.VMEM((GPW,), jnp.int32),
        pltpu.SemaphoreType.DMA,
        pltpu.SemaphoreType.DMA,
        pltpu.SemaphoreType.DMA,
        pltpu.SemaphoreType.DMA,
        pltpu.SemaphoreType.DMA,
        pltpu.SemaphoreType.DMA,
        pltpu.SemaphoreType.DMA,
        pltpu.SemaphoreType.DMA,
        pltpu.SemaphoreType.DMA,
        pltpu.SemaphoreType.DMA,
        pltpu.VMEM_SHARED((N_PAD, HIDDEN), _F32),
    ],
)
def _segment_sum_sc(ei_hbm, pad_hbm, x_hbm, cidx_hbm, accg_hbm, xg_hbm,
                    ei_v, soff_v, doff_v, rows_v, ca_v, cx_v,
                    sem0, sem1, sem2, sem3, ssem0, ssem1, ssem2, ssem3,
                    esem0, esem1, acc_sh):
    c = lax.axis_index("c")
    s = lax.axis_index("s")
    w = c * NS + s
    sems = (sem0, sem1, sem2, sem3)
    ssems = (ssem0, ssem1, ssem2, ssem3)
    esems = (esem0, esem1)

    @pl.loop(0, SLOT)
    def _zrow(i):
        @pl.loop(0, HIDDEN // 16)
        def _zlane(k):
            rows_v.at[0, i, pl.ds(k * 16, 16)][...] = jnp.zeros((16,), _F32)

    @pl.loop(0, ROWS_PT // SLOT)
    def _zcopy(k):
        pltpu.async_copy(rows_v.at[0],
                         acc_sh.at[pl.ds(s * ROWS_PT + k * SLOT, SLOT)], sem0)

    @pl.loop(0, ROWS_PT // SLOT)
    def _zdrain(k):
        pltpu.make_async_copy(
            rows_v.at[0], acc_sh.at[pl.ds(s * ROWS_PT + k * SLOT, SLOT)],
            sem0).wait()

    def _stage(cc, q):
        is_pad = (w == NW - 1) & (cc >= RCHUNK)

        @pl.when(is_pad)
        def _():
            pltpu.async_copy(pad_hbm.at[cc - RCHUNK], ei_v.at[q], esems[q])

        @pl.when(~is_pad)
        def _():
            pltpu.async_copy(
                ei_hbm.at[:, pl.ds(w * EPW + cc * 2 * SLOT, 2 * SLOT)],
                ei_v.at[q], esems[q])

    def _wait_stage(q):
        pltpu.make_async_copy(pad_hbm.at[0], ei_v.at[q], esems[q]).wait()

    def _unpack(t, b, q):
        h = (t % 2) * SLOT
        for k in range(SLOT // 16):
            soff_v.at[b, pl.ds(k * 16, 16)][...] = (
                ei_v[q, 0, pl.ds(h + k * 16, 16)])
            doff_v.at[b, pl.ds(k * 16, 16)][...] = (
                ei_v[q, 1, pl.ds(h + k * 16, 16)])

    def _gather(b):
        pltpu.async_copy(x_hbm.at[soff_v.at[b]], rows_v.at[b], sems[b])

    plsc.subcore_barrier()

    _stage(0, 0)
    _stage(1, 1)
    _wait_stage(0)
    for b in range(NBUF):
        if b == 2:
            _wait_stage(1)
        _unpack(b, b, b // 2)
        _gather(b)
    _stage(2, 0)
    _stage(3, 1)

    @pl.loop(0, NSLOT // NBUF)
    def _body(j):
        for b in range(NBUF):
            t = j * NBUF + b
            pltpu.make_async_copy(x_hbm.at[soff_v.at[b]], rows_v.at[b],
                                  sems[b]).wait()
            pltpu.sync_copy(rows_v.at[b], acc_sh.at[doff_v.at[b]], add=True)

            @pl.when(t + NBUF < NSLOT)
            def _refill():
                if b in (0, 2):
                    _wait_stage(b // 2)
                _unpack(t + NBUF, b, b // 2)
                _gather(b)
                if b in (1, 3):
                    cc = 2 * j + 4 + b // 2

                    @pl.when(cc < NCHUNK)
                    def _():
                        _stage(cc, b // 2)

    plsc.subcore_barrier()

    pltpu.sync_copy(cidx_hbm.at[pl.ds(s * 2 * GPW, 2 * GPW)], ca_v)
    pltpu.sync_copy(acc_sh.at[ca_v.at[pl.ds(0, GPW)]], rows_v.at[0])
    pltpu.sync_copy(rows_v.at[0], accg_hbm.at[c, pl.ds(s * 2 * GPW, GPW)])
    pltpu.sync_copy(acc_sh.at[ca_v.at[pl.ds(GPW, GPW)]], rows_v.at[1])
    pltpu.sync_copy(rows_v.at[1],
                    accg_hbm.at[c, pl.ds(s * 2 * GPW + GPW, GPW)])

    pltpu.sync_copy(cidx_hbm.at[pl.ds(w * GPW, GPW)], cx_v)
    pltpu.sync_copy(x_hbm.at[cx_v], rows_v.at[2])
    pltpu.sync_copy(rows_v.at[2], xg_hbm.at[pl.ds(w * GPW, GPW)])


def _head_body(ag, xg, jt, jtb, wg, ws, q, w1, b1, w2, b2, il, al):
    u = ag[0, 0] + ag[1, 0]
    v = jnp.maximum(
        jnp.dot(u, wg[...], preferred_element_type=_F32)
        + jnp.dot(xg[0], ws[...], preferred_element_type=_F32), 0.0)
    ilv = jnp.sum(v * q[0], axis=-1)
    hid = jnp.maximum(
        jnp.dot(v, w1[0], preferred_element_type=_F32) + b1[0], 0.0)
    out = jnp.dot(hid, w2[0], preferred_element_type=_F32) + b2[0]
    mask = jt[0] >= 0
    il[...] = jnp.where(mask, ilv.reshape(1, BATCH * PENDING),
                        -1e9).reshape(1, 1, BATCH * PENDING)
    alm = jnp.where(jtb[0] >= 0, out, -1e9)
    al[...] = alm.reshape(BATCH, 1, PENDING, ACTION)


def kernel(x, edge_index, conn_idx, job_types, W_gnn, W_self, q_ptr, W1, b1, W2, b2):
    padi = jnp.arange(NPCHUNK * 2 * SLOT, dtype=jnp.int32)
    pad_tiles = jnp.stack(
        [(padi % 8192).reshape(NPCHUNK, 2 * SLOT),
         (N_NODES + padi % (N_PAD - N_NODES)).reshape(NPCHUNK, 2 * SLOT)],
        axis=1)

    cidx = jnp.transpose(conn_idx, (1, 0, 2)).reshape(BAP)
    accg, xg = _segment_sum_sc(edge_index, pad_tiles, x, cidx)

    bp = BATCH * PENDING
    ag4 = accg.reshape(NC, AGENTS, bp, HIDDEN)
    xg3 = xg.reshape(AGENTS, bp, HIDDEN)
    jt3 = jnp.transpose(job_types, (1, 0, 2)).reshape(AGENTS, 1, bp)
    jtb = jnp.broadcast_to(
        jnp.transpose(job_types, (1, 0, 2)).reshape(AGENTS, bp, 1),
        (AGENTS, bp, ACTION))
    q3 = q_ptr.reshape(AGENTS, 1, HIDDEN)
    b13 = b1.reshape(AGENTS, 1, HIDDEN)
    b23 = b2.reshape(AGENTS, 1, ACTION)

    il_t, alloc = pl.pallas_call(
        _head_body,
        grid=(AGENTS,),
        in_specs=[
            pl.BlockSpec((NC, 1, bp, HIDDEN), lambda a: (0, a, 0, 0)),
            pl.BlockSpec((1, bp, HIDDEN), lambda a: (a, 0, 0)),
            pl.BlockSpec((1, 1, bp), lambda a: (a, 0, 0)),
            pl.BlockSpec((1, bp, ACTION), lambda a: (a, 0, 0)),
            pl.BlockSpec((HIDDEN, HIDDEN), lambda a: (0, 0)),
            pl.BlockSpec((HIDDEN, HIDDEN), lambda a: (0, 0)),
            pl.BlockSpec((1, 1, HIDDEN), lambda a: (a, 0, 0)),
            pl.BlockSpec((1, HIDDEN, HIDDEN), lambda a: (a, 0, 0)),
            pl.BlockSpec((1, 1, HIDDEN), lambda a: (a, 0, 0)),
            pl.BlockSpec((1, HIDDEN, ACTION), lambda a: (a, 0, 0)),
            pl.BlockSpec((1, 1, ACTION), lambda a: (a, 0, 0)),
        ],
        out_specs=[
            pl.BlockSpec((1, 1, bp), lambda a: (a, 0, 0)),
            pl.BlockSpec((BATCH, 1, PENDING, ACTION), lambda a: (0, a, 0, 0)),
        ],
        out_shape=[
            jax.ShapeDtypeStruct((AGENTS, 1, bp), _F32),
            jax.ShapeDtypeStruct((BATCH, AGENTS, PENDING, ACTION), _F32),
        ],
    )(ag4, xg3, jt3, jtb, W_gnn, W_self, q3, W1, b13, W2, b23)

    index_logits = jnp.transpose(il_t.reshape(AGENTS, BATCH, PENDING), (1, 0, 2))
    return index_logits, alloc

# --- scband reference (transcript-rebuilt; emitter-appended) ---
"""Pipeline reference for scband-actors-73237782332040 (READ-ONLY COPY).

The authoritative reference and input builder live on the scoring server;
editing this copy changes nothing except your own understanding.
"""

import jax, jax.numpy as jnp
import numpy as np

N_NODES = 10000
N_EDGES = 320000
HIDDEN = 128
AGENTS = 4
PENDING = 8
ACTION = 64
BATCH = 64


def setup_inputs(seed: int = 0) -> dict:
    key = jax.random.key(seed)
    ks = jax.random.split(key, 12)
    x = jax.random.normal(ks[0], (N_NODES, HIDDEN), dtype=jnp.float32)
    edge_index = jax.random.randint(ks[1], (2, N_EDGES), 0, N_NODES, dtype=jnp.int32)
    conn_idx = jax.random.randint(ks[2], (BATCH, AGENTS, PENDING), 0, N_NODES, dtype=jnp.int32)
    job_types = jax.random.randint(ks[3], (BATCH, AGENTS, PENDING), 0, 10, dtype=jnp.int32)
    W_gnn = jax.random.normal(ks[4], (HIDDEN, HIDDEN), dtype=jnp.float32) * (1.0 / np.sqrt(HIDDEN))
    W_self = jax.random.normal(ks[5], (HIDDEN, HIDDEN), dtype=jnp.float32) * (1.0 / np.sqrt(HIDDEN))
    q_ptr = jax.random.normal(ks[6], (AGENTS, HIDDEN), dtype=jnp.float32) * (1.0 / np.sqrt(HIDDEN))
    W1 = jax.random.normal(ks[7], (AGENTS, HIDDEN, HIDDEN), dtype=jnp.float32) * (1.0 / np.sqrt(HIDDEN))
    b1 = jnp.zeros((AGENTS, HIDDEN), dtype=jnp.float32)
    W2 = jax.random.normal(ks[8], (AGENTS, HIDDEN, ACTION), dtype=jnp.float32) * (1.0 / np.sqrt(HIDDEN))
    b2 = jnp.zeros((AGENTS, ACTION), dtype=jnp.float32)
    return {"x": x, "edge_index": edge_index, "conn_idx": conn_idx, "job_types": job_types,
            "W_gnn": W_gnn, "W_self": W_self, "q_ptr": q_ptr,
            "W1": W1, "b1": b1, "W2": W2, "b2": b2}


def reference(x, edge_index, conn_idx, job_types, W_gnn, W_self, q_ptr, W1, b1, W2, b2):
    # --- GNN preprocess (message passing): gather over src, scatter-add to dst ---
    src = edge_index[0]
    dst = edge_index[1]
    msg = jnp.take(x, src, axis=0) @ W_gnn                      # [E, d] gather + matmul
    agg = jax.ops.segment_sum(msg, dst, num_segments=N_NODES)   # [N, d] scatter-add
    h = jax.nn.relu(agg + x @ W_self)                           # [N, d]
    # --- gather per-batch, per-agent, per-pending-job node embeddings ---
    logits = jnp.take(h, conn_idx, axis=0)                      # [B, A, P, d]
    # --- pointer (attention) over pending jobs per agent ---
    skip_mask = job_types >= 0                                  # valid jobs
    index_logits = jnp.einsum('bapd,ad->bap', logits, q_ptr)    # [B, A, P]
    index_logits = jnp.where(skip_mask, index_logits, -1e9)
    # --- 'last' MLP head per agent: Linear -> ReLU -> Linear ---
    hid = jax.nn.relu(jnp.einsum('bapd,ade->bape', logits, W1) + b1[None, :, None, :])
    alloc = jnp.einsum('bape,aeo->bapo', hid, W2) + b2[None, :, None, :]   # [B, A, P, ACTION]
    alloc = jnp.where(skip_mask[..., None], alloc, -1e9)
    return index_logits, alloc

if __name__ == "__main__":
    import jax
    _d = setup_inputs()
    print(jax.jit(kernel)(*tuple(_d.values())))

</pallas_src>

<mosaic_0001>
#map = affine_map<(d0, d1) -> (0, 0)>
#map1 = affine_map<(d0, d1) -> (0, 0, 0)>
#map2 = affine_map<(d0, d1) -> (0)>
module attributes {stable_mosaic.version = 14 : i64} {
  func.func @_segment_sum_sc(%arg0: i32, %arg1: i32, %arg2: memref<2x320000xi32, #tpu.memory_space<hbm>>, %arg3: memref<60x2x128xi32, #tpu.memory_space<hbm>>, %arg4: memref<10000x128xf32, #tpu.memory_space<hbm>>, %arg5: memref<2048xi32, #tpu.memory_space<hbm>>, %arg6: memref<2x2048x128xf32, #tpu.memory_space<hbm>>, %arg7: memref<2048x128xf32, #tpu.memory_space<hbm>>, %arg8: memref<2x2x128xi32, #tpu.memory_space<vmem>>, %arg9: memref<4x64xi32, #tpu.memory_space<vmem>>, %arg10: memref<4x64xi32, #tpu.memory_space<vmem>>, %arg11: memref<4x64x128xf32, #tpu.memory_space<vmem>>, %arg12: memref<128xi32, #tpu.memory_space<vmem>>, %arg13: memref<64xi32, #tpu.memory_space<vmem>>, %arg14: memref<!tpu.dma_semaphore, #tpu.memory_space<semaphore_mem>>, %arg15: memref<!tpu.dma_semaphore, #tpu.memory_space<semaphore_mem>>, %arg16: memref<!tpu.dma_semaphore, #tpu.memory_space<semaphore_mem>>, %arg17: memref<!tpu.dma_semaphore, #tpu.memory_space<semaphore_mem>>, %arg18: memref<!tpu.dma_semaphore, #tpu.memory_space<semaphore_mem>>, %arg19: memref<!tpu.dma_semaphore, #tpu.memory_space<semaphore_mem>>, %arg20: memref<!tpu.dma_semaphore, #tpu.memory_space<semaphore_mem>>, %arg21: memref<!tpu.dma_semaphore, #tpu.memory_space<semaphore_mem>>, %arg22: memref<!tpu.dma_semaphore, #tpu.memory_space<semaphore_mem>>, %arg23: memref<!tpu.dma_semaphore, #tpu.memory_space<semaphore_mem>>, %arg24: memref<10240x128xf32, #tpu.memory_space<vmem_shared>>) attributes {dimension_semantics = [#tpu.dimension_semantics<core_parallel>, #tpu.dimension_semantics<subcore_parallel>], iteration_bounds = array<i64: 2, 16>, scalar_prefetch = 0 : i64, scratch_operands = 17 : i64, tpu.core_type = #tpu.core_type<sc_vector_subcore>, window_params = [{transform_indices = #map}, {transform_indices = #map1}, {transform_indices = #map}, {transform_indices = #map2}, {transform_indices = #map1}, {transform_indices = #map}]} {
    %mul3A = arith.constant 16 : i32
    %mul3A_0 = arith.muli %arg0, %mul3A : i32
    %add3A = arith.addi %mul3A_0, %arg1 : i32
    %scan3A = arith.constant 0 : i32
    %scan3A_1 = arith.constant 64 : i32
    %scan3A_2 = arith.addi %scan3A, %scan3A_1 : i32
    %scan3A_3 = arith.constant 1 : i32
    scf.for %scan3A_583 = %scan3A to %scan3A_2 step %scan3A_3  : i32 {
      %mul3A_584 = arith.constant 1 : i32
      %mul3A_585 = arith.muli %scan3A_583, %mul3A_584 : i32
      %add3A_586 = arith.constant 0 : i32
      %add3A_587 = arith.addi %add3A_586, %mul3A_585 : i32
      %scan3A_588 = arith.constant 0 : i32
      %scan3A_589 = arith.constant 8 : i32
      %scan3A_590 = arith.addi %scan3A_588, %scan3A_589 : i32
      %scan3A_591 = arith.constant 1 : i32
      scf.for %scan3A_593 = %scan3A_588 to %scan3A_590 step %scan3A_591  : i32 {
        %mul3A_594 = arith.constant 1 : i32
        %mul3A_595 = arith.muli %scan3A_593, %mul3A_594 : i32
        %add3A_596 = arith.constant 0 : i32
        %add3A_597 = arith.addi %add3A_596, %mul3A_595 : i32
        %broadcast_in_dim3A = arith.constant 0.000000e+00 : f32
        %broadcast_in_dim3A_598 = vector.broadcast %broadcast_in_dim3A : f32 to vector<16xf32>
        %mul3A_599 = arith.constant 16 : i32
        %mul3A_600 = arith.muli %add3A_597, %mul3A_599 : i32
        %swap3A_601 = arith.constant 0 : i32
        %swap3A_602 = arith.index_cast %swap3A_601 : i32 to index
        %swap3A_603 = arith.index_cast %add3A_587 : i32 to index
        %swap3A_604 = arith.index_cast %mul3A_600 : i32 to index
        %swap3A_605 = tpu.vector_load %arg11[%swap3A_602, %swap3A_603, %swap3A_604] {strides = array<i32>} : memref<4x64x128xf32, #tpu.memory_space<vmem>>, vector<1x1x16xf32>,
        %swap3A_606 = vector.shape_cast %swap3A_605 : vector<1x1x16xf32> to vector<16xf32>
        %swap3A_607 = vector.shape_cast %broadcast_in_dim3A_598 : vector<16xf32> to vector<1x1x16xf32>
        tpu.vector_store %arg11[%swap3A_602, %swap3A_603, %swap3A_604], %swap3A_607 {strides = array<i32>} : memref<4x64x128xf32, #tpu.memory_space<vmem>>, vector<1x1x16xf32>,
      }
      %scan3A_592 = arith.constant 8 : i32
    }
    %scan3A_4 = arith.constant 64 : i32
    %scan3A_5 = arith.constant 0 : i32
    %scan3A_6 = arith.constant 10 : i32
    %scan3A_7 = arith.addi %scan3A_5, %scan3A_6 : i32
    %scan3A_8 = arith.constant 1 : i32
    scf.for %scan3A_583 = %scan3A_5 to %scan3A_7 step %scan3A_8  : i32 {
      %mul3A_584 = arith.constant 1 : i32
      %mul3A_585 = arith.muli %scan3A_583, %mul3A_584 : i32
      %add3A_586 = arith.constant 0 : i32
      %add3A_587 = arith.addi %add3A_586, %mul3A_585 : i32
      %mul3A_588 = arith.constant 640 : i32
      %mul3A_589 = arith.muli %arg1, %mul3A_588 : i32
      %mul3A_590 = arith.constant 64 : i32
      %mul3A_591 = arith.muli %add3A_587, %mul3A_590 : i32
      %add3A_592 = arith.addi %mul3A_589, %mul3A_591 : i32
      %dma_start3A_593 = arith.constant 0 : i32
      %dma_start3A_594 = arith.constant 0 : i32
      %dma_start3A_595 = arith.constant 0 : i32
      %dma_start3A_596 = tpu.memref_slice %arg11[%dma_start3A_593, %dma_start3A_594, %dma_start3A_595] : memref<4x64x128xf32, #tpu.memory_space<vmem>> -> memref<1x64x128xf32, #tpu.memory_space<vmem>>
      %dma_start3A_597 = tpu.memref_squeeze %dma_start3A_596 : memref<1x64x128xf32, #tpu.memory_space<vmem>> -> memref<64x128xf32, #tpu.memory_space<vmem>>
      %dma_start3A_598 = arith.constant 0 : i32
      %dma_start3A_599 = tpu.memref_slice %arg24[%add3A_592, %dma_start3A_598] : memref<10240x128xf32, #tpu.memory_space<vmem_shared>> -> memref<64x128xf32, #tpu.memory_space<vmem_shared>>
      %dma_start3A_600 = arith.constant 0 : i32
      %dma_start3A_601 = tpu.memref_slice %arg24[%add3A_592, %dma_start3A_600] : memref<10240x128xf32, #tpu.memory_space<vmem_shared>> -> memref<64x128xf32, #tpu.memory_space<vmem_shared>>
      %dma_start3A_602 = arith.constant 0 : i32
      %dma_start3A_603 = arith.constant 0 : i32
      %dma_start3A_604 = tpu.memref_slice %arg11[%dma_start3A_593, %dma_start3A_602, %dma_start3A_603] : memref<4x64x128xf32, #tpu.memory_space<vmem>> -> memref<1x64x128xf32, #tpu.memory_space<vmem>>
      %dma_start3A_605 = tpu.memref_squeeze %dma_start3A_604 : memref<1x64x128xf32, #tpu.memory_space<vmem>> -> memref<64x128xf32, #tpu.memory_space<vmem>>
      tpu.enqueue_dma source(%dma_start3A_605 : memref<64x128xf32, #tpu.memory_space<vmem>>) target(%dma_start3A_601 : memref<64x128xf32, #tpu.memory_space<vmem_shared>>) target_semaphore(%arg14 : memref<!tpu.dma_semaphore, #tpu.memory_space<semaphore_mem>>)
    }
    %scan3A_9 = arith.constant 10 : i32
    %scan3A_10 = arith.constant 0 : i32
    %scan3A_11 = arith.constant 10 : i32
    %scan3A_12 = arith.addi %scan3A_10, %scan3A_11 : i32
    %scan3A_13 = arith.constant 1 : i32
    scf.for %scan3A_583 = %scan3A_10 to %scan3A_12 step %scan3A_13  : i32 {
      %mul3A_584 = arith.constant 1 : i32
      %mul3A_585 = arith.muli %scan3A_583, %mul3A_584 : i32
      %add3A_586 = arith.constant 0 : i32
      %add3A_587 = arith.addi %add3A_586, %mul3A_585 : i32
      %mul3A_588 = arith.constant 640 : i32
      %mul3A_589 = arith.muli %arg1, %mul3A_588 : i32
      %mul3A_590 = arith.constant 64 : i32
      %mul3A_591 = arith.muli %add3A_587, %mul3A_590 : i32
      %add3A_592 = arith.addi %mul3A_589, %mul3A_591 : i32
      %dma_wait3A_593 = arith.constant 0 : i32
      %dma_wait3A_594 = arith.constant 0 : i32
      %dma_wait3A_595 = arith.constant 0 : i32
      %dma_wait3A_596 = tpu.memref_slice %arg11[%dma_wait3A_593, %dma_wait3A_594, %dma_wait3A_595] : memref<4x64x128xf32, #tpu.memory_space<vmem>> -> memref<1x64x128xf32, #tpu.memory_space<vmem>>
      %dma_wait3A_597 = tpu.memref_squeeze %dma_wait3A_596 : memref<1x64x128xf32, #tpu.memory_space<vmem>> -> memref<64x128xf32, #tpu.memory_space<vmem>>
      %dma_wait3A_598 = arith.constant 0 : i32
      %dma_wait3A_599 = tpu.memref_slice %arg24[%add3A_592, %dma_wait3A_598] : memref<10240x128xf32, #tpu.memory_space<vmem_shared>> -> memref<64x128xf32, #tpu.memory_space<vmem_shared>>
      %dma_wait3A_600 = arith.constant 0 : i32
      %dma_wait3A_601 = tpu.memref_slice %arg24[%add3A_592, %dma_wait3A_600] : memref<10240x128xf32, #tpu.memory_space<vmem_shared>> -> memref<64x128xf32, #tpu.memory_space<vmem_shared>>
      %dma_wait3A_602 = arith.constant 0 : i32
      %dma_wait3A_603 = arith.constant 0 : i32
      %dma_wait3A_604 = tpu.memref_slice %arg11[%dma_wait3A_593, %dma_wait3A_602, %dma_wait3A_603] : memref<4x64x128xf32, #tpu.memory_space<vmem>> -> memref<1x64x128xf32, #tpu.memory_space<vmem>>
      %dma_wait3A_605 = tpu.memref_squeeze %dma_wait3A_604 : memref<1x64x128xf32, #tpu.memory_space<vmem>> -> memref<64x128xf32, #tpu.memory_space<vmem>>
      tpu.wait_dma2 semaphore(%arg14 : memref<!tpu.dma_semaphore, #tpu.memory_space<semaphore_mem>>) src(%dma_wait3A_605 : memref<64x128xf32, #tpu.memory_space<vmem>>) dst(%dma_wait3A_601 : memref<64x128xf32, #tpu.memory_space<vmem_shared>>)
    }
    %scan3A_14 = arith.constant 10 : i32
    %barrier3A = arith.constant 0 : index
    tpu.barrier barrier_id(%barrier3A)
    %eq3A = arith.constant 31 : i32
    %eq3A_15 = arith.cmpi eq, %add3A, %eq3A : i32
    %and3A = arith.constant false
    %and3A_16 = arith.andi %eq3A_15, %and3A : i1
    %convert_element_type3A = arith.extui %and3A_16 : i1 to i32
    %cond3A = arith.constant 0 : i32
    %cond3A_17 = arith.cmpi ne, %convert_element_type3A, %cond3A : i32
    scf.if %cond3A_17 {
      %dma_start3A_583 = arith.constant -20 : i32
      %dma_start3A_584 = arith.constant 0 : i32
      %dma_start3A_585 = arith.constant 0 : i32
      %dma_start3A_586 = arith.constant 0 : i32
      %dma_start3A_587 = tpu.memref_slice %arg8[%dma_start3A_584, %dma_start3A_585, %dma_start3A_586] : memref<2x2x128xi32, #tpu.memory_space<vmem>> -> memref<1x2x128xi32, #tpu.memory_space<vmem>>
      %dma_start3A_588 = tpu.memref_squeeze %dma_start3A_587 : memref<1x2x128xi32, #tpu.memory_space<vmem>> -> memref<2x128xi32, #tpu.memory_space<vmem>>
      %dma_start3A_589 = arith.constant 0 : i32
      %dma_start3A_590 = arith.constant 0 : i32
      %dma_start3A_591 = tpu.memref_slice %arg3[%dma_start3A_583, %dma_start3A_589, %dma_start3A_590] : memref<60x2x128xi32, #tpu.memory_space<hbm>> -> memref<1x2x128xi32, #tpu.memory_space<hbm>>
      %dma_start3A_592 = tpu.memref_squeeze %dma_start3A_591 : memref<1x2x128xi32, #tpu.memory_space<hbm>> -> memref<2x128xi32, #tpu.memory_space<hbm>>
      %dma_start3A_593 = arith.constant 0 : i32
      %dma_start3A_594 = arith.constant 0 : i32
      %dma_start3A_595 = tpu.memref_slice %arg8[%dma_start3A_584, %dma_start3A_593, %dma_start3A_594] : memref<2x2x128xi32, #tpu.memory_space<vmem>> -> memref<1x2x128xi32, #tpu.memory_space<vmem>>
      %dma_start3A_596 = tpu.memref_squeeze %dma_start3A_595 : memref<1x2x128xi32, #tpu.memory_space<vmem>> -> memref<2x128xi32, #tpu.memory_space<vmem>>
      %dma_start3A_597 = arith.constant 0 : i32
      %dma_start3A_598 = arith.constant 0 : i32
      %dma_start3A_599 = tpu.memref_slice %arg3[%dma_start3A_583, %dma_start3A_597, %dma_start3A_598] : memref<60x2x128xi32, #tpu.memory_space<hbm>> -> memref<1x2x128xi32, #tpu.memory_space<hbm>>
      %dma_start3A_600 = tpu.memref_squeeze %dma_start3A_599 : memref<1x2x128xi32, #tpu.memory_space<hbm>> -> memref<2x128xi32, #tpu.memory_space<hbm>>
      tpu.enqueue_dma source(%dma_start3A_600 : memref<2x128xi32, #tpu.memory_space<hbm>>) target(%dma_start3A_596 : memref<2x128xi32, #tpu.memory_space<vmem>>) target_semaphore(%arg22 : memref<!tpu.dma_semaphore, #tpu.memory_space<semaphore_mem>>)
    } else {
    }
    %not3A = arith.constant true
    %not3A_18 = arith.xori %and3A_16, %not3A : i1
    %convert_element_type3A_19 = arith.extui %not3A_18 : i1 to i32
    %cond3A_20 = arith.constant 0 : i32
    %cond3A_21 = arith.cmpi ne, %convert_element_type3A_19, %cond3A_20 : i32
    scf.if %cond3A_21 {
      %mul3A_583 = arith.constant 10240 : i32
      %mul3A_584 = arith.muli %add3A, %mul3A_583 : i32
      %add3A_585 = arith.constant 0 : i32
      %add3A_586 = arith.addi %mul3A_584, %add3A_585 : i32
      %dma_start3A_587 = arith.constant 0 : i32
      %dma_start3A_588 = arith.constant 0 : i32
      %dma_start3A_589 = arith.constant 0 : i32
      %dma_start3A_590 = tpu.memref_slice %arg8[%dma_start3A_587, %dma_start3A_588, %dma_start3A_589] : memref<2x2x128xi32, #tpu.memory_space<vmem>> -> memref<1x2x128xi32, #tpu.memory_space<vmem>>
      %dma_start3A_591 = tpu.memref_squeeze %dma_start3A_590 : memref<1x2x128xi32, #tpu.memory_space<vmem>> -> memref<2x128xi32, #tpu.memory_space<vmem>>
      %dma_start3A_592 = arith.constant 0 : i32
      %dma_start3A_593 = tpu.memref_slice %arg2[%dma_start3A_592, %add3A_586] : memref<2x320000xi32, #tpu.memory_space<hbm>> -> memref<2x128xi32, #tpu.memory_space<hbm>>
      %dma_start3A_594 = arith.constant 0 : i32
      %dma_start3A_595 = arith.constant 0 : i32
      %dma_start3A_596 = tpu.memref_slice %arg8[%dma_start3A_587, %dma_start3A_594, %dma_start3A_595] : memref<2x2x128xi32, #tpu.memory_space<vmem>> -> memref<1x2x128xi32, #tpu.memory_space<vmem>>
      %dma_start3A_597 = tpu.memref_squeeze %dma_start3A_596 : memref<1x2x128xi32, #tpu.memory_space<vmem>> -> memref<2x128xi32, #tpu.memory_space<vmem>>
      %dma_start3A_598 = arith.constant 0 : i32
      %dma_start3A_599 = tpu.memref_slice %arg2[%dma_start3A_598, %add3A_586] : memref<2x320000xi32, #tpu.memory_space<hbm>> -> memref<2x128xi32, #tpu.memory_space<hbm>>
      tpu.enqueue_dma source(%dma_start3A_599 : memref<2x128xi32, #tpu.memory_space<hbm>>) target(%dma_start3A_597 : memref<2x128xi32, #tpu.memory_space<vmem>>) target_semaphore(%arg22 : memref<!tpu.dma_semaphore, #tpu.memory_space<semaphore_mem>>)
    } else {
    }
    %eq3A_22 = arith.constant 31 : i32
    %eq3A_23 = arith.cmpi eq, %add3A, %eq3A_22 : i32
    %and3A_24 = arith.constant false
    %and3A_25 = arith.andi %eq3A_23, %and3A_24 : i1
    %convert_element_type3A_26 = arith.extui %and3A_25 : i1 to i32
    %cond3A_27 = arith.constant 0 : i32
    %cond3A_28 = arith.cmpi ne, %convert_element_type3A_26, %cond3A_27 : i32
    scf.if %cond3A_28 {
      %dma_start3A_583 = arith.constant -19 : i32
      %dma_start3A_584 = arith.constant 1 : i32
      %dma_start3A_585 = arith.constant 0 : i32
      %dma_start3A_586 = arith.constant 0 : i32
      %dma_start3A_587 = tpu.memref_slice %arg8[%dma_start3A_584, %dma_start3A_585, %dma_start3A_586] : memref<2x2x128xi32, #tpu.memory_space<vmem>> -> memref<1x2x128xi32, #tpu.memory_space<vmem>>
      %dma_start3A_588 = tpu.memref_squeeze %dma_start3A_587 : memref<1x2x128xi32, #tpu.memory_space<vmem>> -> memref<2x128xi32, #tpu.memory_space<vmem>>
      %dma_start3A_589 = arith.constant 0 : i32
      %dma_start3A_590 = arith.constant 0 : i32
      %dma_start3A_591 = tpu.memref_slice %arg3[%dma_start3A_583, %dma_start3A_589, %dma_start3A_590] : memref<60x2x128xi32, #tpu.memory_space<hbm>> -> memref<1x2x128xi32, #tpu.memory_space<hbm>>
      %dma_start3A_592 = tpu.memref_squeeze %dma_start3A_591 : memref<1x2x128xi32, #tpu.memory_space<hbm>> -> memref<2x128xi32, #tpu.memory_space<hbm>>
      %dma_start3A_593 = arith.constant 0 : i32
      %dma_start3A_594 = arith.constant 0 : i32
      %dma_start3A_595 = tpu.memref_slice %arg8[%dma_start3A_584, %dma_start3A_593, %dma_start3A_594] : memref<2x2x128xi32, #tpu.memory_space<vmem>> -> memref<1x2x128xi32, #tpu.memory_space<vmem>>
      %dma_start3A_596 = tpu.memref_squeeze %dma_start3A_595 : memref<1x2x128xi32, #tpu.memory_space<vmem>> -> memref<2x128xi32, #tpu.memory_space<vmem>>
      %dma_start3A_597 = arith.constant 0 : i32
      %dma_start3A_598 = arith.constant 0 : i32
      %dma_start3A_599 = tpu.memref_slice %arg3[%dma_start3A_583, %dma_start3A_597, %dma_start3A_598] : memref<60x2x128xi32, #tpu.memory_space<hbm>> -> memref<1x2x128xi32, #tpu.memory_space<hbm>>
      %dma_start3A_600 = tpu.memref_squeeze %dma_start3A_599 : memref<1x2x128xi32, #tpu.memory_space<hbm>> -> memref<2x128xi32, #tpu.memory_space<hbm>>
      tpu.enqueue_dma source(%dma_start3A_600 : memref<2x128xi32, #tpu.memory_space<hbm>>) target(%dma_start3A_596 : memref<2x128xi32, #tpu.memory_space<vmem>>) target_semaphore(%arg23 : memref<!tpu.dma_semaphore, #tpu.memory_space<semaphore_mem>>)
    } else {
    }
    %not3A_29 = arith.constant true
    %not3A_30 = arith.xori %and3A_25, %not3A_29 : i1
    %convert_element_type3A_31 = arith.extui %not3A_30 : i1 to i32
    %cond3A_32 = arith.constant 0 : i32
    %cond3A_33 = arith.cmpi ne, %convert_element_type3A_31, %cond3A_32 : i32
    scf.if %cond3A_33 {
      %mul3A_583 = arith.constant 10240 : i32
      %mul3A_584 = arith.muli %add3A, %mul3A_583 : i32
      %add3A_585 = arith.constant 128 : i32
      %add3A_586 = arith.addi %mul3A_584, %add3A_585 : i32
      %dma_start3A_587 = arith.constant 1 : i32
      %dma_start3A_588 = arith.constant 0 : i32
      %dma_start3A_589 = arith.constant 0 : i32
      %dma_start3A_590 = tpu.memref_slice %arg8[%dma_start3A_587, %dma_start3A_588, %dma_start3A_589] : memref<2x2x128xi32, #tpu.memory_space<vmem>> -> memref<1x2x128xi32, #tpu.memory_space<vmem>>
      %dma_start3A_591 = tpu.memref_squeeze %dma_start3A_590 : memref<1x2x128xi32, #tpu.memory_space<vmem>> -> memref<2x128xi32, #tpu.memory_space<vmem>>
      %dma_start3A_592 = arith.constant 0 : i32
      %dma_start3A_593 = tpu.memref_slice %arg2[%dma_start3A_592, %add3A_586] : memref<2x320000xi32, #tpu.memory_space<hbm>> -> memref<2x128xi32, #tpu.memory_space<hbm>>
      %dma_start3A_594 = arith.constant 0 : i32
      %dma_start3A_595 = arith.constant 0 : i32
      %dma_start3A_596 = tpu.memref_slice %arg8[%dma_start3A_587, %dma_start3A_594, %dma_start3A_595] : memref<2x2x128xi32, #tpu.memory_space<vmem>> -> memref<1x2x128xi32, #tpu.memory_space<vmem>>
      %dma_start3A_597 = tpu.memref_squeeze %dma_start3A_596 : memref<1x2x128xi32, #tpu.memory_space<vmem>> -> memref<2x128xi32, #tpu.memory_space<vmem>>
      %dma_start3A_598 = arith.constant 0 : i32
      %dma_start3A_599 = tpu.memref_slice %arg2[%dma_start3A_598, %add3A_586] : memref<2x320000xi32, #tpu.memory_space<hbm>> -> memref<2x128xi32, #tpu.memory_space<hbm>>
      tpu.enqueue_dma source(%dma_start3A_599 : memref<2x128xi32, #tpu.memory_space<hbm>>) target(%dma_start3A_597 : memref<2x128xi32, #tpu.memory_space<vmem>>) target_semaphore(%arg23 : memref<!tpu.dma_semaphore, #tpu.memory_space<semaphore_mem>>)
    } else {
    }
    %dma_wait3A = arith.constant 0 : i32
    %dma_wait3A_34 = arith.constant 0 : i32
    %dma_wait3A_35 = arith.constant 0 : i32
    %dma_wait3A_36 = arith.constant 0 : i32
    %dma_wait3A_37 = tpu.memref_slice %arg8[%dma_wait3A_34, %dma_wait3A_35, %dma_wait3A_36] : memref<2x2x128xi32, #tpu.memory_space<vmem>> -> memref<1x2x128xi32, #tpu.memory_space<vmem>>
    %dma_wait3A_38 = tpu.memref_squeeze %dma_wait3A_37 : memref<1x2x128xi32, #tpu.memory_space<vmem>> -> memref<2x128xi32, #tpu.memory_space<vmem>>
    %dma_wait3A_39 = arith.constant 0 : i32
    %dma_wait3A_40 = arith.constant 0 : i32
    %dma_wait3A_41 = tpu.memref_slice %arg3[%dma_wait3A, %dma_wait3A_39, %dma_wait3A_40] : memref<60x2x128xi32, #tpu.memory_space<hbm>> -> memref<1x2x128xi32, #tpu.memory_space<hbm>>
    %dma_wait3A_42 = tpu.memref_squeeze %dma_wait3A_41 : memref<1x2x128xi32, #tpu.memory_space<hbm>> -> memref<2x128xi32, #tpu.memory_space<hbm>>
    %dma_wait3A_43 = arith.constant 0 : i32
    %dma_wait3A_44 = arith.constant 0 : i32
    %dma_wait3A_45 = tpu.memref_slice %arg8[%dma_wait3A_34, %dma_wait3A_43, %dma_wait3A_44] : memref<2x2x128xi32, #tpu.memory_space<vmem>> -> memref<1x2x128xi32, #tpu.memory_space<vmem>>
    %dma_wait3A_46 = tpu.memref_squeeze %dma_wait3A_45 : memref<1x2x128xi32, #tpu.memory_space<vmem>> -> memref<2x128xi32, #tpu.memory_space<vmem>>
    %dma_wait3A_47 = arith.constant 0 : i32
    %dma_wait3A_48 = arith.constant 0 : i32
    %dma_wait3A_49 = tpu.memref_slice %arg3[%dma_wait3A, %dma_wait3A_47, %dma_wait3A_48] : memref<60x2x128xi32, #tpu.memory_space<hbm>> -> memref<1x2x128xi32, #tpu.memory_space<hbm>>
    %dma_wait3A_50 = tpu.memref_squeeze %dma_wait3A_49 : memref<1x2x128xi32, #tpu.memory_space<hbm>> -> memref<2x128xi32, #tpu.memory_space<hbm>>
    tpu.wait_dma2 semaphore(%arg22 : memref<!tpu.dma_semaphore, #tpu.memory_space<semaphore_mem>>) src(%dma_wait3A_50 : memref<2x128xi32, #tpu.memory_space<hbm>>) dst(%dma_wait3A_46 : memref<2x128xi32, #tpu.memory_space<vmem>>)
    %get3A = arith.constant 0 : i32
    %get3A_51 = arith.constant 0 : i32
    %get3A_52 = arith.index_cast %get3A : i32 to index
    %get3A_53 = arith.index_cast %get3A_51 : i32 to index
    %get3A_54 = arith.constant 0 : index
    %get3A_55 = tpu.vector_load %arg8[%get3A_52, %get3A_53, %get3A_54] {strides = array<i32>} : memref<2x2x128xi32, #tpu.memory_space<vmem>>, vector<1x1x16xi32>,
    %get3A_56 = vector.shape_cast %get3A_55 : vector<1x1x16xi32> to vector<16xi32>
    %swap3A = arith.constant 0 : i32
    %swap3A_57 = arith.index_cast %swap3A : i32 to index
    %swap3A_58 = arith.constant 0 : index
    %swap3A_59 = tpu.vector_load %arg9[%swap3A_57, %swap3A_58] {strides = array<i32>} : memref<4x64xi32, #tpu.memory_space<vmem>>, vector<1x16xi32>,
    %swap3A_60 = vector.shape_cast %swap3A_59 : vector<1x16xi32> to vector<16xi32>
    %swap3A_61 = vector.shape_cast %get3A_56 : vector<16xi32> to vector<1x16xi32>
    tpu.vector_store %arg9[%swap3A_57, %swap3A_58], %swap3A_61 {strides = array<i32>} : memref<4x64xi32, #tpu.memory_space<vmem>>, vector<1x16xi32>,
    %get3A_62 = arith.constant 0 : i32
    %get3A_63 = arith.constant 1 : i32
    %get3A_64 = arith.index_cast %get3A_62 : i32 to index
    %get3A_65 = arith.index_cast %get3A_63 : i32 to index
    %get3A_66 = arith.constant 0 : index
    %get3A_67 = tpu.vector_load %arg8[%get3A_64, %get3A_65, %get3A_66] {strides = array<i32>} : memref<2x2x128xi32, #tpu.memory_space<vmem>>, vector<1x1x16xi32>,
    %get3A_68 = vector.shape_cast %get3A_67 : vector<1x1x16xi32> to vector<16xi32>
    %swap3A_69 = arith.constant 0 : i32
    %swap3A_70 = arith.index_cast %swap3A_69 : i32 to index
    %swap3A_71 = arith.constant 0 : index
    %swap3A_72 = tpu.vector_load %arg10[%swap3A_70, %swap3A_71] {strides = array<i32>} : memref<4x64xi32, #tpu.memory_space<vmem>>, vector<1x16xi32>,
    %swap3A_73 = vector.shape_cast %swap3A_72 : vector<1x16xi32> to vector<16xi32>
    %swap3A_74 = vector.shape_cast %get3A_68 : vector<16xi32> to vector<1x16xi32>
    tpu.vector_store %arg10[%swap3A_70, %swap3A_71], %swap3A_74 {strides = array<i32>} : memref<4x64xi32, #tpu.memory_space<vmem>>, vector<1x16xi32>,
    %get3A_75 = arith.constant 0 : i32
    %get3A_76 = arith.constant 0 : i32
    %get3A_77 = arith.index_cast %get3A_75 : i32 to index
    %get3A_78 = arith.index_cast %get3A_76 : i32 to index
    %get3A_79 = arith.constant 16 : index
    %get3A_80 = tpu.vector_load %arg8[%get3A_77, %get3A_78, %get3A_79] {strides = array<i32>} : memref<2x2x128xi32, #tpu.memory_space<vmem>>, vector<1x1x16xi32>,
    %get3A_81 = vector.shape_cast %get3A_80 : vector<1x1x16xi32> to vector<16xi32>
    %swap3A_82 = arith.constant 0 : i32
    %swap3A_83 = arith.index_cast %swap3A_82 : i32 to index
    %swap3A_84 = arith.constant 16 : index
    %swap3A_85 = tpu.vector_load %arg9[%swap3A_83, %swap3A_84] {strides = array<i32>} : memref<4x64xi32, #tpu.memory_space<vmem>>, vector<1x16xi32>,
    %swap3A_86 = vector.shape_cast %swap3A_85 : vector<1x16xi32> to vector<16xi32>
    %swap3A_87 = vector.shape_cast %get3A_81 : vector<16xi32> to vector<1x16xi32>
    tpu.vector_store %arg9[%swap3A_83, %swap3A_84], %swap3A_87 {strides = array<i32>} : memref<4x64xi32, #tpu.memory_space<vmem>>, vector<1x16xi32>,
    %get3A_88 = arith.constant 0 : i32
    %get3A_89 = arith.constant 1 : i32
    %get3A_90 = arith.index_cast %get3A_88 : i32 to index
    %get3A_91 = arith.index_cast %get3A_89 : i32 to index
    %get3A_92 = arith.constant 16 : index
    %get3A_93 = tpu.vector_load %arg8[%get3A_90, %get3A_91, %get3A_92] {strides = array<i32>} : memref<2x2x128xi32, #tpu.memory_space<vmem>>, vector<1x1x16xi32>,
    %get3A_94 = vector.shape_cast %get3A_93 : vector<1x1x16xi32> to vector<16xi32>
    %swap3A_95 = arith.constant 0 : i32
    %swap3A_96 = arith.index_cast %swap3A_95 : i32 to index
    %swap3A_97 = arith.constant 16 : index
    %swap3A_98 = tpu.vector_load %arg10[%swap3A_96, %swap3A_97] {strides = array<i32>} : memref<4x64xi32, #tpu.memory_space<vmem>>, vector<1x16xi32>,
    %swap3A_99 = vector.shape_cast %swap3A_98 : vector<1x16xi32> to vector<16xi32>
    %swap3A_100 = vector.shape_cast %get3A_94 : vector<16xi32> to vector<1x16xi32>
    tpu.vector_store %arg10[%swap3A_96, %swap3A_97], %swap3A_100 {strides = array<i32>} : memref<4x64xi32, #tpu.memory_space<vmem>>, vector<1x16xi32>,
    %get3A_101 = arith.constant 0 : i32
    %get3A_102 = arith.constant 0 : i32
    %get3A_103 = arith.index_cast %get3A_101 : i32 to index
    %get3A_104 = arith.index_cast %get3A_102 : i32 to index
    %get3A_105 = arith.constant 32 : index
    %get3A_106 = tpu.vector_load %arg8[%get3A_103, %get3A_104, %get3A_105] {strides = array<i32>} : memref<2x2x128xi32, #tpu.memory_space<vmem>>, vector<1x1x16xi32>,
    %get3A_107 = vector.shape_cast %get3A_106 : vector<1x1x16xi32> to vector<16xi32>
    %swap3A_108 = arith.constant 0 : i32
    %swap3A_109 = arith.index_cast %swap3A_108 : i32 to index
    %swap3A_110 = arith.constant 32 : index
    %swap3A_111 = tpu.vector_load %arg9[%swap3A_109, %swap3A_110] {strides = array<i32>} : memref<4x64xi32, #tpu.memory_space<vmem>>, vector<1x16xi32>,
    %swap3A_112 = vector.shape_cast %swap3A_111 : vector<1x16xi32> to vector<16xi32>
    %swap3A_113 = vector.shape_cast %get3A_107 : vector<16xi32> to vector<1x16xi32>
    tpu.vector_store %arg9[%swap3A_109, %swap3A_110], %swap3A_113 {strides = array<i32>} : memref<4x64xi32, #tpu.memory_space<vmem>>, vector<1x16xi32>,
    %get3A_114 = arith.constant 0 : i32
    %get3A_115 = arith.constant 1 : i32
    %get3A_116 = arith.index_cast %get3A_114 : i32 to index
    %get3A_117 = arith.index_cast %get3A_115 : i32 to index
    %get3A_118 = arith.constant 32 : index
    %get3A_119 = tpu.vector_load %arg8[%get3A_116, %get3A_117, %get3A_118] {strides = array<i32>} : memref<2x2x128xi32, #tpu.memory_space<vmem>>, vector<1x1x16xi32>,
    %get3A_120 = vector.shape_cast %get3A_119 : vector<1x1x16xi32> to vector<16xi32>
    %swap3A_121 = arith.constant 0 : i32
    %swap3A_122 = arith.index_cast %swap3A_121 : i32 to index
    %swap3A_123 = arith.constant 32 : index
    %swap3A_124 = tpu.vector_load %arg10[%swap3A_122, %swap3A_123] {strides = array<i32>} : memref<4x64xi32, #tpu.memory_space<vmem>>, vector<1x16xi32>,
    %swap3A_125 = vector.shape_cast %swap3A_124 : vector<1x16xi32> to vector<16xi32>
    %swap3A_126 = vector.shape_cast %get3A_120 : vector<16xi32> to vector<1x16xi32>
    tpu.vector_store %arg10[%swap3A_122, %swap3A_123], %swap3A_126 {strides = array<i32>} : memref<4x64xi32, #tpu.memory_space<vmem>>, vector<1x16xi32>,
    %get3A_127 = arith.constant 0 : i32
    %get3A_128 = arith.constant 0 : i32
    %get3A_129 = arith.index_cast %get3A_127 : i32 to index
    %get3A_130 = arith.index_cast %get3A_128 : i32 to index
    %get3A_131 = arith.constant 48 : index
    %get3A_132 = tpu.vector_load %arg8[%get3A_129, %get3A_130, %get3A_131] {strides = array<i32>} : memref<2x2x128xi32, #tpu.memory_space<vmem>>, vector<1x1x16xi32>,
    %get3A_133 = vector.shape_cast %get3A_132 : vector<1x1x16xi32> to vector<16xi32>
    %swap3A_134 = arith.constant 0 : i32
    %swap3A_135 = arith.index_cast %swap3A_134 : i32 to index
    %swap3A_136 = arith.constant 48 : index
    %swap3A_137 = tpu.vector_load %arg9[%swap3A_135, %swap3A_136] {strides = array<i32>} : memref<4x64xi32, #tpu.memory_space<vmem>>, vector<1x16xi32>,
    %swap3A_138 = vector.shape_cast %swap3A_137 : vector<1x16xi32> to vector<16xi32>
    %swap3A_139 = vector.shape_cast %get3A_133 : vector<16xi32> to vector<1x16xi32>
    tpu.vector_store %arg9[%swap3A_135, %swap3A_136], %swap3A_139 {strides = array<i32>} : memref<4x64xi32, #tpu.memory_space<vmem>>, vector<1x16xi32>,
    %get3A_140 = arith.constant 0 : i32
    %get3A_141 = arith.constant 1 : i32
    %get3A_142 = arith.index_cast %get3A_140 : i32 to index
    %get3A_143 = arith.index_cast %get3A_141 : i32 to index
    %get3A_144 = arith.constant 48 : index
    %get3A_145 = tpu.vector_load %arg8[%get3A_142, %get3A_143, %get3A_144] {strides = array<i32>} : memref<2x2x128xi32, #tpu.memory_space<vmem>>, vector<1x1x16xi32>,
    %get3A_146 = vector.shape_cast %get3A_145 : vector<1x1x16xi32> to vector<16xi32>
    %swap3A_147 = arith.constant 0 : i32
    %swap3A_148 = arith.index_cast %swap3A_147 : i32 to index
    %swap3A_149 = arith.constant 48 : index
    %swap3A_150 = tpu.vector_load %arg10[%swap3A_148, %swap3A_149] {strides = array<i32>} : memref<4x64xi32, #tpu.memory_space<vmem>>, vector<1x16xi32>,
    %swap3A_151 = vector.shape_cast %swap3A_150 : vector<1x16xi32> to vector<16xi32>
    %swap3A_152 = vector.shape_cast %get3A_146 : vector<16xi32> to vector<1x16xi32>
    tpu.vector_store %arg10[%swap3A_148, %swap3A_149], %swap3A_152 {strides = array<i32>} : memref<4x64xi32, #tpu.memory_space<vmem>>, vector<1x16xi32>,
    %dma_start3A = arith.constant 0 : i32
    %dma_start3A_153 = arith.constant 0 : i32
    %dma_start3A_154 = arith.constant 0 : i32
    %dma_start3A_155 = arith.constant 0 : i32
    %dma_start3A_156 = tpu.memref_slice %arg11[%dma_start3A_153, %dma_start3A_154, %dma_start3A_155] : memref<4x64x128xf32, #tpu.memory_space<vmem>> -> memref<1x64x128xf32, #tpu.memory_space<vmem>>
    %dma_start3A_157 = tpu.memref_squeeze %dma_start3A_156 : memref<1x64x128xf32, #tpu.memory_space<vmem>> -> memref<64x128xf32, #tpu.memory_space<vmem>>
    %dma_start3A_158 = arith.constant 0 : i32
    %dma_start3A_159 = tpu.memref_slice %arg9[%dma_start3A, %dma_start3A_158] : memref<4x64xi32, #tpu.memory_space<vmem>> -> memref<1x64xi32, #tpu.memory_space<vmem>>
    %dma_start3A_160 = tpu.memref_squeeze %dma_start3A_159 : memref<1x64xi32, #tpu.memory_space<vmem>> -> memref<64xi32, #tpu.memory_space<vmem>>
    %dma_start3A_161 = arith.constant 0 : i32
    %dma_start3A_162 = arith.constant 0 : i32
    %dma_start3A_163 = tpu.memref_slice %arg4[%dma_start3A_161, %dma_start3A_162] : memref<10000x128xf32, #tpu.memory_space<hbm>> -> memref<10000x128xf32, #tpu.memory_space<hbm>>
    tpu.enqueue_indirect_dma source(%dma_start3A_163 : memref<10000x128xf32, #tpu.memory_space<hbm>>) target(%dma_start3A_157 : memref<64x128xf32, #tpu.memory_space<vmem>>) offsets(%dma_start3A_160 : memref<64xi32, #tpu.memory_space<vmem>>) semaphore(%arg14 : memref<!tpu.dma_semaphore, #tpu.memory_space<semaphore_mem>>)
    %get3A_164 = arith.constant 0 : i32
    %get3A_165 = arith.constant 0 : i32
    %get3A_166 = arith.index_cast %get3A_164 : i32 to index
    %get3A_167 = arith.index_cast %get3A_165 : i32 to index
    %get3A_168 = arith.constant 64 : index
    %get3A_169 = tpu.vector_load %arg8[%get3A_166, %get3A_167, %get3A_168] {strides = array<i32>} : memref<2x2x128xi32, #tpu.memory_space<vmem>>, vector<1x1x16xi32>,
    %get3A_170 = vector.shape_cast %get3A_169 : vector<1x1x16xi32> to vector<16xi32>
    %swap3A_171 = arith.constant 1 : i32
    %swap3A_172 = arith.index_cast %swap3A_171 : i32 to index
    %swap3A_173 = arith.constant 0 : index
    %swap3A_174 = tpu.vector_load %arg9[%swap3A_172, %swap3A_173] {strides = array<i32>} : memref<4x64xi32, #tpu.memory_space<vmem>>, vector<1x16xi32>,
    %swap3A_175 = vector.shape_cast %swap3A_174 : vector<1x16xi32> to vector<16xi32>
    %swap3A_176 = vector.shape_cast %get3A_170 : vector<16xi32> to vector<1x16xi32>
    tpu.vector_store %arg9[%swap3A_172, %swap3A_173], %swap3A_176 {strides = array<i32>} : memref<4x64xi32, #tpu.memory_space<vmem>>, vector<1x16xi32>,
    %get3A_177 = arith.constant 0 : i32
    %get3A_178 = arith.constant 1 : i32
    %get3A_179 = arith.index_cast %get3A_177 : i32 to index
    %get3A_180 = arith.index_cast %get3A_178 : i32 to index
    %get3A_181 = arith.constant 64 : index
    %get3A_182 = tpu.vector_load %arg8[%get3A_179, %get3A_180, %get3A_181] {strides = array<i32>} : memref<2x2x128xi32, #tpu.memory_space<vmem>>, vector<1x1x16xi32>,
    %get3A_183 = vector.shape_cast %get3A_182 : vector<1x1x16xi32> to vector<16xi32>
    %swap3A_184 = arith.constant 1 : i32
    %swap3A_185 = arith.index_cast %swap3A_184 : i32 to index
    %swap3A_186 = arith.constant 0 : index
    %swap3A_187 = tpu.vector_load %arg10[%swap3A_185, %swap3A_186] {strides = array<i32>} : memref<4x64xi32, #tpu.memory_space<vmem>>, vector<1x16xi32>,
    %swap3A_188 = vector.shape_cast %swap3A_187 : vector<1x16xi32> to vector<16xi32>
    %swap3A_189 = vector.shape_cast %get3A_183 : vector<16xi32> to vector<1x16xi32>
    tpu.vector_store %arg10[%swap3A_185, %swap3A_186], %swap3A_189 {strides = array<i32>} : memref<4x64xi32, #tpu.memory_space<vmem>>, vector<1x16xi32>,
    %get3A_190 = arith.constant 0 : i32
    %get3A_191 = arith.constant 0 : i32
    %get3A_192 = arith.index_cast %get3A_190 : i32 to index
    %get3A_193 = arith.index_cast %get3A_191 : i32 to index
    %get3A_194 = arith.constant 80 : index
    %get3A_195 = tpu.vector_load %arg8[%get3A_192, %get3A_193, %get3A_194] {strides = array<i32>} : memref<2x2x128xi32, #tpu.memory_space<vmem>>, vector<1x1x16xi32>,
    %get3A_196 = vector.shape_cast %get3A_195 : vector<1x1x16xi32> to vector<16xi32>
    %swap3A_197 = arith.constant 1 : i32
    %swap3A_198 = arith.index_cast %swap3A_197 : i32 to index
    %swap3A_199 = arith.constant 16 : index
    %swap3A_200 = tpu.vector_load %arg9[%swap3A_198, %swap3A_199] {strides = array<i32>} : memref<4x64xi32, #tpu.memory_space<vmem>>, vector<1x16xi32>,
    %swap3A_201 = vector.shape_cast %swap3A_200 : vector<1x16xi32> to vector<16xi32>
    %swap3A_202 = vector.shape_cast %get3A_196 : vector<16xi32> to vector<1x16xi32>
    tpu.vector_store %arg9[%swap3A_198, %swap3A_199], %swap3A_202 {strides = array<i32>} : memref<4x64xi32, #tpu.memory_space<vmem>>, vector<1x16xi32>,
    %get3A_203 = arith.constant 0 : i32
    %get3A_204 = arith.constant 1 : i32
    %get3A_205 = arith.index_cast %get3A_203 : i32 to index
    %get3A_206 = arith.index_cast %get3A_204 : i32 to index
    %get3A_207 = arith.constant 80 : index
    %get3A_208 = tpu.vector_load %arg8[%get3A_205, %get3A_206, %get3A_207] {strides = array<i32>} : memref<2x2x128xi32, #tpu.memory_space<vmem>>, vector<1x1x16xi32>,
    %get3A_209 = vector.shape_cast %get3A_208 : vector<1x1x16xi32> to vector<16xi32>
    %swap3A_210 = arith.constant 1 : i32
    %swap3A_211 = arith.index_cast %swap3A_210 : i32 to index
    %swap3A_212 = arith.constant 16 : index
    %swap3A_213 = tpu.vector_load %arg10[%swap3A_211, %swap3A_212] {strides = array<i32>} : memref<4x64xi32, #tpu.memory_space<vmem>>, vector<1x16xi32>,
    %swap3A_214 = vector.shape_cast %swap3A_213 : vector<1x16xi32> to vector<16xi32>
    %swap3A_215 = vector.shape_cast %get3A_209 : vector<16xi32> to vector<1x16xi32>
    tpu.vector_store %arg10[%swap3A_211, %swap3A_212], %swap3A_215 {strides = array<i32>} : memref<4x64xi32, #tpu.memory_space<vmem>>, vector<1x16xi32>,
    %get3A_216 = arith.constant 0 : i32
    %get3A_217 = arith.constant 0 : i32
    %get3A_218 = arith.index_cast %get3A_216 : i32 to index
    %get3A_219 = arith.index_cast %get3A_217 : i32 to index
    %get3A_220 = arith.constant 96 : index
    %get3A_221 = tpu.vector_load %arg8[%get3A_218, %get3A_219, %get3A_220] {strides = array<i32>} : memref<2x2x128xi32, #tpu.memory_space<vmem>>, vector<1x1x16xi32>,
    %get3A_222 = vector.shape_cast %get3A_221 : vector<1x1x16xi32> to vector<16xi32>
    %swap3A_223 = arith.constant 1 : i32
    %swap3A_224 = arith.index_cast %swap3A_223 : i32 to index
    %swap3A_225 = arith.constant 32 : index
    %swap3A_226 = tpu.vector_load %arg9[%swap3A_224, %swap3A_225] {strides = array<i32>} : memref<4x64xi32, #tpu.memory_space<vmem>>, vector<1x16xi32>,
    %swap3A_227 = vector.shape_cast %swap3A_226 : vector<1x16xi32> to vector<16xi32>
    %swap3A_228 = vector.shape_cast %get3A_222 : vector<16xi32> to vector<1x16xi32>
    tpu.vector_store %arg9[%swap3A_224, %swap3A_225], %swap3A_228 {strides = array<i32>} : memref<4x64xi32, #tpu.memory_space<vmem>>, vector<1x16xi32>,
    %get3A_229 = arith.constant 0 : i32
    %get3A_230 = arith.constant 1 : i32
    %get3A_231 = arith.index_cast %get3A_229 : i32 to index
    %get3A_232 = arith.index_cast %get3A_230 : i32 to index
    %get3A_233 = arith.constant 96 : index
    %get3A_234 = tpu.vector_load %arg8[%get3A_231, %get3A_232, %get3A_233] {strides = array<i32>} : memref<2x2x128xi32, #tpu.memory_space<vmem>>, vector<1x1x16xi32>,
    %get3A_235 = vector.shape_cast %get3A_234 : vector<1x1x16xi32> to vector<16xi32>
    %swap3A_236 = arith.constant 1 : i32
    %swap3A_237 = arith.index_cast %swap3A_236 : i32 to index
    %swap3A_238 = arith.constant 32 : index
    %swap3A_239 = tpu.vector_load %arg10[%swap3A_237, %swap3A_238] {strides = array<i32>} : memref<4x64xi32, #tpu.memory_space<vmem>>, vector<1x16xi32>,
    %swap3A_240 = vector.shape_cast %swap3A_239 : vector<1x16xi32> to vector<16xi32>
    %swap3A_241 = vector.shape_cast %get3A_235 : vector<16xi32> to vector<1x16xi32>
    tpu.vector_store %arg10[%swap3A_237, %swap3A_238], %swap3A_241 {strides = array<i32>} : memref<4x64xi32, #tpu.memory_space<vmem>>, vector<1x16xi32>,
    %get3A_242 = arith.constant 0 : i32
    %get3A_243 = arith.constant 0 : i32
    %get3A_244 = arith.index_cast %get3A_242 : i32 to index
    %get3A_245 = arith.index_cast %get3A_243 : i32 to index
    %get3A_246 = arith.constant 112 : index
    %get3A_247 = tpu.vector_load %arg8[%get3A_244, %get3A_245, %get3A_246] {strides = array<i32>} : memref<2x2x128xi32, #tpu.memory_space<vmem>>, vector<1x1x16xi32>,
    %get3A_248 = vector.shape_cast %get3A_247 : vector<1x1x16xi32> to vector<16xi32>
    %swap3A_249 = arith.constant 1 : i32
    %swap3A_250 = arith.index_cast %swap3A_249 : i32 to index
    %swap3A_251 = arith.constant 48 : index
    %swap3A_252 = tpu.vector_load %arg9[%swap3A_250, %swap3A_251] {strides = array<i32>} : memref<4x64xi32, #tpu.memory_space<vmem>>, vector<1x16xi32>,
    %swap3A_253 = vector.shape_cast %swap3A_252 : vector<1x16xi32> to vector<16xi32>
    %swap3A_254 = vector.shape_cast %get3A_248 : vector<16xi32> to vector<1x16xi32>
    tpu.vector_store %arg9[%swap3A_250, %swap3A_251], %swap3A_254 {strides = array<i32>} : memref<4x64xi32, #tpu.memory_space<vmem>>, vector<1x16xi32>,
    %get3A_255 = arith.constant 0 : i32
    %get3A_256 = arith.constant 1 : i32
    %get3A_257 = arith.index_cast %get3A_255 : i32 to index
    %get3A_258 = arith.index_cast %get3A_256 : i32 to index
    %get3A_259 = arith.constant 112 : index
    %get3A_260 = tpu.vector_load %arg8[%get3A_257, %get3A_258, %get3A_259] {strides = array<i32>} : memref<2x2x128xi32, #tpu.memory_space<vmem>>, vector<1x1x16xi32>,
    %get3A_261 = vector.shape_cast %get3A_260 : vector<1x1x16xi32> to vector<16xi32>
    %swap3A_262 = arith.constant 1 : i32
    %swap3A_263 = arith.index_cast %swap3A_262 : i32 to index
    %swap3A_264 = arith.constant 48 : index
    %swap3A_265 = tpu.vector_load %arg10[%swap3A_263, %swap3A_264] {strides = array<i32>} : memref<4x64xi32, #tpu.memory_space<vmem>>, vector<1x16xi32>,
    %swap3A_266 = vector.shape_cast %swap3A_265 : vector<1x16xi32> to vector<16xi32>
    %swap3A_267 = vector.shape_cast %get3A_261 : vector<16xi32> to vector<1x16xi32>
    tpu.vector_store %arg10[%swap3A_263, %swap3A_264], %swap3A_267 {strides = array<i32>} : memref<4x64xi32, #tpu.memory_space<vmem>>, vector<1x16xi32>,
    %dma_start3A_268 = arith.constant 1 : i32
    %dma_start3A_269 = arith.constant 1 : i32
    %dma_start3A_270 = arith.constant 0 : i32
    %dma_start3A_271 = arith.constant 0 : i32
    %dma_start3A_272 = tpu.memref_slice %arg11[%dma_start3A_269, %dma_start3A_270, %dma_start3A_271] : memref<4x64x128xf32, #tpu.memory_space<vmem>> -> memref<1x64x128xf32, #tpu.memory_space<vmem>>
    %dma_start3A_273 = tpu.memref_squeeze %dma_start3A_272 : memref<1x64x128xf32, #tpu.memory_space<vmem>> -> memref<64x128xf32, #tpu.memory_space<vmem>>
    %dma_start3A_274 = arith.constant 0 : i32
    %dma_start3A_275 = tpu.memref_slice %arg9[%dma_start3A_268, %dma_start3A_274] : memref<4x64xi32, #tpu.memory_space<vmem>> -> memref<1x64xi32, #tpu.memory_space<vmem>>
    %dma_start3A_276 = tpu.memref_squeeze %dma_start3A_275 : memref<1x64xi32, #tpu.memory_space<vmem>> -> memref<64xi32, #tpu.memory_space<vmem>>
    %dma_start3A_277 = arith.constant 0 : i32
    %dma_start3A_278 = arith.constant 0 : i32
    %dma_start3A_279 = tpu.memref_slice %arg4[%dma_start3A_277, %dma_start3A_278] : memref<10000x128xf32, #tpu.memory_space<hbm>> -> memref<10000x128xf32, #tpu.memory_space<hbm>>
    tpu.enqueue_indirect_dma source(%dma_start3A_279 : memref<10000x128xf32, #tpu.memory_space<hbm>>) target(%dma_start3A_273 : memref<64x128xf32, #tpu.memory_space<vmem>>) offsets(%dma_start3A_276 : memref<64xi32, #tpu.memory_space<vmem>>) semaphore(%arg15 : memref<!tpu.dma_semaphore, #tpu.memory_space<semaphore_mem>>)
    %dma_wait3A_280 = arith.constant 0 : i32
    %dma_wait3A_281 = arith.constant 1 : i32
    %dma_wait3A_282 = arith.constant 0 : i32
    %dma_wait3A_283 = arith.constant 0 : i32
    %dma_wait3A_284 = tpu.memref_slice %arg8[%dma_wait3A_281, %dma_wait3A_282, %dma_wait3A_283] : memref<2x2x128xi32, #tpu.memory_space<vmem>> -> memref<1x2x128xi32, #tpu.memory_space<vmem>>
    %dma_wait3A_285 = tpu.memref_squeeze %dma_wait3A_284 : memref<1x2x128xi32, #tpu.memory_space<vmem>> -> memref<2x128xi32, #tpu.memory_space<vmem>>
    %dma_wait3A_286 = arith.constant 0 : i32
    %dma_wait3A_287 = arith.constant 0 : i32
    %dma_wait3A_288 = tpu.memref_slice %arg3[%dma_wait3A_280, %dma_wait3A_286, %dma_wait3A_287] : memref<60x2x128xi32, #tpu.memory_space<hbm>> -> memref<1x2x128xi32, #tpu.memory_space<hbm>>
    %dma_wait3A_289 = tpu.memref_squeeze %dma_wait3A_288 : memref<1x2x128xi32, #tpu.memory_space<hbm>> -> memref<2x128xi32, #tpu.memory_space<hbm>>
    %dma_wait3A_290 = arith.constant 0 : i32
    %dma_wait3A_291 = arith.constant 0 : i32
    %dma_wait3A_292 = tpu.memref_slice %arg8[%dma_wait3A_281, %dma_wait3A_290, %dma_wait3A_291] : memref<2x2x128xi32, #tpu.memory_space<vmem>> -> memref<1x2x128xi32, #tpu.memory_space<vmem>>
    %dma_wait3A_293 = tpu.memref_squeeze %dma_wait3A_292 : memref<1x2x128xi32, #tpu.memory_space<vmem>> -> memref<2x128xi32, #tpu.memory_space<vmem>>
    %dma_wait3A_294 = arith.constant 0 : i32
    %dma_wait3A_295 = arith.constant 0 : i32
    %dma_wait3A_296 = tpu.memref_slice %arg3[%dma_wait3A_280, %dma_wait3A_294, %dma_wait3A_295] : memref<60x2x128xi32, #tpu.memory_space<hbm>> -> memref<1x2x128xi32, #tpu.memory_space<hbm>>
    %dma_wait3A_297 = tpu.memref_squeeze %dma_wait3A_296 : memref<1x2x128xi32, #tpu.memory_space<hbm>> -> memref<2x128xi32, #tpu.memory_space<hbm>>
    tpu.wait_dma2 semaphore(%arg23 : memref<!tpu.dma_semaphore, #tpu.memory_space<semaphore_mem>>) src(%dma_wait3A_297 : memref<2x128xi32, #tpu.memory_space<hbm>>) dst(%dma_wait3A_293 : memref<2x128xi32, #tpu.memory_space<vmem>>)
    %get3A_298 = arith.constant 1 : i32
    %get3A_299 = arith.constant 0 : i32
    %get3A_300 = arith.index_cast %get3A_298 : i32 to index
    %get3A_301 = arith.index_cast %get3A_299 : i32 to index
    %get3A_302 = arith.constant 0 : index
    %get3A_303 = tpu.vector_load %arg8[%get3A_300, %get3A_301, %get3A_302] {strides = array<i32>} : memref<2x2x128xi32, #tpu.memory_space<vmem>>, vector<1x1x16xi32>,
    %get3A_304 = vector.shape_cast %get3A_303 : vector<1x1x16xi32> to vector<16xi32>
    %swap3A_305 = arith.constant 2 : i32
    %swap3A_306 = arith.index_cast %swap3A_305 : i32 to index
    %swap3A_307 = arith.constant 0 : index
    %swap3A_308 = tpu.vector_load %arg9[%swap3A_306, %swap3A_307] {strides = array<i32>} : memref<4x64xi32, #tpu.memory_space<vmem>>, vector<1x16xi32>,
    %swap3A_309 = vector.shape_cast %swap3A_308 : vector<1x16xi32> to vector<16xi32>
    %swap3A_310 = vector.shape_cast %get3A_304 : vector<16xi32> to vector<1x16xi32>
    tpu.vector_store %arg9[%swap3A_306, %swap3A_307], %swap3A_310 {strides = array<i32>} : memref<4x64xi32, #tpu.memory_space<vmem>>, vector<1x16xi32>,
    %get3A_311 = arith.constant 1 : i32
    %get3A_312 = arith.constant 1 : i32
    %get3A_313 = arith.index_cast %get3A_311 : i32 to index
    %get3A_314 = arith.index_cast %get3A_312 : i32 to index
    %get3A_315 = arith.constant 0 : index
    %get3A_316 = tpu.vector_load %arg8[%get3A_313, %get3A_314, %get3A_315] {strides = array<i32>} : memref<2x2x128xi32, #tpu.memory_space<vmem>>, vector<1x1x16xi32>,
    %get3A_317 = vector.shape_cast %get3A_316 : vector<1x1x16xi32> to vector<16xi32>
    %swap3A_318 = arith.constant 2 : i32
    %swap3A_319 = arith.index_cast %swap3A_318 : i32 to index
    %swap3A_320 = arith.constant 0 : index
    %swap3A_321 = tpu.vector_load %arg10[%swap3A_319, %swap3A_320] {strides = array<i32>} : memref<4x64xi32, #tpu.memory_space<vmem>>, vector<1x16xi32>,
    %swap3A_322 = vector.shape_cast %swap3A_321 : vector<1x16xi32> to vector<16xi32>
    %swap3A_323 = vector.shape_cast %get3A_317 : vector<16xi32> to vector<1x16xi32>
    tpu.vector_store %arg10[%swap3A_319, %swap3A_320], %swap3A_323 {strides = array<i32>} : memref<4x64xi32, #tpu.memory_space<vmem>>, vector<1x16xi32>,
    %get3A_324 = arith.constant 1 : i32
    %get3A_325 = arith.constant 0 : i32
    %get3A_326 = arith.index_cast %get3A_324 : i32 to index
    %get3A_327 = arith.index_cast %get3A_325 : i32 to index
    %get3A_328 = arith.constant 16 : index
    %get3A_329 = tpu.vector_load %arg8[%get3A_326, %get3A_327, %get3A_328] {strides = array<i32>} : memref<2x2x128xi32, #tpu.memory_space<vmem>>, vector<1x1x16xi32>,
    %get3A_330 = vector.shape_cast %get3A_329 : vector<1x1x16xi32> to vector<16xi32>
    %swap3A_331 = arith.constant 2 : i32
    %swap3A_332 = arith.index_cast %swap3A_331 : i32 to index
    %swap3A_333 = arith.constant 16 : index
    %swap3A_334 = tpu.vector_load %arg9[%swap3A_332, %swap3A_333] {strides = array<i32>} : memref<4x64xi32, #tpu.memory_space<vmem>>, vector<1x16xi32>,
    %swap3A_335 = vector.shape_cast %swap3A_334 : vector<1x16xi32> to vector<16xi32>
    %swap3A_336 = vector.shape_cast %get3A_330 : vector<16xi32> to vector<1x16xi32>
    tpu.vector_store %arg9[%swap3A_332, %swap3A_333], %swap3A_336 {strides = array<i32>} : memref<4x64xi32, #tpu.memory_space<vmem>>, vector<1x16xi32>,
    %get3A_337 = arith.constant 1 : i32
    %get3A_338 = arith.constant 1 : i32
    %get3A_339 = arith.index_cast %get3A_337 : i32 to index
    %get3A_340 = arith.index_cast %get3A_338 : i32 to index
    %get3A_341 = arith.constant 16 : index
    %get3A_342 = tpu.vector_load %arg8[%get3A_339, %get3A_340, %get3A_341] {strides = array<i32>} : memref<2x2x128xi32, #tpu.memory_space<vmem>>, vector<1x1x16xi32>,
    %get3A_343 = vector.shape_cast %get3A_342 : vector<1x1x16xi32> to vector<16xi32>
    %swap3A_344 = arith.constant 2 : i32
    %swap3A_345 = arith.index_cast %swap3A_344 : i32 to index
    %swap3A_346 = arith.constant 16 : index
    %swap3A_347 = tpu.vector_load %arg10[%swap3A_345, %swap3A_346] {strides = array<i32>} : memref<4x64xi32, #tpu.memory_space<vmem>>, vector<1x16xi32>,
    %swap3A_348 = vector.shape_cast %swap3A_347 : vector<1x16xi32> to vector<16xi32>
    %swap3A_349 = vector.shape_cast %get3A_343 : vector<16xi32> to vector<1x16xi32>
    tpu.vector_store %arg10[%swap3A_345, %swap3A_346], %swap3A_349 {strides = array<i32>} : memref<4x64xi32, #tpu.memory_space<vmem>>, vector<1x16xi32>,
    %get3A_350 = arith.constant 1 : i32
    %get3A_351 = arith.constant 0 : i32
    %get3A_352 = arith.index_cast %get3A_350 : i32 to index
    %get3A_353 = arith.index_cast %get3A_351 : i32 to index
    %get3A_354 = arith.constant 32 : index
    %get3A_355 = tpu.vector_load %arg8[%get3A_352, %get3A_353, %get3A_354] {strides = array<i32>} : memref<2x2x128xi32, #tpu.memory_space<vmem>>, vector<1x1x16xi32>,
    %get3A_356 = vector.shape_cast %get3A_355 : vector<1x1x16xi32> to vector<16xi32>
    %swap3A_357 = arith.constant 2 : i32
    %swap3A_358 = arith.index_cast %swap3A_357 : i32 to index
    %swap3A_359 = arith.constant 32 : index
    %swap3A_360 = tpu.vector_load %arg9[%swap3A_358, %swap3A_359] {strides = array<i32>} : memref<4x64xi32, #tpu.memory_space<vmem>>, vector<1x16xi32>,
    %swap3A_361 = vector.shape_cast %swap3A_360 : vector<1x16xi32> to vector<16xi32>
    %swap3A_362 = vector.shape_cast %get3A_356 : vector<16xi32> to vector<1x16xi32>
    tpu.vector_store %arg9[%swap3A_358, %swap3A_359], %swap3A_362 {strides = array<i32>} : memref<4x64xi32, #tpu.memory_space<vmem>>, vector<1x16xi32>,
    %get3A_363 = arith.constant 1 : i32
    %get3A_364 = arith.constant 1 : i32
    %get3A_365 = arith.index_cast %get3A_363 : i32 to index
    %get3A_366 = arith.index_cast %get3A_364 : i32 to index
    %get3A_367 = arith.constant 32 : index
    %get3A_368 = tpu.vector_load %arg8[%get3A_365, %get3A_366, %get3A_367] {strides = array<i32>} : memref<2x2x128xi32, #tpu.memory_space<vmem>>, vector<1x1x16xi32>,
    %get3A_369 = vector.shape_cast %get3A_368 : vector<1x1x16xi32> to vector<16xi32>
    %swap3A_370 = arith.constant 2 : i32
    %swap3A_371 = arith.index_cast %swap3A_370 : i32 to index
    %swap3A_372 = arith.constant 32 : index
    %swap3A_373 = tpu.vector_load %arg10[%swap3A_371, %swap3A_372] {strides = array<i32>} : memref<4x64xi32, #tpu.memory_space<vmem>>, vector<1x16xi32>,
    %swap3A_374 = vector.shape_cast %swap3A_373 : vector<1x16xi32> to vector<16xi32>
    %swap3A_375 = vector.shape_cast %get3A_369 : vector<16xi32> to vector<1x16xi32>
    tpu.vector_store %arg10[%swap3A_371, %swap3A_372], %swap3A_375 {strides = array<i32>} : memref<4x64xi32, #tpu.memory_space<vmem>>, vector<1x16xi32>,
    %get3A_376 = arith.constant 1 : i32
    %get3A_377 = arith.constant 0 : i32
    %get3A_378 = arith.index_cast %get3A_376 : i32 to index
    %get3A_379 = arith.index_cast %get3A_377 : i32 to index
    %get3A_380 = arith.constant 48 : index
    %get3A_381 = tpu.vector_load %arg8[%get3A_378, %get3A_379, %get3A_380] {strides = array<i32>} : memref<2x2x128xi32, #tpu.memory_space<vmem>>, vector<1x1x16xi32>,
    %get3A_382 = vector.shape_cast %get3A_381 : vector<1x1x16xi32> to vector<16xi32>
    %swap3A_383 = arith.constant 2 : i32
    %swap3A_384 = arith.index_cast %swap3A_383 : i32 to index
    %swap3A_385 = arith.constant 48 : index
    %swap3A_386 = tpu.vector_load %arg9[%swap3A_384, %swap3A_385] {strides = array<i32>} : memref<4x64xi32, #tpu.memory_space<vmem>>, vector<1x16xi32>,
    %swap3A_387 = vector.shape_cast %swap3A_386 : vector<1x16xi32> to vector<16xi32>
    %swap3A_388 = vector.shape_cast %get3A_382 : vector<16xi32> to vector<1x16xi32>
    tpu.vector_store %arg9[%swap3A_384, %swap3A_385], %swap3A_388 {strides = array<i32>} : memref<4x64xi32, #tpu.memory_space<vmem>>, vector<1x16xi32>,
    %get3A_389 = arith.constant 1 : i32
    %get3A_390 = arith.constant 1 : i32
    %get3A_391 = arith.index_cast %get3A_389 : i32 to index
    %get3A_392 = arith.index_cast %get3A_390 : i32 to index
    %get3A_393 = arith.constant 48 : index
    %get3A_394 = tpu.vector_load %arg8[%get3A_391, %get3A_392, %get3A_393] {strides = array<i32>} : memref<2x2x128xi32, #tpu.memory_space<vmem>>, vector<1x1x16xi32>,
    %get3A_395 = vector.shape_cast %get3A_394 : vector<1x1x16xi32> to vector<16xi32>
    %swap3A_396 = arith.constant 2 : i32
    %swap3A_397 = arith.index_cast %swap3A_396 : i32 to index
    %swap3A_398 = arith.constant 48 : index
    %swap3A_399 = tpu.vector_load %arg10[%swap3A_397, %swap3A_398] {strides = array<i32>} : memref<4x64xi32, #tpu.memory_space<vmem>>, vector<1x16xi32>,
    %swap3A_400 = vector.shape_cast %swap3A_399 : vector<1x16xi32> to vector<16xi32>
    %swap3A_401 = vector.shape_cast %get3A_395 : vector<16xi32> to vector<1x16xi32>
    tpu.vector_store %arg10[%swap3A_397, %swap3A_398], %swap3A_401 {strides = array<i32>} : memref<4x64xi32, #tpu.memory_space<vmem>>, vector<1x16xi32>,
    %dma_start3A_402 = arith.constant 2 : i32
    %dma_start3A_403 = arith.constant 2 : i32
    %dma_start3A_404 = arith.constant 0 : i32
    %dma_start3A_405 = arith.constant 0 : i32
    %dma_start3A_406 = tpu.memref_slice %arg11[%dma_start3A_403, %dma_start3A_404, %dma_start3A_405] : memref<4x64x128xf32, #tpu.memory_space<vmem>> -> memref<1x64x128xf32, #tpu.memory_space<vmem>>
    %dma_start3A_407 = tpu.memref_squeeze %dma_start3A_406 : memref<1x64x128xf32, #tpu.memory_space<vmem>> -> memref<64x128xf32, #tpu.memory_space<vmem>>
    %dma_start3A_408 = arith.constant 0 : i32
    %dma_start3A_409 = tpu.memref_slice %arg9[%dma_start3A_402, %dma_start3A_408] : memref<4x64xi32, #tpu.memory_space<vmem>> -> memref<1x64xi32, #tpu.memory_space<vmem>>
    %dma_start3A_410 = tpu.memref_squeeze %dma_start3A_409 : memref<1x64xi32, #tpu.memory_space<vmem>> -> memref<64xi32, #tpu.memory_space<vmem>>
    %dma_start3A_411 = arith.constant 0 : i32
    %dma_start3A_412 = arith.constant 0 : i32
    %dma_start3A_413 = tpu.memref_slice %arg4[%dma_start3A_411, %dma_start3A_412] : memref<10000x128xf32, #tpu.memory_space<hbm>> -> memref<10000x128xf32, #tpu.memory_space<hbm>>
    tpu.enqueue_indirect_dma source(%dma_start3A_413 : memref<10000x128xf32, #tpu.memory_space<hbm>>) target(%dma_start3A_407 : memref<64x128xf32, #tpu.memory_space<vmem>>) offsets(%dma_start3A_410 : memref<64xi32, #tpu.memory_space<vmem>>) semaphore(%arg16 : memref<!tpu.dma_semaphore, #tpu.memory_space<semaphore_mem>>)
    %get3A_414 = arith.constant 1 : i32
    %get3A_415 = arith.constant 0 : i32
    %get3A_416 = arith.index_cast %get3A_414 : i32 to index
    %get3A_417 = arith.index_cast %get3A_415 : i32 to index
    %get3A_418 = arith.constant 64 : index
    %get3A_419 = tpu.vector_load %arg8[%get3A_416, %get3A_417, %get3A_418] {strides = array<i32>} : memref<2x2x128xi32, #tpu.memory_space<vmem>>, vector<1x1x16xi32>,
    %get3A_420 = vector.shape_cast %get3A_419 : vector<1x1x16xi32> to vector<16xi32>
    %swap3A_421 = arith.constant 3 : i32
    %swap3A_422 = arith.index_cast %swap3A_421 : i32 to index
    %swap3A_423 = arith.constant 0 : index
    %swap3A_424 = tpu.vector_load %arg9[%swap3A_422, %swap3A_423] {strides = array<i32>} : memref<4x64xi32, #tpu.memory_space<vmem>>, vector<1x16xi32>,
    %swap3A_425 = vector.shape_cast %swap3A_424 : vector<1x16xi32> to vector<16xi32>
    %swap3A_426 = vector.shape_cast %get3A_420 : vector<16xi32> to vector<1x16xi32>
    tpu.vector_store %arg9[%swap3A_422, %swap3A_423], %swap3A_426 {strides = array<i32>} : memref<4x64xi32, #tpu.memory_space<vmem>>, vector<1x16xi32>,
    %get3A_427 = arith.constant 1 : i32
    %get3A_428 = arith.constant 1 : i32
    %get3A_429 = arith.index_cast %get3A_427 : i32 to index
    %get3A_430 = arith.index_cast %get3A_428 : i32 to index
    %get3A_431 = arith.constant 64 : index
    %get3A_432 = tpu.vector_load %arg8[%get3A_429, %get3A_430, %get3A_431] {strides = array<i32>} : memref<2x2x128xi32, #tpu.memory_space<vmem>>, vector<1x1x16xi32>,
    %get3A_433 = vector.shape_cast %get3A_432 : vector<1x1x16xi32> to vector<16xi32>
    %swap3A_434 = arith.constant 3 : i32
    %swap3A_435 = arith.index_cast %swap3A_434 : i32 to index
    %swap3A_436 = arith.constant 0 : index
    %swap3A_437 = tpu.vector_load %arg10[%swap3A_435, %swap3A_436] {strides = array<i32>} : memref<4x64xi32, #tpu.memory_space<vmem>>, vector<1x16xi32>,
    %swap3A_438 = vector.shape_cast %swap3A_437 : vector<1x16xi32> to vector<16xi32>
    %swap3A_439 = vector.shape_cast %get3A_433 : vector<16xi32> to vector<1x16xi32>
    tpu.vector_store %arg10[%swap3A_435, %swap3A_436], %swap3A_439 {strides = array<i32>} : memref<4x64xi32, #tpu.memory_space<vmem>>, vector<1x16xi32>,
    %get3A_440 = arith.constant 1 : i32
    %get3A_441 = arith.constant 0 : i32
    %get3A_442 = arith.index_cast %get3A_440 : i32 to index
    %get3A_443 = arith.index_cast %get3A_441 : i32 to index
    %get3A_444 = arith.constant 80 : index
    %get3A_445 = tpu.vector_load %arg8[%get3A_442, %get3A_443, %get3A_444] {strides = array<i32>} : memref<2x2x128xi32, #tpu.memory_space<vmem>>, vector<1x1x16xi32>,
    %get3A_446 = vector.shape_cast %get3A_445 : vector<1x1x16xi32> to vector<16xi32>
    %swap3A_447 = arith.constant 3 : i32
    %swap3A_448 = arith.index_cast %swap3A_447 : i32 to index
    %swap3A_449 = arith.constant 16 : index
    %swap3A_450 = tpu.vector_load %arg9[%swap3A_448, %swap3A_449] {strides = array<i32>} : memref<4x64xi32, #tpu.memory_space<vmem>>, vector<1x16xi32>,
    %swap3A_451 = vector.shape_cast %swap3A_450 : vector<1x16xi32> to vector<16xi32>
    %swap3A_452 = vector.shape_cast %get3A_446 : vector<16xi32> to vector<1x16xi32>
    tpu.vector_store %arg9[%swap3A_448, %swap3A_449], %swap3A_452 {strides = array<i32>} : memref<4x64xi32, #tpu.memory_space<vmem>>, vector<1x16xi32>,
    %get3A_453 = arith.constant 1 : i32
    %get3A_454 = arith.constant 1 : i32
    %get3A_455 = arith.index_cast %get3A_453 : i32 to index
    %get3A_456 = arith.index_cast %get3A_454 : i32 to index
    %get3A_457 = arith.constant 80 : index
    %get3A_458 = tpu.vector_load %arg8[%get3A_455, %get3A_456, %get3A_457] {strides = array<i32>} : memref<2x2x128xi32, #tpu.memory_space<vmem>>, vector<1x1x16xi32>,
    %get3A_459 = vector.shape_cast %get3A_458 : vector<1x1x16xi32> to vector<16xi32>
    %swap3A_460 = arith.constant 3 : i32
    %swap3A_461 = arith.index_cast %swap3A_460 : i32 to index
    %swap3A_462 = arith.constant 16 : index
    %swap3A_463 = tpu.vector_load %arg10[%swap3A_461, %swap3A_462] {strides = array<i32>} : memref<4x64xi32, #tpu.memory_space<vmem>>, vector<1x16xi32>,
    %swap3A_464 = vector.shape_cast %swap3A_463 : vector<1x16xi32> to vector<16xi32>
    %swap3A_465 = vector.shape_cast %get3A_459 : vector<16xi32> to vector<1x16xi32>
    tpu.vector_store %arg10[%swap3A_461, %swap3A_462], %swap3A_465 {strides = array<i32>} : memref<4x64xi32, #tpu.memory_space<vmem>>, vector<1x16xi32>,
    %get3A_466 = arith.constant 1 : i32
    %get3A_467 = arith.constant 0 : i32
    %get3A_468 = arith.index_cast %get3A_466 : i32 to index
    %get3A_469 = arith.index_cast %get3A_467 : i32 to index
    %get3A_470 = arith.constant 96 : index
    %get3A_471 = tpu.vector_load %arg8[%get3A_468, %get3A_469, %get3A_470] {strides = array<i32>} : memref<2x2x128xi32, #tpu.memory_space<vmem>>, vector<1x1x16xi32>,
    %get3A_472 = vector.shape_cast %get3A_471 : vector<1x1x16xi32> to vector<16xi32>
    %swap3A_473 = arith.constant 3 : i32
    %swap3A_474 = arith.index_cast %swap3A_473 : i32 to index
    %swap3A_475 = arith.constant 32 : index
    %swap3A_476 = tpu.vector_load %arg9[%swap3A_474, %swap3A_475] {strides = array<i32>} : memref<4x64xi32, #tpu.memory_space<vmem>>, vector<1x16xi32>,
    %swap3A_477 = vector.shape_cast %swap3A_476 : vector<1x16xi32> to vector<16xi32>
    %swap3A_478 = vector.shape_cast %get3A_472 : vector<16xi32> to vector<1x16xi32>
    tpu.vector_store %arg9[%swap3A_474, %swap3A_475], %swap3A_478 {strides = array<i32>} : memref<4x64xi32, #tpu.memory_space<vmem>>, vector<1x16xi32>,
    %get3A_479 = arith.constant 1 : i32
    %get3A_480 = arith.constant 1 : i32
    %get3A_481 = arith.index_cast %get3A_479 : i32 to index
    %get3A_482 = arith.index_cast %get3A_480 : i32 to index
    %get3A_483 = arith.constant 96 : index
    %get3A_484 = tpu.vector_load %arg8[%get3A_481, %get3A_482, %get3A_483] {strides = array<i32>} : memref<2x2x128xi32, #tpu.memory_space<vmem>>, vector<1x1x16xi32>,
    %get3A_485 = vector.shape_cast %get3A_484 : vector<1x1x16xi32> to vector<16xi32>
    %swap3A_486 = arith.constant 3 : i32
    %swap3A_487 = arith.index_cast %swap3A_486 : i32 to index
    %swap3A_488 = arith.constant 32 : index
    %swap3A_489 = tpu.vector_load %arg10[%swap3A_487, %swap3A_488] {strides = array<i32>} : memref<4x64xi32, #tpu.memory_space<vmem>>, vector<1x16xi32>,
    %swap3A_490 = vector.shape_cast %swap3A_489 : vector<1x16xi32> to vector<16xi32>
    %swap3A_491 = vector.shape_cast %get3A_485 : vector<16xi32> to vector<1x16xi32>
    tpu.vector_store %arg10[%swap3A_487, %swap3A_488], %swap3A_491 {strides = array<i32>} : memref<4x64xi32, #tpu.memory_space<vmem>>, vector<1x16xi32>,
    %get3A_492 = arith.constant 1 : i32
    %get3A_493 = arith.constant 0 : i32
    %get3A_494 = arith.index_cast %get3A_492 : i32 to index
    %get3A_495 = arith.index_cast %get3A_493 : i32 to index
    %get3A_496 = arith.constant 112 : index
    %get3A_497 = tpu.vector_load %arg8[%get3A_494, %get3A_495, %get3A_496] {strides = array<i32>} : memref<2x2x128xi32, #tpu.memory_space<vmem>>, vector<1x1x16xi32>,
    %get3A_498 = vector.shape_cast %get3A_497 : vector<1x1x16xi32> to vector<16xi32>
    %swap3A_499 = arith.constant 3 : i32
    %swap3A_500 = arith.index_cast %swap3A_499 : i32 to index
    %swap3A_501 = arith.constant 48 : index
    %swap3A_502 = tpu.vector_load %arg9[%swap3A_500, %swap3A_501] {strides = array<i32>} : memref<4x64xi32, #tpu.memory_space<vmem>>, vector<1x16xi32>,
    %swap3A_503 = vector.shape_cast %swap3A_502 : vector<1x16xi32> to vector<16xi32>
    %swap3A_504 = vector.shape_cast %get3A_498 : vector<16xi32> to vector<1x16xi32>
    tpu.vector_store %arg9[%swap3A_500, %swap3A_501], %swap3A_504 {strides = array<i32>} : memref<4x64xi32, #tpu.memory_space<vmem>>, vector<1x16xi32>,
    %get3A_505 = arith.constant 1 : i32
    %get3A_506 = arith.constant 1 : i32
    %get3A_507 = arith.index_cast %get3A_505 : i32 to index
    %get3A_508 = arith.index_cast %get3A_506 : i32 to index
    %get3A_509 = arith.constant 112 : index
    %get3A_510 = tpu.vector_load %arg8[%get3A_507, %get3A_508, %get3A_509] {strides = array<i32>} : memref<2x2x128xi32, #tpu.memory_space<vmem>>, vector<1x1x16xi32>,
    %get3A_511 = vector.shape_cast %get3A_510 : vector<1x1x16xi32> to vector<16xi32>
    %swap3A_512 = arith.constant 3 : i32
    %swap3A_513 = arith.index_cast %swap3A_512 : i32 to index
    %swap3A_514 = arith.constant 48 : index
    %swap3A_515 = tpu.vector_load %arg10[%swap3A_513, %swap3A_514] {strides = array<i32>} : memref<4x64xi32, #tpu.memory_space<vmem>>, vector<1x16xi32>,
    %swap3A_516 = vector.shape_cast %swap3A_515 : vector<1x16xi32> to vector<16xi32>
    %swap3A_517 = vector.shape_cast %get3A_511 : vector<16xi32> to vector<1x16xi32>
    tpu.vector_store %arg10[%swap3A_513, %swap3A_514], %swap3A_517 {strides = array<i32>} : memref<4x64xi32, #tpu.memory_space<vmem>>, vector<1x16xi32>,
    %dma_start3A_518 = arith.constant 3 : i32
    %dma_start3A_519 = arith.constant 3 : i32
    %dma_start3A_520 = arith.constant 0 : i32
    %dma_start3A_521 = arith.constant 0 : i32
    %dma_start3A_522 = tpu.memref_slice %arg11[%dma_start3A_519, %dma_start3A_520, %dma_start3A_521] : memref<4x64x128xf32, #tpu.memory_space<vmem>> -> memref<1x64x128xf32, #tpu.memory_space<vmem>>
    %dma_start3A_523 = tpu.memref_squeeze %dma_start3A_522 : memref<1x64x128xf32, #tpu.memory_space<vmem>> -> memref<64x128xf32, #tpu.memory_space<vmem>>
    %dma_start3A_524 = arith.constant 0 : i32
    %dma_start3A_525 = tpu.memref_slice %arg9[%dma_start3A_518, %dma_start3A_524] : memref<4x64xi32, #tpu.memory_space<vmem>> -> memref<1x64xi32, #tpu.memory_space<vmem>>
    %dma_start3A_526 = tpu.memref_squeeze %dma_start3A_525 : memref<1x64xi32, #tpu.memory_space<vmem>> -> memref<64xi32, #tpu.memory_space<vmem>>
    %dma_start3A_527 = arith.constant 0 : i32
    %dma_start3A_528 = arith.constant 0 : i32
    %dma_start3A_529 = tpu.memref_slice %arg4[%dma_start3A_527, %dma_start3A_528] : memref<10000x128xf32, #tpu.memory_space<hbm>> -> memref<10000x128xf32, #tpu.memory_space<hbm>>
    tpu.enqueue_indirect_dma source(%dma_start3A_529 : memref<10000x128xf32, #tpu.memory_space<hbm>>) target(%dma_start3A_523 : memref<64x128xf32, #tpu.memory_space<vmem>>) offsets(%dma_start3A_526 : memref<64xi32, #tpu.memory_space<vmem>>) semaphore(%arg17 : memref<!tpu.dma_semaphore, #tpu.memory_space<semaphore_mem>>)
    %eq3A_530 = arith.constant 31 : i32
    %eq3A_531 = arith.cmpi eq, %add3A, %eq3A_530 : i32
    %and3A_532 = arith.constant false
    %and3A_533 = arith.andi %eq3A_531, %and3A_532 : i1
    %convert_element_type3A_534 = arith.extui %and3A_533 : i1 to i32
    %cond3A_535 = arith.constant 0 : i32
    %cond3A_536 = arith.cmpi ne, %convert_element_type3A_534, %cond3A_535 : i32
    scf.if %cond3A_536 {
      %dma_start3A_583 = arith.constant -18 : i32
      %dma_start3A_584 = arith.constant 0 : i32
      %dma_start3A_585 = arith.constant 0 : i32
      %dma_start3A_586 = arith.constant 0 : i32
      %dma_start3A_587 = tpu.memref_slice %arg8[%dma_start3A_584, %dma_start3A_585, %dma_start3A_586] : memref<2x2x128xi32, #tpu.memory_space<vmem>> -> memref<1x2x128xi32, #tpu.memory_space<vmem>>
      %dma_start3A_588 = tpu.memref_squeeze %dma_start3A_587 : memref<1x2x128xi32, #tpu.memory_space<vmem>> -> memref<2x128xi32, #tpu.memory_space<vmem>>
      %dma_start3A_589 = arith.constant 0 : i32
      %dma_start3A_590 = arith.constant 0 : i32
      %dma_start3A_591 = tpu.memref_slice %arg3[%dma_start3A_583, %dma_start3A_589, %dma_start3A_590] : memref<60x2x128xi32, #tpu.memory_space<hbm>> -> memref<1x2x128xi32, #tpu.memory_space<hbm>>
      %dma_start3A_592 = tpu.memref_squeeze %dma_start3A_591 : memref<1x2x128xi32, #tpu.memory_space<hbm>> -> memref<2x128xi32, #tpu.memory_space<hbm>>
      %dma_start3A_593 = arith.constant 0 : i32
      %dma_start3A_594 = arith.constant 0 : i32
      %dma_start3A_595 = tpu.memref_slice %arg8[%dma_start3A_584, %dma_start3A_593, %dma_start3A_594] : memref<2x2x128xi32, #tpu.memory_space<vmem>> -> memref<1x2x128xi32, #tpu.memory_space<vmem>>
      %dma_start3A_596 = tpu.memref_squeeze %dma_start3A_595 : memref<1x2x128xi32, #tpu.memory_space<vmem>> -> memref<2x128xi32, #tpu.memory_space<vmem>>
      %dma_start3A_597 = arith.constant 0 : i32
      %dma_start3A_598 = arith.constant 0 : i32
      %dma_start3A_599 = tpu.memref_slice %arg3[%dma_start3A_583, %dma_start3A_597, %dma_start3A_598] : memref<60x2x128xi32, #tpu.memory_space<hbm>> -> memref<1x2x128xi32, #tpu.memory_space<hbm>>
      %dma_start3A_600 = tpu.memref_squeeze %dma_start3A_599 : memref<1x2x128xi32, #tpu.memory_space<hbm>> -> memref<2x128xi32, #tpu.memory_space<hbm>>
      tpu.enqueue_dma source(%dma_start3A_600 : memref<2x128xi32, #tpu.memory_space<hbm>>) target(%dma_start3A_596 : memref<2x128xi32, #tpu.memory_space<vmem>>) target_semaphore(%arg22 : memref<!tpu.dma_semaphore, #tpu.memory_space<semaphore_mem>>)
    } else {
    }
    %not3A_537 = arith.constant true
    %not3A_538 = arith.xori %and3A_533, %not3A_537 : i1
    %convert_element_type3A_539 = arith.extui %not3A_538 : i1 to i32
    %cond3A_540 = arith.constant 0 : i32
    %cond3A_541 = arith.cmpi ne, %convert_element_type3A_539, %cond3A_540 : i32
    scf.if %cond3A_541 {
      %mul3A_583 = arith.constant 10240 : i32
      %mul3A_584 = arith.muli %add3A, %mul3A_583 : i32
      %add3A_585 = arith.constant 256 : i32
      %add3A_586 = arith.addi %mul3A_584, %add3A_585 : i32
      %dma_start3A_587 = arith.constant 0 : i32
      %dma_start3A_588 = arith.constant 0 : i32
      %dma_start3A_589 = arith.constant 0 : i32
      %dma_start3A_590 = tpu.memref_slice %arg8[%dma_start3A_587, %dma_start3A_588, %dma_start3A_589] : memref<2x2x128xi32, #tpu.memory_space<vmem>> -> memref<1x2x128xi32, #tpu.memory_space<vmem>>
      %dma_start3A_591 = tpu.memref_squeeze %dma_start3A_590 : memref<1x2x128xi32, #tpu.memory_space<vmem>> -> memref<2x128xi32, #tpu.memory_space<vmem>>
      %dma_start3A_592 = arith.constant 0 : i32
      %dma_start3A_593 = tpu.memref_slice %arg2[%dma_start3A_592, %add3A_586] : memref<2x320000xi32, #tpu.memory_space<hbm>> -> memref<2x128xi32, #tpu.memory_space<hbm>>
      %dma_start3A_594 = arith.constant 0 : i32
      %dma_start3A_595 = arith.constant 0 : i32
      %dma_start3A_596 = tpu.memref_slice %arg8[%dma_start3A_587, %dma_start3A_594, %dma_start3A_595] : memref<2x2x128xi32, #tpu.memory_space<vmem>> -> memref<1x2x128xi32, #tpu.memory_space<vmem>>
      %dma_start3A_597 = tpu.memref_squeeze %dma_start3A_596 : memref<1x2x128xi32, #tpu.memory_space<vmem>> -> memref<2x128xi32, #tpu.memory_space<vmem>>
      %dma_start3A_598 = arith.constant 0 : i32
      %dma_start3A_599 = tpu.memref_slice %arg2[%dma_start3A_598, %add3A_586] : memref<2x320000xi32, #tpu.memory_space<hbm>> -> memref<2x128xi32, #tpu.memory_space<hbm>>
      tpu.enqueue_dma source(%dma_start3A_599 : memref<2x128xi32, #tpu.memory_space<hbm>>) target(%dma_start3A_597 : memref<2x128xi32, #tpu.memory_space<vmem>>) target_semaphore(%arg22 : memref<!tpu.dma_semaphore, #tpu.memory_space<semaphore_mem>>)
    } else {
    }
    %eq3A_542 = arith.constant 31 : i32
    %eq3A_543 = arith.cmpi eq, %add3A, %eq3A_542 : i32
    %and3A_544 = arith.constant false
    %and3A_545 = arith.andi %eq3A_543, %and3A_544 : i1
    %convert_element_type3A_546 = arith.extui %and3A_545 : i1 to i32
    %cond3A_547 = arith.constant 0 : i32
    %cond3A_548 = arith.cmpi ne, %convert_element_type3A_546, %cond3A_547 : i32
    scf.if %cond3A_548 {
      %dma_start3A_583 = arith.constant -17 : i32
      %dma_start3A_584 = arith.constant 1 : i32
      %dma_start3A_585 = arith.constant 0 : i32
      %dma_start3A_586 = arith.constant 0 : i32
      %dma_start3A_587 = tpu.memref_slice %arg8[%dma_start3A_584, %dma_start3A_585, %dma_start3A_586] : memref<2x2x128xi32, #tpu.memory_space<vmem>> -> memref<1x2x128xi32, #tpu.memory_space<vmem>>
      %dma_start3A_588 = tpu.memref_squeeze %dma_start3A_587 : memref<1x2x128xi32, #tpu.memory_space<vmem>> -> memref<2x128xi32, #tpu.memory_space<vmem>>
      %dma_start3A_589 = arith.constant 0 : i32
      %dma_start3A_590 = arith.constant 0 : i32
      %dma_start3A_591 = tpu.memref_slice %arg3[%dma_start3A_583, %dma_start3A_589, %dma_start3A_590] : memref<60x2x128xi32, #tpu.memory_space<hbm>> -> memref<1x2x128xi32, #tpu.memory_space<hbm>>
      %dma_start3A_592 = tpu.memref_squeeze %dma_start3A_591 : memref<1x2x128xi32, #tpu.memory_space<hbm>> -> memref<2x128xi32, #tpu.memory_space<hbm>>
      %dma_start3A_593 = arith.constant 0 : i32
      %dma_start3A_594 = arith.constant 0 : i32
      %dma_start3A_595 = tpu.memref_slice %arg8[%dma_start3A_584, %dma_start3A_593, %dma_start3A_594] : memref<2x2x128xi32, #tpu.memory_space<vmem>> -> memref<1x2x128xi32, #tpu.memory_space<vmem>>
      %dma_start3A_596 = tpu.memref_squeeze %dma_start3A_595 : memref<1x2x128xi32, #tpu.memory_space<vmem>> -> memref<2x128xi32, #tpu.memory_space<vmem>>
      %dma_start3A_597 = arith.constant 0 : i32
      %dma_start3A_598 = arith.constant 0 : i32
      %dma_start3A_599 = tpu.memref_slice %arg3[%dma_start3A_583, %dma_start3A_597, %dma_start3A_598] : memref<60x2x128xi32, #tpu.memory_space<hbm>> -> memref<1x2x128xi32, #tpu.memory_space<hbm>>
      %dma_start3A_600 = tpu.memref_squeeze %dma_start3A_599 : memref<1x2x128xi32, #tpu.memory_space<hbm>> -> memref<2x128xi32, #tpu.memory_space<hbm>>
      tpu.enqueue_dma source(%dma_start3A_600 : memref<2x128xi32, #tpu.memory_space<hbm>>) target(%dma_start3A_596 : memref<2x128xi32, #tpu.memory_space<vmem>>) target_semaphore(%arg23 : memref<!tpu.dma_semaphore, #tpu.memory_space<semaphore_mem>>)
    } else {
    }
    %not3A_549 = arith.constant true
    %not3A_550 = arith.xori %and3A_545, %not3A_549 : i1
    %convert_element_type3A_551 = arith.extui %not3A_550 : i1 to i32
    %cond3A_552 = arith.constant 0 : i32
    %cond3A_553 = arith.cmpi ne, %convert_element_type3A_551, %cond3A_552 : i32
    scf.if %cond3A_553 {
      %mul3A_583 = arith.constant 10240 : i32
      %mul3A_584 = arith.muli %add3A, %mul3A_583 : i32
      %add3A_585 = arith.constant 384 : i32
      %add3A_586 = arith.addi %mul3A_584, %add3A_585 : i32
      %dma_start3A_587 = arith.constant 1 : i32
      %dma_start3A_588 = arith.constant 0 : i32
      %dma_start3A_589 = arith.constant 0 : i32
      %dma_start3A_590 = tpu.memref_slice %arg8[%dma_start3A_587, %dma_start3A_588, %dma_start3A_589] : memref<2x2x128xi32, #tpu.memory_space<vmem>> -> memref<1x2x128xi32, #tpu.memory_space<vmem>>
      %dma_start3A_591 = tpu.memref_squeeze %dma_start3A_590 : memref<1x2x128xi32, #tpu.memory_space<vmem>> -> memref<2x128xi32, #tpu.memory_space<vmem>>
      %dma_start3A_592 = arith.constant 0 : i32
      %dma_start3A_593 = tpu.memref_slice %arg2[%dma_start3A_592, %add3A_586] : memref<2x320000xi32, #tpu.memory_space<hbm>> -> memref<2x128xi32, #tpu.memory_space<hbm>>
      %dma_start3A_594 = arith.constant 0 : i32
      %dma_start3A_595 = arith.constant 0 : i32
      %dma_start3A_596 = tpu.memref_slice %arg8[%dma_start3A_587, %dma_start3A_594, %dma_start3A_595] : memref<2x2x128xi32, #tpu.memory_space<vmem>> -> memref<1x2x128xi32, #tpu.memory_space<vmem>>
      %dma_start3A_597 = tpu.memref_squeeze %dma_start3A_596 : memref<1x2x128xi32, #tpu.memory_space<vmem>> -> memref<2x128xi32, #tpu.memory_space<vmem>>
      %dma_start3A_598 = arith.constant 0 : i32
      %dma_start3A_599 = tpu.memref_slice %arg2[%dma_start3A_598, %add3A_586] : memref<2x320000xi32, #tpu.memory_space<hbm>> -> memref<2x128xi32, #tpu.memory_space<hbm>>
      tpu.enqueue_dma source(%dma_start3A_599 : memref<2x128xi32, #tpu.memory_space<hbm>>) target(%dma_start3A_597 : memref<2x128xi32, #tpu.memory_space<vmem>>) target_semaphore(%arg23 : memref<!tpu.dma_semaphore, #tpu.memory_space<semaphore_mem>>)
    } else {
    }
    %scan3A_554 = arith.constant 0 : i32
    %scan3A_555 = arith.constant 40 : i32
    %scan3A_556 = arith.addi %scan3A_554, %scan3A_555 : i32
    %scan3A_557 = arith.constant 1 : i32
    scf.for %scan3A_583 = %scan3A_554 to %scan3A_556 step %scan3A_557  : i32 {
      %mul3A_584 = arith.constant 1 : i32
      %mul3A_585 = arith.muli %scan3A_583, %mul3A_584 : i32
      %add3A_586 = arith.constant 0 : i32
      %add3A_587 = arith.addi %add3A_586, %mul3A_585 : i32
      %mul3A_588 = arith.constant 4 : i32
      %mul3A_589 = arith.muli %add3A_587, %mul3A_588 : i32
      %add3A_590 = arith.constant 0 : i32
      %add3A_591 = arith.addi %mul3A_589, %add3A_590 : i32
      %dma_wait3A_592 = arith.constant 0 : i32
      %dma_wait3A_593 = arith.constant 0 : i32
      %dma_wait3A_594 = arith.constant 0 : i32
      %dma_wait3A_595 = arith.constant 0 : i32
      %dma_wait3A_596 = tpu.memref_slice %arg11[%dma_wait3A_593, %dma_wait3A_594, %dma_wait3A_595] : memref<4x64x128xf32, #tpu.memory_space<vmem>> -> memref<1x64x128xf32, #tpu.memory_space<vmem>>
      %dma_wait3A_597 = tpu.memref_squeeze %dma_wait3A_596 : memref<1x64x128xf32, #tpu.memory_space<vmem>> -> memref<64x128xf32, #tpu.memory_space<vmem>>
      %dma_wait3A_598 = arith.constant 0 : i32
      %dma_wait3A_599 = tpu.memref_slice %arg9[%dma_wait3A_592, %dma_wait3A_598] : memref<4x64xi32, #tpu.memory_space<vmem>> -> memref<1x64xi32, #tpu.memory_space<vmem>>
      %dma_wait3A_600 = tpu.memref_squeeze %dma_wait3A_599 : memref<1x64xi32, #tpu.memory_space<vmem>> -> memref<64xi32, #tpu.memory_space<vmem>>
      %dma_wait3A_601 = arith.constant 0 : i32
      %dma_wait3A_602 = arith.constant 0 : i32
      %dma_wait3A_603 = tpu.memref_slice %arg4[%dma_wait3A_601, %dma_wait3A_602] : memref<10000x128xf32, #tpu.memory_space<hbm>> -> memref<10000x128xf32, #tpu.memory_space<hbm>>
      tpu.wait_indirect_dma semaphore(%arg14 : memref<!tpu.dma_semaphore, #tpu.memory_space<semaphore_mem>>) src(%dma_wait3A_603 : memref<10000x128xf32, #tpu.memory_space<hbm>>) dst(%dma_wait3A_597 : memref<64x128xf32, #tpu.memory_space<vmem>>)
      %run_scoped3A_604 = arith.constant 0 : i32
      %run_scoped3A_605 = arith.constant 0 : i32
      "tpu.region"() ({
        %run_scoped3A_687 = tpu.sem_alloc : memref<!tpu.dma_semaphore, #tpu.memory_space<semaphore_mem>>
        %dma_start3A_688 = arith.constant 0 : i32
        %dma_start3A_689 = arith.constant 0 : i32
        %dma_start3A_690 = tpu.memref_slice %arg11[%run_scoped3A_604, %dma_start3A_688, %dma_start3A_689] : memref<4x64x128xf32, #tpu.memory_space<vmem>> -> memref<1x64x128xf32, #tpu.memory_space<vmem>>
        %dma_start3A_691 = tpu.memref_squeeze %dma_start3A_690 : memref<1x64x128xf32, #tpu.memory_space<vmem>> -> memref<64x128xf32, #tpu.memory_space<vmem>>
        %dma_start3A_692 = arith.constant 0 : i32
        %dma_start3A_693 = tpu.memref_slice %arg10[%run_scoped3A_605, %dma_start3A_692] : memref<4x64xi32, #tpu.memory_space<vmem>> -> memref<1x64xi32, #tpu.memory_space<vmem>>
        %dma_start3A_694 = tpu.memref_squeeze %dma_start3A_693 : memref<1x64xi32, #tpu.memory_space<vmem>> -> memref<64xi32, #tpu.memory_space<vmem>>
        %dma_start3A_695 = arith.constant 0 : i32
        %dma_start3A_696 = arith.constant 0 : i32
        %dma_start3A_697 = tpu.memref_slice %arg24[%dma_start3A_695, %dma_start3A_696] : memref<10240x128xf32, #tpu.memory_space<vmem_shared>> -> memref<10240x128xf32, #tpu.memory_space<vmem_shared>>
        tpu.enqueue_indirect_dma source(%dma_start3A_691 : memref<64x128xf32, #tpu.memory_space<vmem>>) target(%dma_start3A_697 : memref<10240x128xf32, #tpu.memory_space<vmem_shared>>) offsets(%dma_start3A_694 : memref<64xi32, #tpu.memory_space<vmem>>) semaphore(%run_scoped3A_687 : memref<!tpu.dma_semaphore, #tpu.memory_space<semaphore_mem>>) {add = true}
        %dma_wait3A_698 = arith.constant 0 : i32
        %dma_wait3A_699 = arith.constant 0 : i32
        %dma_wait3A_700 = tpu.memref_slice %arg11[%run_scoped3A_604, %dma_wait3A_698, %dma_wait3A_699] : memref<4x64x128xf32, #tpu.memory_space<vmem>> -> memref<1x64x128xf32, #tpu.memory_space<vmem>>
        %dma_wait3A_701 = tpu.memref_squeeze %dma_wait3A_700 : memref<1x64x128xf32, #tpu.memory_space<vmem>> -> memref<64x128xf32, #tpu.memory_space<vmem>>
        %dma_wait3A_702 = arith.constant 0 : i32
        %dma_wait3A_703 = tpu.memref_slice %arg10[%run_scoped3A_605, %dma_wait3A_702] : memref<4x64xi32, #tpu.memory_space<vmem>> -> memref<1x64xi32, #tpu.memory_space<vmem>>
        %dma_wait3A_704 = tpu.memref_squeeze %dma_wait3A_703 : memref<1x64xi32, #tpu.memory_space<vmem>> -> memref<64xi32, #tpu.memory_space<vmem>>
        %dma_wait3A_705 = arith.constant 0 : i32
        %dma_wait3A_706 = arith.constant 0 : i32
        %dma_wait3A_707 = tpu.memref_slice %arg24[%dma_wait3A_705, %dma_wait3A_706] : memref<10240x128xf32, #tpu.memory_space<vmem_shared>> -> memref<10240x128xf32, #tpu.memory_space<vmem_shared>>
        tpu.wait_indirect_dma semaphore(%run_scoped3A_687 : memref<!tpu.dma_semaphore, #tpu.memory_space<semaphore_mem>>) src(%dma_wait3A_701 : memref<64x128xf32, #tpu.memory_space<vmem>>) dst(%dma_wait3A_707 : memref<10240x128xf32, #tpu.memory_space<vmem_shared>>)
        tpu.yield
      }) : () -> ()
      %add3A_606 = arith.constant 4 : i32
      %add3A_607 = arith.addi %add3A_591, %add3A_606 : i32
      %lt3A = arith.constant 160 : i32
      %lt3A_608 = arith.cmpi slt, %add3A_607, %lt3A : i32
      %convert_element_type3A_609 = arith.extui %lt3A_608 : i1 to i32
      %cond3A_610 = arith.constant 0 : i32
      %cond3A_611 = arith.cmpi ne, %convert_element_type3A_609, %cond3A_610 : i32
      scf.if %cond3A_611 {
        %dma_wait3A_687 = arith.constant 0 : i32
        %dma_wait3A_688 = arith.constant 0 : i32
        %dma_wait3A_689 = arith.constant 0 : i32
        %dma_wait3A_690 = arith.constant 0 : i32
        %dma_wait3A_691 = tpu.memref_slice %arg8[%dma_wait3A_688, %dma_wait3A_689, %dma_wait3A_690] : memref<2x2x128xi32, #tpu.memory_space<vmem>> -> memref<1x2x128xi32, #tpu.memory_space<vmem>>
        %dma_wait3A_692 = tpu.memref_squeeze %dma_wait3A_691 : memref<1x2x128xi32, #tpu.memory_space<vmem>> -> memref<2x128xi32, #tpu.memory_space<vmem>>
        %dma_wait3A_693 = arith.constant 0 : i32
        %dma_wait3A_694 = arith.constant 0 : i32
        %dma_wait3A_695 = tpu.memref_slice %arg3[%dma_wait3A_687, %dma_wait3A_693, %dma_wait3A_694] : memref<60x2x128xi32, #tpu.memory_space<hbm>> -> memref<1x2x128xi32, #tpu.memory_space<hbm>>
        %dma_wait3A_696 = tpu.memref_squeeze %dma_wait3A_695 : memref<1x2x128xi32, #tpu.memory_space<hbm>> -> memref<2x128xi32, #tpu.memory_space<hbm>>
        %dma_wait3A_697 = arith.constant 0 : i32
        %dma_wait3A_698 = arith.constant 0 : i32
        %dma_wait3A_699 = tpu.memref_slice %arg8[%dma_wait3A_688, %dma_wait3A_697, %dma_wait3A_698] : memref<2x2x128xi32, #tpu.memory_space<vmem>> -> memref<1x2x128xi32, #tpu.memory_space<vmem>>
        %dma_wait3A_700 = tpu.memref_squeeze %dma_wait3A_699 : memref<1x2x128xi32, #tpu.memory_space<vmem>> -> memref<2x128xi32, #tpu.memory_space<vmem>>
        %dma_wait3A_701 = arith.constant 0 : i32
        %dma_wait3A_702 = arith.constant 0 : i32
        %dma_wait3A_703 = tpu.memref_slice %arg3[%dma_wait3A_687, %dma_wait3A_701, %dma_wait3A_702] : memref<60x2x128xi32, #tpu.memory_space<hbm>> -> memref<1x2x128xi32, #tpu.memory_space<hbm>>
        %dma_wait3A_704 = tpu.memref_squeeze %dma_wait3A_703 : memref<1x2x128xi32, #tpu.memory_space<hbm>> -> memref<2x128xi32, #tpu.memory_space<hbm>>
        tpu.wait_dma2 semaphore(%arg22 : memref<!tpu.dma_semaphore, #tpu.memory_space<semaphore_mem>>) src(%dma_wait3A_704 : memref<2x128xi32, #tpu.memory_space<hbm>>) dst(%dma_wait3A_700 : memref<2x128xi32, #tpu.memory_space<vmem>>)
        %add3A_705 = arith.constant 4 : i32
        %add3A_706 = arith.addi %add3A_591, %add3A_705 : i32
        %jit3A = arith.constant 2 : i32
        %eq3A_707 = arith.constant 0 : i32
        %eq3A_708 = arith.cmpi eq, %jit3A, %eq3A_707 : i32
        %jit3A_709 = arith.constant 1 : i32
        %select_n3A = arith.select %eq3A_708, %jit3A_709, %jit3A : i32
        %rem3A = arith.remsi %add3A_706, %select_n3A : i32
        %ne3A = arith.constant 0 : i32
        %ne3A_710 = arith.cmpi ne, %rem3A, %ne3A : i32
        %lt3A_711 = arith.constant 0 : i32
        %lt3A_712 = arith.cmpi slt, %rem3A, %lt3A_711 : i32
        %lt3A_713 = arith.constant 0 : i32
        %lt3A_714 = arith.cmpi slt, %select_n3A, %lt3A_713 : i32
        %ne3A_715 = arith.xori %lt3A_712, %lt3A_714 : i1
        %and3A_716 = arith.andi %ne3A_715, %ne3A_710 : i1
        %add3A_717 = arith.addi %rem3A, %select_n3A : i32
        %select_n3A_718 = arith.select %and3A_716, %add3A_717, %rem3A : i32
        %mul3A_719 = arith.constant 64 : i32
        %mul3A_720 = arith.muli %select_n3A_718, %mul3A_719 : i32
        %add3A_721 = arith.constant 0 : i32
        %add3A_722 = arith.addi %mul3A_720, %add3A_721 : i32
        %get3A_723 = arith.constant 0 : i32
        %get3A_724 = arith.constant 0 : i32
        %get3A_725 = arith.index_cast %get3A_723 : i32 to index
        %get3A_726 = arith.index_cast %get3A_724 : i32 to index
        %get3A_727 = arith.index_cast %add3A_722 : i32 to index
        %get3A_728 = tpu.vector_load %arg8[%get3A_725, %get3A_726, %get3A_727] {strides = array<i32>} : memref<2x2x128xi32, #tpu.memory_space<vmem>>, vector<1x1x16xi32>,
        %get3A_729 = vector.shape_cast %get3A_728 : vector<1x1x16xi32> to vector<16xi32>
        %swap3A_730 = arith.constant 0 : i32
        %swap3A_731 = arith.index_cast %swap3A_730 : i32 to index
        %swap3A_732 = arith.constant 0 : index
        %swap3A_733 = tpu.vector_load %arg9[%swap3A_731, %swap3A_732] {strides = array<i32>} : memref<4x64xi32, #tpu.memory_space<vmem>>, vector<1x16xi32>,
        %swap3A_734 = vector.shape_cast %swap3A_733 : vector<1x16xi32> to vector<16xi32>
        %swap3A_735 = vector.shape_cast %get3A_729 : vector<16xi32> to vector<1x16xi32>
        tpu.vector_store %arg9[%swap3A_731, %swap3A_732], %swap3A_735 {strides = array<i32>} : memref<4x64xi32, #tpu.memory_space<vmem>>, vector<1x16xi32>,
        %add3A_736 = arith.constant 0 : i32
        %add3A_737 = arith.addi %mul3A_720, %add3A_736 : i32
        %get3A_738 = arith.constant 0 : i32
        %get3A_739 = arith.constant 1 : i32
        %get3A_740 = arith.index_cast %get3A_738 : i32 to index
        %get3A_741 = arith.index_cast %get3A_739 : i32 to index
        %get3A_742 = arith.index_cast %add3A_737 : i32 to index
        %get3A_743 = tpu.vector_load %arg8[%get3A_740, %get3A_741, %get3A_742] {strides = array<i32>} : memref<2x2x128xi32, #tpu.memory_space<vmem>>, vector<1x1x16xi32>,
        %get3A_744 = vector.shape_cast %get3A_743 : vector<1x1x16xi32> to vector<16xi32>
        %swap3A_745 = arith.constant 0 : i32
        %swap3A_746 = arith.index_cast %swap3A_745 : i32 to index
        %swap3A_747 = arith.constant 0 : index
        %swap3A_748 = tpu.vector_load %arg10[%swap3A_746, %swap3A_747] {strides = array<i32>} : memref<4x64xi32, #tpu.memory_space<vmem>>, vector<1x16xi32>,
        %swap3A_749 = vector.shape_cast %swap3A_748 : vector<1x16xi32> to vector<16xi32>
        %swap3A_750 = vector.shape_cast %get3A_744 : vector<16xi32> to vector<1x16xi32>
        tpu.vector_store %arg10[%swap3A_746, %swap3A_747], %swap3A_750 {strides = array<i32>} : memref<4x64xi32, #tpu.memory_space<vmem>>, vector<1x16xi32>,
        %add3A_751 = arith.constant 16 : i32
        %add3A_752 = arith.addi %mul3A_720, %add3A_751 : i32
        %get3A_753 = arith.constant 0 : i32
        %get3A_754 = arith.constant 0 : i32
        %get3A_755 = arith.index_cast %get3A_753 : i32 to index
        %get3A_756 = arith.index_cast %get3A_754 : i32 to index
        %get3A_757 = arith.index_cast %add3A_752 : i32 to index
        %get3A_758 = tpu.vector_load %arg8[%get3A_755, %get3A_756, %get3A_757] {strides = array<i32>} : memref<2x2x128xi32, #tpu.memory_space<vmem>>, vector<1x1x16xi32>,
        %get3A_759 = vector.shape_cast %get3A_758 : vector<1x1x16xi32> to vector<16xi32>
        %swap3A_760 = arith.constant 0 : i32
        %swap3A_761 = arith.index_cast %swap3A_760 : i32 to index
        %swap3A_762 = arith.constant 16 : index
        %swap3A_763 = tpu.vector_load %arg9[%swap3A_761, %swap3A_762] {strides = array<i32>} : memref<4x64xi32, #tpu.memory_space<vmem>>, vector<1x16xi32>,
        %swap3A_764 = vector.shape_cast %swap3A_763 : vector<1x16xi32> to vector<16xi32>
        %swap3A_765 = vector.shape_cast %get3A_759 : vector<16xi32> to vector<1x16xi32>
        tpu.vector_store %arg9[%swap3A_761, %swap3A_762], %swap3A_765 {strides = array<i32>} : memref<4x64xi32, #tpu.memory_space<vmem>>, vector<1x16xi32>,
        %add3A_766 = arith.constant 16 : i32
        %add3A_767 = arith.addi %mul3A_720, %add3A_766 : i32
        %get3A_768 = arith.constant 0 : i32
        %get3A_769 = arith.constant 1 : i32
        %get3A_770 = arith.index_cast %get3A_768 : i32 to index
        %get3A_771 = arith.index_cast %get3A_769 : i32 to index
        %get3A_772 = arith.index_cast %add3A_767 : i32 to index
        %get3A_773 = tpu.vector_load %arg8[%get3A_770, %get3A_771, %get3A_772] {strides = array<i32>} : memref<2x2x128xi32, #tpu.memory_space<vmem>>, vector<1x1x16xi32>,
        %get3A_774 = vector.shape_cast %get3A_773 : vector<1x1x16xi32> to vector<16xi32>
        %swap3A_775 = arith.constant 0 : i32
        %swap3A_776 = arith.index_cast %swap3A_775 : i32 to index
        %swap3A_777 = arith.constant 16 : index
        %swap3A_778 = tpu.vector_load %arg10[%swap3A_776, %swap3A_777] {strides = array<i32>} : memref<4x64xi32, #tpu.memory_space<vmem>>, vector<1x16xi32>,
        %swap3A_779 = vector.shape_cast %swap3A_778 : vector<1x16xi32> to vector<16xi32>
        %swap3A_780 = vector.shape_cast %get3A_774 : vector<16xi32> to vector<1x16xi32>
        tpu.vector_store %arg10[%swap3A_776, %swap3A_777], %swap3A_780 {strides = array<i32>} : memref<4x64xi32, #tpu.memory_space<vmem>>, vector<1x16xi32>,
        %add3A_781 = arith.constant 32 : i32
        %add3A_782 = arith.addi %mul3A_720, %add3A_781 : i32
        %get3A_783 = arith.constant 0 : i32
        %get3A_784 = arith.constant 0 : i32
        %get3A_785 = arith.index_cast %get3A_783 : i32 to index
        %get3A_786 = arith.index_cast %get3A_784 : i32 to index
        %get3A_787 = arith.index_cast %add3A_782 : i32 to index
        %get3A_788 = tpu.vector_load %arg8[%get3A_785, %get3A_786, %get3A_787] {strides = array<i32>} : memref<2x2x128xi32, #tpu.memory_space<vmem>>, vector<1x1x16xi32>,
        %get3A_789 = vector.shape_cast %get3A_788 : vector<1x1x16xi32> to vector<16xi32>
        %swap3A_790 = arith.constant 0 : i32
        %swap3A_791 = arith.index_cast %swap3A_790 : i32 to index
        %swap3A_792 = arith.constant 32 : index
        %swap3A_793 = tpu.vector_load %arg9[%swap3A_791, %swap3A_792] {strides = array<i32>} : memref<4x64xi32, #tpu.memory_space<vmem>>, vector<1x16xi32>,
        %swap3A_794 = vector.shape_cast %swap3A_793 : vector<1x16xi32> to vector<16xi32>
        %swap3A_795 = vector.shape_cast %get3A_789 : vector<16xi32> to vector<1x16xi32>
        tpu.vector_store %arg9[%swap3A_791, %swap3A_792], %swap3A_795 {strides = array<i32>} : memref<4x64xi32, #tpu.memory_space<vmem>>, vector<1x16xi32>,
        %add3A_796 = arith.constant 32 : i32
        %add3A_797 = arith.addi %mul3A_720, %add3A_796 : i32
        %get3A_798 = arith.constant 0 : i32
        %get3A_799 = arith.constant 1 : i32
        %get3A_800 = arith.index_cast %get3A_798 : i32 to index
        %get3A_801 = arith.index_cast %get3A_799 : i32 to index
        %get3A_802 = arith.index_cast %add3A_797 : i32 to index
        %get3A_803 = tpu.vector_load %arg8[%get3A_800, %get3A_801, %get3A_802] {strides = array<i32>} : memref<2x2x128xi32, #tpu.memory_space<vmem>>, vector<1x1x16xi32>,
        %get3A_804 = vector.shape_cast %get3A_803 : vector<1x1x16xi32> to vector<16xi32>
        %swap3A_805 = arith.constant 0 : i32
        %swap3A_806 = arith.index_cast %swap3A_805 : i32 to index
        %swap3A_807 = arith.constant 32 : index
        %swap3A_808 = tpu.vector_load %arg10[%swap3A_806, %swap3A_807] {strides = array<i32>} : memref<4x64xi32, #tpu.memory_space<vmem>>, vector<1x16xi32>,
        %swap3A_809 = vector.shape_cast %swap3A_808 : vector<1x16xi32> to vector<16xi32>
        %swap3A_810 = vector.shape_cast %get3A_804 : vector<16xi32> to vector<1x16xi32>
        tpu.vector_store %arg10[%swap3A_806, %swap3A_807], %swap3A_810 {strides = array<i32>} : memref<4x64xi32, #tpu.memory_space<vmem>>, vector<1x16xi32>,
        %add3A_811 = arith.constant 48 : i32
        %add3A_812 = arith.addi %mul3A_720, %add3A_811 : i32
        %get3A_813 = arith.constant 0 : i32
        %get3A_814 = arith.constant 0 : i32
        %get3A_815 = arith.index_cast %get3A_813 : i32 to index
        %get3A_816 = arith.index_cast %get3A_814 : i32 to index
        %get3A_817 = arith.index_cast %add3A_812 : i32 to index
        %get3A_818 = tpu.vector_load %arg8[%get3A_815, %get3A_816, %get3A_817] {strides = array<i32>} : memref<2x2x128xi32, #tpu.memory_space<vmem>>, vector<1x1x16xi32>,
        %get3A_819 = vector.shape_cast %get3A_818 : vector<1x1x16xi32> to vector<16xi32>
        %swap3A_820 = arith.constant 0 : i32
        %swap3A_821 = arith.index_cast %swap3A_820 : i32 to index
        %swap3A_822 = arith.constant 48 : index
        %swap3A_823 = tpu.vector_load %arg9[%swap3A_821, %swap3A_822] {strides = array<i32>} : memref<4x64xi32, #tpu.memory_space<vmem>>, vector<1x16xi32>,
        %swap3A_824 = vector.shape_cast %swap3A_823 : vector<1x16xi32> to vector<16xi32>
        %swap3A_825 = vector.shape_cast %get3A_819 : vector<16xi32> to vector<1x16xi32>
        tpu.vector_store %arg9[%swap3A_821, %swap3A_822], %swap3A_825 {strides = array<i32>} : memref<4x64xi32, #tpu.memory_space<vmem>>, vector<1x16xi32>,
        %add3A_826 = arith.constant 48 : i32
        %add3A_827 = arith.addi %mul3A_720, %add3A_826 : i32
        %get3A_828 = arith.constant 0 : i32
        %get3A_829 = arith.constant 1 : i32
        %get3A_830 = arith.index_cast %get3A_828 : i32 to index
        %get3A_831 = arith.index_cast %get3A_829 : i32 to index
        %get3A_832 = arith.index_cast %add3A_827 : i32 to index
        %get3A_833 = tpu.vector_load %arg8[%get3A_830, %get3A_831, %get3A_832] {strides = array<i32>} : memref<2x2x128xi32, #tpu.memory_space<vmem>>, vector<1x1x16xi32>,
        %get3A_834 = vector.shape_cast %get3A_833 : vector<1x1x16xi32> to vector<16xi32>
        %swap3A_835 = arith.constant 0 : i32
        %swap3A_836 = arith.index_cast %swap3A_835 : i32 to index
        %swap3A_837 = arith.constant 48 : index
        %swap3A_838 = tpu.vector_load %arg10[%swap3A_836, %swap3A_837] {strides = array<i32>} : memref<4x64xi32, #tpu.memory_space<vmem>>, vector<1x16xi32>,
        %swap3A_839 = vector.shape_cast %swap3A_838 : vector<1x16xi32> to vector<16xi32>
        %swap3A_840 = vector.shape_cast %get3A_834 : vector<16xi32> to vector<1x16xi32>
        tpu.vector_store %arg10[%swap3A_836, %swap3A_837], %swap3A_840 {strides = array<i32>} : memref<4x64xi32, #tpu.memory_space<vmem>>, vector<1x16xi32>,
        %dma_start3A_841 = arith.constant 0 : i32
        %dma_start3A_842 = arith.constant 0 : i32
        %dma_start3A_843 = arith.constant 0 : i32
        %dma_start3A_844 = arith.constant 0 : i32
        %dma_start3A_845 = tpu.memref_slice %arg11[%dma_start3A_842, %dma_start3A_843, %dma_start3A_844] : memref<4x64x128xf32, #tpu.memory_space<vmem>> -> memref<1x64x128xf32, #tpu.memory_space<vmem>>
        %dma_start3A_846 = tpu.memref_squeeze %dma_start3A_845 : memref<1x64x128xf32, #tpu.memory_space<vmem>> -> memref<64x128xf32, #tpu.memory_space<vmem>>
        %dma_start3A_847 = arith.constant 0 : i32
        %dma_start3A_848 = tpu.memref_slice %arg9[%dma_start3A_841, %dma_start3A_847] : memref<4x64xi32, #tpu.memory_space<vmem>> -> memref<1x64xi32, #tpu.memory_space<vmem>>
        %dma_start3A_849 = tpu.memref_squeeze %dma_start3A_848 : memref<1x64xi32, #tpu.memory_space<vmem>> -> memref<64xi32, #tpu.memory_space<vmem>>
        %dma_start3A_850 = arith.constant 0 : i32
        %dma_start3A_851 = arith.constant 0 : i32
        %dma_start3A_852 = tpu.memref_slice %arg4[%dma_start3A_850, %dma_start3A_851] : memref<10000x128xf32, #tpu.memory_space<hbm>> -> memref<10000x128xf32, #tpu.memory_space<hbm>>
        tpu.enqueue_indirect_dma source(%dma_start3A_852 : memref<10000x128xf32, #tpu.memory_space<hbm>>) target(%dma_start3A_846 : memref<64x128xf32, #tpu.memory_space<vmem>>) offsets(%dma_start3A_849 : memref<64xi32, #tpu.memory_space<vmem>>) semaphore(%arg14 : memref<!tpu.dma_semaphore, #tpu.memory_space<semaphore_mem>>)
      } else {
      }
      %mul3A_612 = arith.constant 4 : i32
      %mul3A_613 = arith.muli %add3A_587, %mul3A_612 : i32
      %add3A_614 = arith.constant 1 : i32
      %add3A_615 = arith.addi %mul3A_613, %add3A_614 : i32
      %dma_wait3A_616 = arith.constant 1 : i32
      %dma_wait3A_617 = arith.constant 1 : i32
      %dma_wait3A_618 = arith.constant 0 : i32
      %dma_wait3A_619 = arith.constant 0 : i32
      %dma_wait3A_620 = tpu.memref_slice %arg11[%dma_wait3A_617, %dma_wait3A_618, %dma_wait3A_619] : memref<4x64x128xf32, #tpu.memory_space<vmem>> -> memref<1x64x128xf32, #tpu.memory_space<vmem>>
      %dma_wait3A_621 = tpu.memref_squeeze %dma_wait3A_620 : memref<1x64x128xf32, #tpu.memory_space<vmem>> -> memref<64x128xf32, #tpu.memory_space<vmem>>
      %dma_wait3A_622 = arith.constant 0 : i32
      %dma_wait3A_623 = tpu.memref_slice %arg9[%dma_wait3A_616, %dma_wait3A_622] : memref<4x64xi32, #tpu.memory_space<vmem>> -> memref<1x64xi32, #tpu.memory_space<vmem>>
      %dma_wait3A_624 = tpu.memref_squeeze %dma_wait3A_623 : memref<1x64xi32, #tpu.memory_space<vmem>> -> memref<64xi32, #tpu.memory_space<vmem>>
      %dma_wait3A_625 = arith.constant 0 : i32
      %dma_wait3A_626 = arith.constant 0 : i32
      %dma_wait3A_627 = tpu.memref_slice %arg4[%dma_wait3A_625, %dma_wait3A_626] : memref<10000x128xf32, #tpu.memory_space<hbm>> -> memref<10000x128xf32, #tpu.memory_space<hbm>>
      tpu.wait_indirect_dma semaphore(%arg15 : memref<!tpu.dma_semaphore, #tpu.memory_space<semaphore_mem>>) src(%dma_wait3A_627 : memref<10000x128xf32, #tpu.memory_space<hbm>>) dst(%dma_wait3A_621 : memref<64x128xf32, #tpu.memory_space<vmem>>)
      %run_scoped3A_628 = arith.constant 1 : i32
      %run_scoped3A_629 = arith.constant 1 : i32
      "tpu.region"() ({
        %run_scoped3A_687 = tpu.sem_alloc : memref<!tpu.dma_semaphore, #tpu.memory_space<semaphore_mem>>
        %dma_start3A_688 = arith.constant 0 : i32
        %dma_start3A_689 = arith.constant 0 : i32
        %dma_start3A_690 = tpu.memref_slice %arg11[%run_scoped3A_628, %dma_start3A_688, %dma_start3A_689] : memref<4x64x128xf32, #tpu.memory_space<vmem>> -> memref<1x64x128xf32, #tpu.memory_space<vmem>>
        %dma_start3A_691 = tpu.memref_squeeze %dma_start3A_690 : memref<1x64x128xf32, #tpu.memory_space<vmem>> -> memref<64x128xf32, #tpu.memory_space<vmem>>
        %dma_start3A_692 = arith.constant 0 : i32
        %dma_start3A_693 = tpu.memref_slice %arg10[%run_scoped3A_629, %dma_start3A_692] : memref<4x64xi32, #tpu.memory_space<vmem>> -> memref<1x64xi32, #tpu.memory_space<vmem>>
        %dma_start3A_694 = tpu.memref_squeeze %dma_start3A_693 : memref<1x64xi32, #tpu.memory_space<vmem>> -> memref<64xi32, #tpu.memory_space<vmem>>
        %dma_start3A_695 = arith.constant 0 : i32
        %dma_start3A_696 = arith.constant 0 : i32
        %dma_start3A_697 = tpu.memref_slice %arg24[%dma_start3A_695, %dma_start3A_696] : memref<10240x128xf32, #tpu.memory_space<vmem_shared>> -> memref<10240x128xf32, #tpu.memory_space<vmem_shared>>
        tpu.enqueue_indirect_dma source(%dma_start3A_691 : memref<64x128xf32, #tpu.memory_space<vmem>>) target(%dma_start3A_697 : memref<10240x128xf32, #tpu.memory_space<vmem_shared>>) offsets(%dma_start3A_694 : memref<64xi32, #tpu.memory_space<vmem>>) semaphore(%run_scoped3A_687 : memref<!tpu.dma_semaphore, #tpu.memory_space<semaphore_mem>>) {add = true}
        %dma_wait3A_698 = arith.constant 0 : i32
        %dma_wait3A_699 = arith.constant 0 : i32
        %dma_wait3A_700 = tpu.memref_slice %arg11[%run_scoped3A_628, %dma_wait3A_698, %dma_wait3A_699] : memref<4x64x128xf32, #tpu.memory_space<vmem>> -> memref<1x64x128xf32, #tpu.memory_space<vmem>>
        %dma_wait3A_701 = tpu.memref_squeeze %dma_wait3A_700 : memref<1x64x128xf32, #tpu.memory_space<vmem>> -> memref<64x128xf32, #tpu.memory_space<vmem>>
        %dma_wait3A_702 = arith.constant 0 : i32
        %dma_wait3A_703 = tpu.memref_slice %arg10[%run_scoped3A_629, %dma_wait3A_702] : memref<4x64xi32, #tpu.memory_space<vmem>> -> memref<1x64xi32, #tpu.memory_space<vmem>>
        %dma_wait3A_704 = tpu.memref_squeeze %dma_wait3A_703 : memref<1x64xi32, #tpu.memory_space<vmem>> -> memref<64xi32, #tpu.memory_space<vmem>>
        %dma_wait3A_705 = arith.constant 0 : i32
        %dma_wait3A_706 = arith.constant 0 : i32
        %dma_wait3A_707 = tpu.memref_slice %arg24[%dma_wait3A_705, %dma_wait3A_706] : memref<10240x128xf32, #tpu.memory_space<vmem_shared>> -> memref<10240x128xf32, #tpu.memory_space<vmem_shared>>
        tpu.wait_indirect_dma semaphore(%run_scoped3A_687 : memref<!tpu.dma_semaphore, #tpu.memory_space<semaphore_mem>>) src(%dma_wait3A_701 : memref<64x128xf32, #tpu.memory_space<vmem>>) dst(%dma_wait3A_707 : memref<10240x128xf32, #tpu.memory_space<vmem_shared>>)
        tpu.yield
      }) : () -> ()
      %add3A_630 = arith.constant 4 : i32
      %add3A_631 = arith.addi %add3A_615, %add3A_630 : i32
      %lt3A_632 = arith.constant 160 : i32
      %lt3A_633 = arith.cmpi slt, %add3A_631, %lt3A_632 : i32
      %convert_element_type3A_634 = arith.extui %lt3A_633 : i1 to i32
      %cond3A_635 = arith.constant 0 : i32
      %cond3A_636 = arith.cmpi ne, %convert_element_type3A_634, %cond3A_635 : i32
      scf.if %cond3A_636 {
        %add3A_687 = arith.constant 4 : i32
        %add3A_688 = arith.addi %add3A_615, %add3A_687 : i32
        %jit3A = arith.constant 2 : i32
        %eq3A_689 = arith.constant 0 : i32
        %eq3A_690 = arith.cmpi eq, %jit3A, %eq3A_689 : i32
        %jit3A_691 = arith.constant 1 : i32
        %select_n3A = arith.select %eq3A_690, %jit3A_691, %jit3A : i32
        %rem3A = arith.remsi %add3A_688, %select_n3A : i32
        %ne3A = arith.constant 0 : i32
        %ne3A_692 = arith.cmpi ne, %rem3A, %ne3A : i32
        %lt3A_693 = arith.constant 0 : i32
        %lt3A_694 = arith.cmpi slt, %rem3A, %lt3A_693 : i32
        %lt3A_695 = arith.constant 0 : i32
        %lt3A_696 = arith.cmpi slt, %select_n3A, %lt3A_695 : i32
        %ne3A_697 = arith.xori %lt3A_694, %lt3A_696 : i1
        %and3A_698 = arith.andi %ne3A_697, %ne3A_692 : i1
        %add3A_699 = arith.addi %rem3A, %select_n3A : i32
        %select_n3A_700 = arith.select %and3A_698, %add3A_699, %rem3A : i32
        %mul3A_701 = arith.constant 64 : i32
        %mul3A_702 = arith.muli %select_n3A_700, %mul3A_701 : i32
        %add3A_703 = arith.constant 0 : i32
        %add3A_704 = arith.addi %mul3A_702, %add3A_703 : i32
        %get3A_705 = arith.constant 0 : i32
        %get3A_706 = arith.constant 0 : i32
        %get3A_707 = arith.index_cast %get3A_705 : i32 to index
        %get3A_708 = arith.index_cast %get3A_706 : i32 to index
        %get3A_709 = arith.index_cast %add3A_704 : i32 to index
        %get3A_710 = tpu.vector_load %arg8[%get3A_707, %get3A_708, %get3A_709] {strides = array<i32>} : memref<2x2x128xi32, #tpu.memory_space<vmem>>, vector<1x1x16xi32>,
        %get3A_711 = vector.shape_cast %get3A_710 : vector<1x1x16xi32> to vector<16xi32>
        %swap3A_712 = arith.constant 1 : i32
        %swap3A_713 = arith.index_cast %swap3A_712 : i32 to index
        %swap3A_714 = arith.constant 0 : index
        %swap3A_715 = tpu.vector_load %arg9[%swap3A_713, %swap3A_714] {strides = array<i32>} : memref<4x64xi32, #tpu.memory_space<vmem>>, vector<1x16xi32>,
        %swap3A_716 = vector.shape_cast %swap3A_715 : vector<1x16xi32> to vector<16xi32>
        %swap3A_717 = vector.shape_cast %get3A_711 : vector<16xi32> to vector<1x16xi32>
        tpu.vector_store %arg9[%swap3A_713, %swap3A_714], %swap3A_717 {strides = array<i32>} : memref<4x64xi32, #tpu.memory_space<vmem>>, vector<1x16xi32>,
        %add3A_718 = arith.constant 0 : i32
        %add3A_719 = arith.addi %mul3A_702, %add3A_718 : i32
        %get3A_720 = arith.constant 0 : i32
        %get3A_721 = arith.constant 1 : i32
        %get3A_722 = arith.index_cast %get3A_720 : i32 to index
        %get3A_723 = arith.index_cast %get3A_721 : i32 to index
        %get3A_724 = arith.index_cast %add3A_719 : i32 to index
        %get3A_725 = tpu.vector_load %arg8[%get3A_722, %get3A_723, %get3A_724] {strides = array<i32>} : memref<2x2x128xi32, #tpu.memory_space<vmem>>, vector<1x1x16xi32>,
        %get3A_726 = vector.shape_cast %get3A_725 : vector<1x1x16xi32> to vector<16xi32>
        %swap3A_727 = arith.constant 1 : i32
        %swap3A_728 = arith.index_cast %swap3A_727 : i32 to index
        %swap3A_729 = arith.constant 0 : index
        %swap3A_730 = tpu.vector_load %arg10[%swap3A_728, %swap3A_729] {strides = array<i32>} : memref<4x64xi32, #tpu.memory_space<vmem>>, vector<1x16xi32>,
        %swap3A_731 = vector.shape_cast %swap3A_730 : vector<1x16xi32> to vector<16xi32>
        %swap3A_732 = vector.shape_cast %get3A_726 : vector<16xi32> to vector<1x16xi32>
        tpu.vector_store %arg10[%swap3A_728, %swap3A_729], %swap3A_732 {strides = array<i32>} : memref<4x64xi32, #tpu.memory_space<vmem>>, vector<1x16xi32>,
        %add3A_733 = arith.constant 16 : i32
        %add3A_734 = arith.addi %mul3A_702, %add3A_733 : i32
        %get3A_735 = arith.constant 0 : i32
        %get3A_736 = arith.constant 0 : i32
        %get3A_737 = arith.index_cast %get3A_735 : i32 to index
        %get3A_738 = arith.index_cast %get3A_736 : i32 to index
        %get3A_739 = arith.index_cast %add3A_734 : i32 to index
        %get3A_740 = tpu.vector_load %arg8[%get3A_737, %get3A_738, %get3A_739] {strides = array<i32>} : memref<2x2x128xi32, #tpu.memory_space<vmem>>, vector<1x1x16xi32>,
        %get3A_741 = vector.shape_cast %get3A_740 : vector<1x1x16xi32> to vector<16xi32>
        %swap3A_742 = arith.constant 1 : i32
        %swap3A_743 = arith.index_cast %swap3A_742 : i32 to index
        %swap3A_744 = arith.constant 16 : index
        %swap3A_745 = tpu.vector_load %arg9[%swap3A_743, %swap3A_744] {strides = array<i32>} : memref<4x64xi32, #tpu.memory_space<vmem>>, vector<1x16xi32>,
        %swap3A_746 = vector.shape_cast %swap3A_745 : vector<1x16xi32> to vector<16xi32>
        %swap3A_747 = vector.shape_cast %get3A_741 : vector<16xi32> to vector<1x16xi32>
        tpu.vector_store %arg9[%swap3A_743, %swap3A_744], %swap3A_747 {strides = array<i32>} : memref<4x64xi32, #tpu.memory_space<vmem>>, vector<1x16xi32>,
        %add3A_748 = arith.constant 16 : i32
        %add3A_749 = arith.addi %mul3A_702, %add3A_748 : i32
        %get3A_750 = arith.constant 0 : i32
        %get3A_751 = arith.constant 1 : i32
        %get3A_752 = arith.index_cast %get3A_750 : i32 to index
        %get3A_753 = arith.index_cast %get3A_751 : i32 to index
        %get3A_754 = arith.index_cast %add3A_749 : i32 to index
        %get3A_755 = tpu.vector_load %arg8[%get3A_752, %get3A_753, %get3A_754] {strides = array<i32>} : memref<2x2x128xi32, #tpu.memory_space<vmem>>, vector<1x1x16xi32>,
        %get3A_756 = vector.shape_cast %get3A_755 : vector<1x1x16xi32> to vector<16xi32>
        %swap3A_757 = arith.constant 1 : i32
        %swap3A_758 = arith.index_cast %swap3A_757 : i32 to index
        %swap3A_759 = arith.constant 16 : index
        %swap3A_760 = tpu.vector_load %arg10[%swap3A_758, %swap3A_759] {strides = array<i32>} : memref<4x64xi32, #tpu.memory_space<vmem>>, vector<1x16xi32>,
        %swap3A_761 = vector.shape_cast %swap3A_760 : vector<1x16xi32> to vector<16xi32>
        %swap3A_762 = vector.shape_cast %get3A_756 : vector<16xi32> to vector<1x16xi32>
        tpu.vector_store %arg10[%swap3A_758, %swap3A_759], %swap3A_762 {strides = array<i32>} : memref<4x64xi32, #tpu.memory_space<vmem>>, vector<1x16xi32>,
        %add3A_763 = arith.constant 32 : i32
        %add3A_764 = arith.addi %mul3A_702, %add3A_763 : i32
        %get3A_765 = arith.constant 0 : i32
        %get3A_766 = arith.constant 0 : i32
        %get3A_767 = arith.index_cast %get3A_765 : i32 to index
        %get3A_768 = arith.index_cast %get3A_766 : i32 to index
        %get3A_769 = arith.index_cast %add3A_764 : i32 to index
        %get3A_770 = tpu.vector_load %arg8[%get3A_767, %get3A_768, %get3A_769] {strides = array<i32>} : memref<2x2x128xi32, #tpu.memory_space<vmem>>, vector<1x1x16xi32>,
        %get3A_771 = vector.shape_cast %get3A_770 : vector<1x1x16xi32> to vector<16xi32>
        %swap3A_772 = arith.constant 1 : i32
        %swap3A_773 = arith.index_cast %swap3A_772 : i32 to index
        %swap3A_774 = arith.constant 32 : index
        %swap3A_775 = tpu.vector_load %arg9[%swap3A_773, %swap3A_774] {strides = array<i32>} : memref<4x64xi32, #tpu.memory_space<vmem>>, vector<1x16xi32>,
        %swap3A_776 = vector.shape_cast %swap3A_775 : vector<1x16xi32> to vector<16xi32>
        %swap3A_777 = vector.shape_cast %get3A_771 : vector<16xi32> to vector<1x16xi32>
        tpu.vector_store %arg9[%swap3A_773, %swap3A_774], %swap3A_777 {strides = array<i32>} : memref<4x64xi32, #tpu.memory_space<vmem>>, vector<1x16xi32>,
        %add3A_778 = arith.constant 32 : i32
        %add3A_779 = arith.addi %mul3A_702, %add3A_778 : i32
        %get3A_780 = arith.constant 0 : i32
        %get3A_781 = arith.constant 1 : i32
        %get3A_782 = arith.index_cast %get3A_780 : i32 to index
        %get3A_783 = arith.index_cast %get3A_781 : i32 to index
        %get3A_784 = arith.index_cast %add3A_779 : i32 to index
        %get3A_785 = tpu.vector_load %arg8[%get3A_782, %get3A_783, %get3A_784] {strides = array<i32>} : memref<2x2x128xi32, #tpu.memory_space<vmem>>, vector<1x1x16xi32>,
        %get3A_786 = vector.shape_cast %get3A_785 : vector<1x1x16xi32> to vector<16xi32>
        %swap3A_787 = arith.constant 1 : i32
        %swap3A_788 = arith.index_cast %swap3A_787 : i32 to index
        %swap3A_789 = arith.constant 32 : index
        %swap3A_790 = tpu.vector_load %arg10[%swap3A_788, %swap3A_789] {strides = array<i32>} : memref<4x64xi32, #tpu.memory_space<vmem>>, vector<1x16xi32>,
        %swap3A_791 = vector.shape_cast %swap3A_790 : vector<1x16xi32> to vector<16xi32>
        %swap3A_792 = vector.shape_cast %get3A_786 : vector<16xi32> to vector<1x16xi32>
        tpu.vector_store %arg10[%swap3A_788, %swap3A_789], %swap3A_792 {strides = array<i32>} : memref<4x64xi32, #tpu.memory_space<vmem>>, vector<1x16xi32>,
        %add3A_793 = arith.constant 48 : i32
        %add3A_794 = arith.addi %mul3A_702, %add3A_793 : i32
        %get3A_795 = arith.constant 0 : i32
        %get3A_796 = arith.constant 0 : i32
        %get3A_797 = arith.index_cast %get3A_795 : i32 to index
        %get3A_798 = arith.index_cast %get3A_796 : i32 to index
        %get3A_799 = arith.index_cast %add3A_794 : i32 to index
        %get3A_800 = tpu.vector_load %arg8[%get3A_797, %get3A_798, %get3A_799] {strides = array<i32>} : memref<2x2x128xi32, #tpu.memory_space<vmem>>, vector<1x1x16xi32>,
        %get3A_801 = vector.shape_cast %get3A_800 : vector<1x1x16xi32> to vector<16xi32>
        %swap3A_802 = arith.constant 1 : i32
        %swap3A_803 = arith.index_cast %swap3A_802 : i32 to index
        %swap3A_804 = arith.constant 48 : index
        %swap3A_805 = tpu.vector_load %arg9[%swap3A_803, %swap3A_804] {strides = array<i32>} : memref<4x64xi32, #tpu.memory_space<vmem>>, vector<1x16xi32>,
        %swap3A_806 = vector.shape_cast %swap3A_805 : vector<1x16xi32> to vector<16xi32>
        %swap3A_807 = vector.shape_cast %get3A_801 : vector<16xi32> to vector<1x16xi32>
        tpu.vector_store %arg9[%swap3A_803, %swap3A_804], %swap3A_807 {strides = array<i32>} : memref<4x64xi32, #tpu.memory_space<vmem>>, vector<1x16xi32>,
        %add3A_808 = arith.constant 48 : i32
        %add3A_809 = arith.addi %mul3A_702, %add3A_808 : i32
        %get3A_810 = arith.constant 0 : i32
        %get3A_811 = arith.constant 1 : i32
        %get3A_812 = arith.index_cast %get3A_810 : i32 to index
        %get3A_813 = arith.index_cast %get3A_811 : i32 to index
        %get3A_814 = arith.index_cast %add3A_809 : i32 to index
        %get3A_815 = tpu.vector_load %arg8[%get3A_812, %get3A_813, %get3A_814] {strides = array<i32>} : memref<2x2x128xi32, #tpu.memory_space<vmem>>, vector<1x1x16xi32>,
        %get3A_816 = vector.shape_cast %get3A_815 : vector<1x1x16xi32> to vector<16xi32>
        %swap3A_817 = arith.constant 1 : i32
        %swap3A_818 = arith.index_cast %swap3A_817 : i32 to index
        %swap3A_819 = arith.constant 48 : index
        %swap3A_820 = tpu.vector_load %arg10[%swap3A_818, %swap3A_819] {strides = array<i32>} : memref<4x64xi32, #tpu.memory_space<vmem>>, vector<1x16xi32>,
        %swap3A_821 = vector.shape_cast %swap3A_820 : vector<1x16xi32> to vector<16xi32>
        %swap3A_822 = vector.shape_cast %get3A_816 : vector<16xi32> to vector<1x16xi32>
        tpu.vector_store %arg10[%swap3A_818, %swap3A_819], %swap3A_822 {strides = array<i32>} : memref<4x64xi32, #tpu.memory_space<vmem>>, vector<1x16xi32>,
        %dma_start3A_823 = arith.constant 1 : i32
        %dma_start3A_824 = arith.constant 1 : i32
        %dma_start3A_825 = arith.constant 0 : i32
        %dma_start3A_826 = arith.constant 0 : i32
        %dma_start3A_827 = tpu.memref_slice %arg11[%dma_start3A_824, %dma_start3A_825, %dma_start3A_826] : memref<4x64x128xf32, #tpu.memory_space<vmem>> -> memref<1x64x128xf32, #tpu.memory_space<vmem>>
        %dma_start3A_828 = tpu.memref_squeeze %dma_start3A_827 : memref<1x64x128xf32, #tpu.memory_space<vmem>> -> memref<64x128xf32, #tpu.memory_space<vmem>>
        %dma_start3A_829 = arith.constant 0 : i32
        %dma_start3A_830 = tpu.memref_slice %arg9[%dma_start3A_823, %dma_start3A_829] : memref<4x64xi32, #tpu.memory_space<vmem>> -> memref<1x64xi32, #tpu.memory_space<vmem>>
        %dma_start3A_831 = tpu.memref_squeeze %dma_start3A_830 : memref<1x64xi32, #tpu.memory_space<vmem>> -> memref<64xi32, #tpu.memory_space<vmem>>
        %dma_start3A_832 = arith.constant 0 : i32
        %dma_start3A_833 = arith.constant 0 : i32
        %dma_start3A_834 = tpu.memref_slice %arg4[%dma_start3A_832, %dma_start3A_833] : memref<10000x128xf32, #tpu.memory_space<hbm>> -> memref<10000x128xf32, #tpu.memory_space<hbm>>
        tpu.enqueue_indirect_dma source(%dma_start3A_834 : memref<10000x128xf32, #tpu.memory_space<hbm>>) target(%dma_start3A_828 : memref<64x128xf32, #tpu.memory_space<vmem>>) offsets(%dma_start3A_831 : memref<64xi32, #tpu.memory_space<vmem>>) semaphore(%arg15 : memref<!tpu.dma_semaphore, #tpu.memory_space<semaphore_mem>>)
        %mul3A_835 = arith.constant 2 : i32
        %mul3A_836 = arith.muli %mul3A_835, %add3A_587 : i32
        %add3A_837 = arith.constant 4 : i32
        %add3A_838 = arith.addi %mul3A_836, %add3A_837 : i32
        %add3A_839 = arith.constant 0 : i32
        %add3A_840 = arith.addi %add3A_838, %add3A_839 : i32
        %lt3A_841 = arith.constant 80 : i32
        %lt3A_842 = arith.cmpi slt, %add3A_840, %lt3A_841 : i32
        %convert_element_type3A_843 = arith.extui %lt3A_842 : i1 to i32
        %cond3A_844 = arith.constant 0 : i32
        %cond3A_845 = arith.cmpi ne, %convert_element_type3A_843, %cond3A_844 : i32
        scf.if %cond3A_845 {
          %eq3A_846 = arith.constant 31 : i32
          %eq3A_847 = arith.cmpi eq, %add3A, %eq3A_846 : i32
          %ge3A = arith.constant 20 : i32
          %ge3A_848 = arith.cmpi sge, %add3A_840, %ge3A : i32
          %and3A_849 = arith.andi %eq3A_847, %ge3A_848 : i1
          %convert_element_type3A_850 = arith.extui %and3A_849 : i1 to i32
          %cond3A_851 = arith.constant 0 : i32
          %cond3A_852 = arith.cmpi ne, %convert_element_type3A_850, %cond3A_851 : i32
          scf.if %cond3A_852 {
            %sub3A = arith.constant 20 : i32
            %sub3A_858 = arith.subi %add3A_840, %sub3A : i32
            %dma_start3A_859 = arith.constant 0 : i32
            %dma_start3A_860 = arith.constant 0 : i32
            %dma_start3A_861 = arith.constant 0 : i32
            %dma_start3A_862 = tpu.memref_slice %arg8[%dma_start3A_859, %dma_start3A_860, %dma_start3A_861] : memref<2x2x128xi32, #tpu.memory_space<vmem>> -> memref<1x2x128xi32, #tpu.memory_space<vmem>>
            %dma_start3A_863 = tpu.memref_squeeze %dma_start3A_862 : memref<1x2x128xi32, #tpu.memory_space<vmem>> -> memref<2x128xi32, #tpu.memory_space<vmem>>
            %dma_start3A_864 = arith.constant 0 : i32
            %dma_start3A_865 = arith.constant 0 : i32
            %dma_start3A_866 = tpu.memref_slice %arg3[%sub3A_858, %dma_start3A_864, %dma_start3A_865] : memref<60x2x128xi32, #tpu.memory_space<hbm>> -> memref<1x2x128xi32, #tpu.memory_space<hbm>>
            %dma_start3A_867 = tpu.memref_squeeze %dma_start3A_866 : memref<1x2x128xi32, #tpu.memory_space<hbm>> -> memref<2x128xi32, #tpu.memory_space<hbm>>
            %dma_start3A_868 = arith.constant 0 : i32
            %dma_start3A_869 = arith.constant 0 : i32
            %dma_start3A_870 = tpu.memref_slice %arg8[%dma_start3A_859, %dma_start3A_868, %dma_start3A_869] : memref<2x2x128xi32, #tpu.memory_space<vmem>> -> memref<1x2x128xi32, #tpu.memory_space<vmem>>
            %dma_start3A_871 = tpu.memref_squeeze %dma_start3A_870 : memref<1x2x128xi32, #tpu.memory_space<vmem>> -> memref<2x128xi32, #tpu.memory_space<vmem>>
            %dma_start3A_872 = arith.constant 0 : i32
            %dma_start3A_873 = arith.constant 0 : i32
            %dma_start3A_874 = tpu.memref_slice %arg3[%sub3A_858, %dma_start3A_872, %dma_start3A_873] : memref<60x2x128xi32, #tpu.memory_space<hbm>> -> memref<1x2x128xi32, #tpu.memory_space<hbm>>
            %dma_start3A_875 = tpu.memref_squeeze %dma_start3A_874 : memref<1x2x128xi32, #tpu.memory_space<hbm>> -> memref<2x128xi32, #tpu.memory_space<hbm>>
            tpu.enqueue_dma source(%dma_start3A_875 : memref<2x128xi32, #tpu.memory_space<hbm>>) target(%dma_start3A_871 : memref<2x128xi32, #tpu.memory_space<vmem>>) target_semaphore(%arg22 : memref<!tpu.dma_semaphore, #tpu.memory_space<semaphore_mem>>)
          } else {
          }
          %not3A_853 = arith.constant true
          %not3A_854 = arith.xori %and3A_849, %not3A_853 : i1
          %convert_element_type3A_855 = arith.extui %not3A_854 : i1 to i32
          %cond3A_856 = arith.constant 0 : i32
          %cond3A_857 = arith.cmpi ne, %convert_element_type3A_855, %cond3A_856 : i32
          scf.if %cond3A_857 {
            %mul3A_858 = arith.constant 10240 : i32
            %mul3A_859 = arith.muli %add3A, %mul3A_858 : i32
            %mul3A_860 = arith.constant 2 : i32
            %mul3A_861 = arith.muli %add3A_840, %mul3A_860 : i32
            %mul3A_862 = arith.constant 64 : i32
            %mul3A_863 = arith.muli %mul3A_861, %mul3A_862 : i32
            %add3A_864 = arith.addi %mul3A_859, %mul3A_863 : i32
            %dma_start3A_865 = arith.constant 0 : i32
            %dma_start3A_866 = arith.constant 0 : i32
            %dma_start3A_867 = arith.constant 0 : i32
            %dma_start3A_868 = tpu.memref_slice %arg8[%dma_start3A_865, %dma_start3A_866, %dma_start3A_867] : memref<2x2x128xi32, #tpu.memory_space<vmem>> -> memref<1x2x128xi32, #tpu.memory_space<vmem>>
            %dma_start3A_869 = tpu.memref_squeeze %dma_start3A_868 : memref<1x2x128xi32, #tpu.memory_space<vmem>> -> memref<2x128xi32, #tpu.memory_space<vmem>>
            %dma_start3A_870 = arith.constant 0 : i32
            %dma_start3A_871 = tpu.memref_slice %arg2[%dma_start3A_870, %add3A_864] : memref<2x320000xi32, #tpu.memory_space<hbm>> -> memref<2x128xi32, #tpu.memory_space<hbm>>
            %dma_start3A_872 = arith.constant 0 : i32
            %dma_start3A_873 = arith.constant 0 : i32
            %dma_start3A_874 = tpu.memref_slice %arg8[%dma_start3A_865, %dma_start3A_872, %dma_start3A_873] : memref<2x2x128xi32, #tpu.memory_space<vmem>> -> memref<1x2x128xi32, #tpu.memory_space<vmem>>
            %dma_start3A_875 = tpu.memref_squeeze %dma_start3A_874 : memref<1x2x128xi32, #tpu.memory_space<vmem>> -> memref<2x128xi32, #tpu.memory_space<vmem>>
            %dma_start3A_876 = arith.constant 0 : i32
            %dma_start3A_877 = tpu.memref_slice %arg2[%dma_start3A_876, %add3A_864] : memref<2x320000xi32, #tpu.memory_space<hbm>> -> memref<2x128xi32, #tpu.memory_space<hbm>>
            tpu.enqueue_dma source(%dma_start3A_877 : memref<2x128xi32, #tpu.memory_space<hbm>>) target(%dma_start3A_875 : memref<2x128xi32, #tpu.memory_space<vmem>>) target_semaphore(%arg22 : memref<!tpu.dma_semaphore, #tpu.memory_space<semaphore_mem>>)
          } else {
          }
        } else {
        }
      } else {
      }
      %mul3A_637 = arith.constant 4 : i32
      %mul3A_638 = arith.muli %add3A_587, %mul3A_637 : i32
      %add3A_639 = arith.constant 2 : i32
      %add3A_640 = arith.addi %mul3A_638, %add3A_639 : i32
      %dma_wait3A_641 = arith.constant 2 : i32
      %dma_wait3A_642 = arith.constant 2 : i32
      %dma_wait3A_643 = arith.constant 0 : i32
      %dma_wait3A_644 = arith.constant 0 : i32
      %dma_wait3A_645 = tpu.memref_slice %arg11[%dma_wait3A_642, %dma_wait3A_643, %dma_wait3A_644] : memref<4x64x128xf32, #tpu.memory_space<vmem>> -> memref<1x64x128xf32, #tpu.memory_space<vmem>>
      %dma_wait3A_646 = tpu.memref_squeeze %dma_wait3A_645 : memref<1x64x128xf32, #tpu.memory_space<vmem>> -> memref<64x128xf32, #tpu.memory_space<vmem>>
      %dma_wait3A_647 = arith.constant 0 : i32
      %dma_wait3A_648 = tpu.memref_slice %arg9[%dma_wait3A_641, %dma_wait3A_647] : memref<4x64xi32, #tpu.memory_space<vmem>> -> memref<1x64xi32, #tpu.memory_space<vmem>>
      %dma_wait3A_649 = tpu.memref_squeeze %dma_wait3A_648 : memref<1x64xi32, #tpu.memory_space<vmem>> -> memref<64xi32, #tpu.memory_space<vmem>>
      %dma_wait3A_650 = arith.constant 0 : i32
      %dma_wait3A_651 = arith.constant 0 : i32
      %dma_wait3A_652 = tpu.memref_slice %arg4[%dma_wait3A_650, %dma_wait3A_651] : memref<10000x128xf32, #tpu.memory_space<hbm>> -> memref<10000x128xf32, #tpu.memory_space<hbm>>
      tpu.wait_indirect_dma semaphore(%arg16 : memref<!tpu.dma_semaphore, #tpu.memory_space<semaphore_mem>>) src(%dma_wait3A_652 : memref<10000x128xf32, #tpu.memory_space<hbm>>) dst(%dma_wait3A_646 : memref<64x128xf32, #tpu.memory_space<vmem>>)
      %run_scoped3A_653 = arith.constant 2 : i32
      %run_scoped3A_654 = arith.constant 2 : i32
      "tpu.region"() ({
        %run_scoped3A_687 = tpu.sem_alloc : memref<!tpu.dma_semaphore, #tpu.memory_space<semaphore_mem>>
        %dma_start3A_688 = arith.constant 0 : i32
        %dma_start3A_689 = arith.constant 0 : i32
        %dma_start3A_690 = tpu.memref_slice %arg11[%run_scoped3A_653, %dma_start3A_688, %dma_start3A_689] : memref<4x64x128xf32, #tpu.memory_space<vmem>> -> memref<1x64x128xf32, #tpu.memory_space<vmem>>
        %dma_start3A_691 = tpu.memref_squeeze %dma_start3A_690 : memref<1x64x128xf32, #tpu.memory_space<vmem>> -> memref<64x128xf32, #tpu.memory_space<vmem>>
        %dma_start3A_692 = arith.constant 0 : i32
        %dma_start3A_693 = tpu.memref_slice %arg10[%run_scoped3A_654, %dma_start3A_692] : memref<4x64xi32, #tpu.memory_space<vmem>> -> memref<1x64xi32, #tpu.memory_space<vmem>>
        %dma_start3A_694 = tpu.memref_squeeze %dma_start3A_693 : memref<1x64xi32, #tpu.memory_space<vmem>> -> memref<64xi32, #tpu.memory_space<vmem>>
        %dma_start3A_695 = arith.constant 0 : i32
        %dma_start3A_696 = arith.constant 0 : i32
        %dma_start3A_697 = tpu.memref_slice %arg24[%dma_start3A_695, %dma_start3A_696] : memref<10240x128xf32, #tpu.memory_space<vmem_shared>> -> memref<10240x128xf32, #tpu.memory_space<vmem_shared>>
        tpu.enqueue_indirect_dma source(%dma_start3A_691 : memref<64x128xf32, #tpu.memory_space<vmem>>) target(%dma_start3A_697 : memref<10240x128xf32, #tpu.memory_space<vmem_shared>>) offsets(%dma_start3A_694 : memref<64xi32, #tpu.memory_space<vmem>>) semaphore(%run_scoped3A_687 : memref<!tpu.dma_semaphore, #tpu.memory_space<semaphore_mem>>) {add = true}
        %dma_wait3A_698 = arith.constant 0 : i32
        %dma_wait3A_699 = arith.constant 0 : i32
        %dma_wait3A_700 = tpu.memref_slice %arg11[%run_scoped3A_653, %dma_wait3A_698, %dma_wait3A_699] : memref<4x64x128xf32, #tpu.memory_space<vmem>> -> memref<1x64x128xf32, #tpu.memory_space<vmem>>
        %dma_wait3A_701 = tpu.memref_squeeze %dma_wait3A_700 : memref<1x64x128xf32, #tpu.memory_space<vmem>> -> memref<64x128xf32, #tpu.memory_space<vmem>>
        %dma_wait3A_702 = arith.constant 0 : i32
        %dma_wait3A_703 = tpu.memref_slice %arg10[%run_scoped3A_654, %dma_wait3A_702] : memref<4x64xi32, #tpu.memory_space<vmem>> -> memref<1x64xi32, #tpu.memory_space<vmem>>
        %dma_wait3A_704 = tpu.memref_squeeze %dma_wait3A_703 : memref<1x64xi32, #tpu.memory_space<vmem>> -> memref<64xi32, #tpu.memory_space<vmem>>
        %dma_wait3A_705 = arith.constant 0 : i32
        %dma_wait3A_706 = arith.constant 0 : i32
        %dma_wait3A_707 = tpu.memref_slice %arg24[%dma_wait3A_705, %dma_wait3A_706] : memref<10240x128xf32, #tpu.memory_space<vmem_shared>> -> memref<10240x128xf32, #tpu.memory_space<vmem_shared>>
        tpu.wait_indirect_dma semaphore(%run_scoped3A_687 : memref<!tpu.dma_semaphore, #tpu.memory_space<semaphore_mem>>) src(%dma_wait3A_701 : memref<64x128xf32, #tpu.memory_space<vmem>>) dst(%dma_wait3A_707 : memref<10240x128xf32, #tpu.memory_space<vmem_shared>>)
        tpu.yield
      }) : () -> ()
      %add3A_655 = arith.constant 4 : i32
      %add3A_656 = arith.addi %add3A_640, %add3A_655 : i32
      %lt3A_657 = arith.constant 160 : i32
      %lt3A_658 = arith.cmpi slt, %add3A_656, %lt3A_657 : i32
      %convert_element_type3A_659 = arith.extui %lt3A_658 : i1 to i32
      %cond3A_660 = arith.constant 0 : i32
      %cond3A_661 = arith.cmpi ne, %convert_element_type3A_659, %cond3A_660 : i32
      scf.if %cond3A_661 {
        %dma_wait3A_687 = arith.constant 0 : i32
        %dma_wait3A_688 = arith.constant 1 : i32
        %dma_wait3A_689 = arith.constant 0 : i32
        %dma_wait3A_690 = arith.constant 0 : i32
        %dma_wait3A_691 = tpu.memref_slice %arg8[%dma_wait3A_688, %dma_wait3A_689, %dma_wait3A_690] : memref<2x2x128xi32, #tpu.memory_space<vmem>> -> memref<1x2x128xi32, #tpu.memory_space<vmem>>
        %dma_wait3A_692 = tpu.memref_squeeze %dma_wait3A_691 : memref<1x2x128xi32, #tpu.memory_space<vmem>> -> memref<2x128xi32, #tpu.memory_space<vmem>>
        %dma_wait3A_693 = arith.constant 0 : i32
        %dma_wait3A_694 = arith.constant 0 : i32
        %dma_wait3A_695 = tpu.memref_slice %arg3[%dma_wait3A_687, %dma_wait3A_693, %dma_wait3A_694] : memref<60x2x128xi32, #tpu.memory_space<hbm>> -> memref<1x2x128xi32, #tpu.memory_space<hbm>>
        %dma_wait3A_696 = tpu.memref_squeeze %dma_wait3A_695 : memref<1x2x128xi32, #tpu.memory_space<hbm>> -> memref<2x128xi32, #tpu.memory_space<hbm>>
        %dma_wait3A_697 = arith.constant 0 : i32
        %dma_wait3A_698 = arith.constant 0 : i32
        %dma_wait3A_699 = tpu.memref_slice %arg8[%dma_wait3A_688, %dma_wait3A_697, %dma_wait3A_698] : memref<2x2x128xi32, #tpu.memory_space<vmem>> -> memref<1x2x128xi32, #tpu.memory_space<vmem>>
        %dma_wait3A_700 = tpu.memref_squeeze %dma_wait3A_699 : memref<1x2x128xi32, #tpu.memory_space<vmem>> -> memref<2x128xi32, #tpu.memory_space<vmem>>
        %dma_wait3A_701 = arith.constant 0 : i32
        %dma_wait3A_702 = arith.constant 0 : i32
        %dma_wait3A_703 = tpu.memref_slice %arg3[%dma_wait3A_687, %dma_wait3A_701, %dma_wait3A_702] : memref<60x2x128xi32, #tpu.memory_space<hbm>> -> memref<1x2x128xi32, #tpu.memory_space<hbm>>
        %dma_wait3A_704 = tpu.memref_squeeze %dma_wait3A_703 : memref<1x2x128xi32, #tpu.memory_space<hbm>> -> memref<2x128xi32, #tpu.memory_space<hbm>>
        tpu.wait_dma2 semaphore(%arg23 : memref<!tpu.dma_semaphore, #tpu.memory_space<semaphore_mem>>) src(%dma_wait3A_704 : memref<2x128xi32, #tpu.memory_space<hbm>>) dst(%dma_wait3A_700 : memref<2x128xi32, #tpu.memory_space<vmem>>)
        %add3A_705 = arith.constant 4 : i32
        %add3A_706 = arith.addi %add3A_640, %add3A_705 : i32
        %jit3A = arith.constant 2 : i32
        %eq3A_707 = arith.constant 0 : i32
        %eq3A_708 = arith.cmpi eq, %jit3A, %eq3A_707 : i32
        %jit3A_709 = arith.constant 1 : i32
        %select_n3A = arith.select %eq3A_708, %jit3A_709, %jit3A : i32
        %rem3A = arith.remsi %add3A_706, %select_n3A : i32
        %ne3A = arith.constant 0 : i32
        %ne3A_710 = arith.cmpi ne, %rem3A, %ne3A : i32
        %lt3A_711 = arith.constant 0 : i32
        %lt3A_712 = arith.cmpi slt, %rem3A, %lt3A_711 : i32
        %lt3A_713 = arith.constant 0 : i32
        %lt3A_714 = arith.cmpi slt, %select_n3A, %lt3A_713 : i32
        %ne3A_715 = arith.xori %lt3A_712, %lt3A_714 : i1
        %and3A_716 = arith.andi %ne3A_715, %ne3A_710 : i1
        %add3A_717 = arith.addi %rem3A, %select_n3A : i32
        %select_n3A_718 = arith.select %and3A_716, %add3A_717, %rem3A : i32
        %mul3A_719 = arith.constant 64 : i32
        %mul3A_720 = arith.muli %select_n3A_718, %mul3A_719 : i32
        %add3A_721 = arith.constant 0 : i32
        %add3A_722 = arith.addi %mul3A_720, %add3A_721 : i32
        %get3A_723 = arith.constant 1 : i32
        %get3A_724 = arith.constant 0 : i32
        %get3A_725 = arith.index_cast %get3A_723 : i32 to index
        %get3A_726 = arith.index_cast %get3A_724 : i32 to index
        %get3A_727 = arith.index_cast %add3A_722 : i32 to index
        %get3A_728 = tpu.vector_load %arg8[%get3A_725, %get3A_726, %get3A_727] {strides = array<i32>} : memref<2x2x128xi32, #tpu.memory_space<vmem>>, vector<1x1x16xi32>,
        %get3A_729 = vector.shape_cast %get3A_728 : vector<1x1x16xi32> to vector<16xi32>
        %swap3A_730 = arith.constant 2 : i32
        %swap3A_731 = arith.index_cast %swap3A_730 : i32 to index
        %swap3A_732 = arith.constant 0 : index
        %swap3A_733 = tpu.vector_load %arg9[%swap3A_731, %swap3A_732] {strides = array<i32>} : memref<4x64xi32, #tpu.memory_space<vmem>>, vector<1x16xi32>,
        %swap3A_734 = vector.shape_cast %swap3A_733 : vector<1x16xi32> to vector<16xi32>
        %swap3A_735 = vector.shape_cast %get3A_729 : vector<16xi32> to vector<1x16xi32>
        tpu.vector_store %arg9[%swap3A_731, %swap3A_732], %swap3A_735 {strides = array<i32>} : memref<4x64xi32, #tpu.memory_space<vmem>>, vector<1x16xi32>,
        %add3A_736 = arith.constant 0 : i32
        %add3A_737 = arith.addi %mul3A_720, %add3A_736 : i32
        %get3A_738 = arith.constant 1 : i32
        %get3A_739 = arith.constant 1 : i32
        %get3A_740 = arith.index_cast %get3A_738 : i32 to index
        %get3A_741 = arith.index_cast %get3A_739 : i32 to index
        %get3A_742 = arith.index_cast %add3A_737 : i32 to index
        %get3A_743 = tpu.vector_load %arg8[%get3A_740, %get3A_741, %get3A_742] {strides = array<i32>} : memref<2x2x128xi32, #tpu.memory_space<vmem>>, vector<1x1x16xi32>,
        %get3A_744 = vector.shape_cast %get3A_743 : vector<1x1x16xi32> to vector<16xi32>
        %swap3A_745 = arith.constant 2 : i32
        %swap3A_746 = arith.index_cast %swap3A_745 : i32 to index
        %swap3A_747 = arith.constant 0 : index
        %swap3A_748 = tpu.vector_load %arg10[%swap3A_746, %swap3A_747] {strides = array<i32>} : memref<4x64xi32, #tpu.memory_space<vmem>>, vector<1x16xi32>,
        %swap3A_749 = vector.shape_cast %swap3A_748 : vector<1x16xi32> to vector<16xi32>
        %swap3A_750 = vector.shape_cast %get3A_744 : vector<16xi32> to vector<1x16xi32>
        tpu.vector_store %arg10[%swap3A_746, %swap3A_747], %swap3A_750 {strides = array<i32>} : memref<4x64xi32, #tpu.memory_space<vmem>>, vector<1x16xi32>,
        %add3A_751 = arith.constant 16 : i32
        %add3A_752 = arith.addi %mul3A_720, %add3A_751 : i32
        %get3A_753 = arith.constant 1 : i32
        %get3A_754 = arith.constant 0 : i32
        %get3A_755 = arith.index_cast %get3A_753 : i32 to index
        %get3A_756 = arith.index_cast %get3A_754 : i32 to index
        %get3A_757 = arith.index_cast %add3A_752 : i32 to index
        %get3A_758 = tpu.vector_load %arg8[%get3A_755, %get3A_756, %get3A_757] {strides = array<i32>} : memref<2x2x128xi32, #tpu.memory_space<vmem>>, vector<1x1x16xi32>,
        %get3A_759 = vector.shape_cast %get3A_758 : vector<1x1x16xi32> to vector<16xi32>
        %swap3A_760 = arith.constant 2 : i32
        %swap3A_761 = arith.index_cast %swap3A_760 : i32 to index
        %swap3A_762 = arith.constant 16 : index
        %swap3A_763 = tpu.vector_load %arg9[%swap3A_761, %swap3A_762] {strides = array<i32>} : memref<4x64xi32, #tpu.memory_space<vmem>>, vector<1x16xi32>,
        %swap3A_764 = vector.shape_cast %swap3A_763 : vector<1x16xi32> to vector<16xi32>
        %swap3A_765 = vector.shape_cast %get3A_759 : vector<16xi32> to vector<1x16xi32>
        tpu.vector_store %arg9[%swap3A_761, %swap3A_762], %swap3A_765 {strides = array<i32>} : memref<4x64xi32, #tpu.memory_space<vmem>>, vector<1x16xi32>,
        %add3A_766 = arith.constant 16 : i32
        %add3A_767 = arith.addi %mul3A_720, %add3A_766 : i32
        %get3A_768 = arith.constant 1 : i32
        %get3A_769 = arith.constant 1 : i32
        %get3A_770 = arith.index_cast %get3A_768 : i32 to index
        %get3A_771 = arith.index_cast %get3A_769 : i32 to index
        %get3A_772 = arith.index_cast %add3A_767 : i32 to index
        %get3A_773 = tpu.vector_load %arg8[%get3A_770, %get3A_771, %get3A_772] {strides = array<i32>} : memref<2x2x128xi32, #tpu.memory_space<vmem>>, vector<1x1x16xi32>,
        %get3A_774 = vector.shape_cast %get3A_773 : vector<1x1x16xi32> to vector<16xi32>
        %swap3A_775 = arith.constant 2 : i32
        %swap3A_776 = arith.index_cast %swap3A_775 : i32 to index
        %swap3A_777 = arith.constant 16 : index
        %swap3A_778 = tpu.vector_load %arg10[%swap3A_776, %swap3A_777] {strides = array<i32>} : memref<4x64xi32, #tpu.memory_space<vmem>>, vector<1x16xi32>,
        %swap3A_779 = vector.shape_cast %swap3A_778 : vector<1x16xi32> to vector<16xi32>
        %swap3A_780 = vector.shape_cast %get3A_774 : vector<16xi32> to vector<1x16xi32>
        tpu.vector_store %arg10[%swap3A_776, %swap3A_777], %swap3A_780 {strides = array<i32>} : memref<4x64xi32, #tpu.memory_space<vmem>>, vector<1x16xi32>,
        %add3A_781 = arith.constant 32 : i32
        %add3A_782 = arith.addi %mul3A_720, %add3A_781 : i32
        %get3A_783 = arith.constant 1 : i32
        %get3A_784 = arith.constant 0 : i32
        %get3A_785 = arith.index_cast %get3A_783 : i32 to index
        %get3A_786 = arith.index_cast %get3A_784 : i32 to index
        %get3A_787 = arith.index_cast %add3A_782 : i32 to index
        %get3A_788 = tpu.vector_load %arg8[%get3A_785, %get3A_786, %get3A_787] {strides = array<i32>} : memref<2x2x128xi32, #tpu.memory_space<vmem>>, vector<1x1x16xi32>,
        %get3A_789 = vector.shape_cast %get3A_788 : vector<1x1x16xi32> to vector<16xi32>
        %swap3A_790 = arith.constant 2 : i32
        %swap3A_791 = arith.index_cast %swap3A_790 : i32 to index
        %swap3A_792 = arith.constant 32 : index
        %swap3A_793 = tpu.vector_load %arg9[%swap3A_791, %swap3A_792] {strides = array<i32>} : memref<4x64xi32, #tpu.memory_space<vmem>>, vector<1x16xi32>,
        %swap3A_794 = vector.shape_cast %swap3A_793 : vector<1x16xi32> to vector<16xi32>
        %swap3A_795 = vector.shape_cast %get3A_789 : vector<16xi32> to vector<1x16xi32>
        tpu.vector_store %arg9[%swap3A_791, %swap3A_792], %swap3A_795 {strides = array<i32>} : memref<4x64xi32, #tpu.memory_space<vmem>>, vector<1x16xi32>,
        %add3A_796 = arith.constant 32 : i32
        %add3A_797 = arith.addi %mul3A_720, %add3A_796 : i32
        %get3A_798 = arith.constant 1 : i32
        %get3A_799 = arith.constant 1 : i32
        %get3A_800 = arith.index_cast %get3A_798 : i32 to index
        %get3A_801 = arith.index_cast %get3A_799 : i32 to index
        %get3A_802 = arith.index_cast %add3A_797 : i32 to index
        %get3A_803 = tpu.vector_load %arg8[%get3A_800, %get3A_801, %get3A_802] {strides = array<i32>} : memref<2x2x128xi32, #tpu.memory_space<vmem>>, vector<1x1x16xi32>,
        %get3A_804 = vector.shape_cast %get3A_803 : vector<1x1x16xi32> to vector<16xi32>
        %swap3A_805 = arith.constant 2 : i32
        %swap3A_806 = arith.index_cast %swap3A_805 : i32 to index
        %swap3A_807 = arith.constant 32 : index
        %swap3A_808 = tpu.vector_load %arg10[%swap3A_806, %swap3A_807] {strides = array<i32>} : memref<4x64xi32, #tpu.memory_space<vmem>>, vector<1x16xi32>,
        %swap3A_809 = vector.shape_cast %swap3A_808 : vector<1x16xi32> to vector<16xi32>
        %swap3A_810 = vector.shape_cast %get3A_804 : vector<16xi32> to vector<1x16xi32>
        tpu.vector_store %arg10[%swap3A_806, %swap3A_807], %swap3A_810 {strides = array<i32>} : memref<4x64xi32, #tpu.memory_space<vmem>>, vector<1x16xi32>,
        %add3A_811 = arith.constant 48 : i32
        %add3A_812 = arith.addi %mul3A_720, %add3A_811 : i32
        %get3A_813 = arith.constant 1 : i32
        %get3A_814 = arith.constant 0 : i32
        %get3A_815 = arith.index_cast %get3A_813 : i32 to index
        %get3A_816 = arith.index_cast %get3A_814 : i32 to index
        %get3A_817 = arith.index_cast %add3A_812 : i32 to index
        %get3A_818 = tpu.vector_load %arg8[%get3A_815, %get3A_816, %get3A_817] {strides = array<i32>} : memref<2x2x128xi32, #tpu.memory_space<vmem>>, vector<1x1x16xi32>,
        %get3A_819 = vector.shape_cast %get3A_818 : vector<1x1x16xi32> to vector<16xi32>
        %swap3A_820 = arith.constant 2 : i32
        %swap3A_821 = arith.index_cast %swap3A_820 : i32 to index
        %swap3A_822 = arith.constant 48 : index
        %swap3A_823 = tpu.vector_load %arg9[%swap3A_821, %swap3A_822] {strides = array<i32>} : memref<4x64xi32, #tpu.memory_space<vmem>>, vector<1x16xi32>,
        %swap3A_824 = vector.shape_cast %swap3A_823 : vector<1x16xi32> to vector<16xi32>
        %swap3A_825 = vector.shape_cast %get3A_819 : vector<16xi32> to vector<1x16xi32>
        tpu.vector_store %arg9[%swap3A_821, %swap3A_822], %swap3A_825 {strides = array<i32>} : memref<4x64xi32, #tpu.memory_space<vmem>>, vector<1x16xi32>,
        %add3A_826 = arith.constant 48 : i32
        %add3A_827 = arith.addi %mul3A_720, %add3A_826 : i32
        %get3A_828 = arith.constant 1 : i32
        %get3A_829 = arith.constant 1 : i32
        %get3A_830 = arith.index_cast %get3A_828 : i32 to index
        %get3A_831 = arith.index_cast %get3A_829 : i32 to index
        %get3A_832 = arith.index_cast %add3A_827 : i32 to index
        %get3A_833 = tpu.vector_load %arg8[%get3A_830, %get3A_831, %get3A_832] {strides = array<i32>} : memref<2x2x128xi32, #tpu.memory_space<vmem>>, vector<1x1x16xi32>,
        %get3A_834 = vector.shape_cast %get3A_833 : vector<1x1x16xi32> to vector<16xi32>
        %swap3A_835 = arith.constant 2 : i32
        %swap3A_836 = arith.index_cast %swap3A_835 : i32 to index
        %swap3A_837 = arith.constant 48 : index
        %swap3A_838 = tpu.vector_load %arg10[%swap3A_836, %swap3A_837] {strides = array<i32>} : memref<4x64xi32, #tpu.memory_space<vmem>>, vector<1x16xi32>,
        %swap3A_839 = vector.shape_cast %swap3A_838 : vector<1x16xi32> to vector<16xi32>
        %swap3A_840 = vector.shape_cast %get3A_834 : vector<16xi32> to vector<1x16xi32>
        tpu.vector_store %arg10[%swap3A_836, %swap3A_837], %swap3A_840 {strides = array<i32>} : memref<4x64xi32, #tpu.memory_space<vmem>>, vector<1x16xi32>,
        %dma_start3A_841 = arith.constant 2 : i32
        %dma_start3A_842 = arith.constant 2 : i32
        %dma_start3A_843 = arith.constant 0 : i32
        %dma_start3A_844 = arith.constant 0 : i32
        %dma_start3A_845 = tpu.memref_slice %arg11[%dma_start3A_842, %dma_start3A_843, %dma_start3A_844] : memref<4x64x128xf32, #tpu.memory_space<vmem>> -> memref<1x64x128xf32, #tpu.memory_space<vmem>>
        %dma_start3A_846 = tpu.memref_squeeze %dma_start3A_845 : memref<1x64x128xf32, #tpu.memory_space<vmem>> -> memref<64x128xf32, #tpu.memory_space<vmem>>
        %dma_start3A_847 = arith.constant 0 : i32
        %dma_start3A_848 = tpu.memref_slice %arg9[%dma_start3A_841, %dma_start3A_847] : memref<4x64xi32, #tpu.memory_space<vmem>> -> memref<1x64xi32, #tpu.memory_space<vmem>>
        %dma_start3A_849 = tpu.memref_squeeze %dma_start3A_848 : memref<1x64xi32, #tpu.memory_space<vmem>> -> memref<64xi32, #tpu.memory_space<vmem>>
        %dma_start3A_850 = arith.constant 0 : i32
        %dma_start3A_851 = arith.constant 0 : i32
        %dma_start3A_852 = tpu.memref_slice %arg4[%dma_start3A_850, %dma_start3A_851] : memref<10000x128xf32, #tpu.memory_space<hbm>> -> memref<10000x128xf32, #tpu.memory_space<hbm>>
        tpu.enqueue_indirect_dma source(%dma_start3A_852 : memref<10000x128xf32, #tpu.memory_space<hbm>>) target(%dma_start3A_846 : memref<64x128xf32, #tpu.memory_space<vmem>>) offsets(%dma_start3A_849 : memref<64xi32, #tpu.memory_space<vmem>>) semaphore(%arg16 : memref<!tpu.dma_semaphore, #tpu.memory_space<semaphore_mem>>)
      } else {
      }
      %mul3A_662 = arith.constant 4 : i32
      %mul3A_663 = arith.muli %add3A_587, %mul3A_662 : i32
      %add3A_664 = arith.constant 3 : i32
      %add3A_665 = arith.addi %mul3A_663, %add3A_664 : i32
      %dma_wait3A_666 = arith.constant 3 : i32
      %dma_wait3A_667 = arith.constant 3 : i32
      %dma_wait3A_668 = arith.constant 0 : i32
      %dma_wait3A_669 = arith.constant 0 : i32
      %dma_wait3A_670 = tpu.memref_slice %arg11[%dma_wait3A_667, %dma_wait3A_668, %dma_wait3A_669] : memref<4x64x128xf32, #tpu.memory_space<vmem>> -> memref<1x64x128xf32, #tpu.memory_space<vmem>>
      %dma_wait3A_671 = tpu.memref_squeeze %dma_wait3A_670 : memref<1x64x128xf32, #tpu.memory_space<vmem>> -> memref<64x128xf32, #tpu.memory_space<vmem>>
      %dma_wait3A_672 = arith.constant 0 : i32
      %dma_wait3A_673 = tpu.memref_slice %arg9[%dma_wait3A_666, %dma_wait3A_672] : memref<4x64xi32, #tpu.memory_space<vmem>> -> memref<1x64xi32, #tpu.memory_space<vmem>>
      %dma_wait3A_674 = tpu.memref_squeeze %dma_wait3A_673 : memref<1x64xi32, #tpu.memory_space<vmem>> -> memref<64xi32, #tpu.memory_space<vmem>>
      %dma_wait3A_675 = arith.constant 0 : i32
      %dma_wait3A_676 = arith.constant 0 : i32
      %dma_wait3A_677 = tpu.memref_slice %arg4[%dma_wait3A_675, %dma_wait3A_676] : memref<10000x128xf32, #tpu.memory_space<hbm>> -> memref<10000x128xf32, #tpu.memory_space<hbm>>
      tpu.wait_indirect_dma semaphore(%arg17 : memref<!tpu.dma_semaphore, #tpu.memory_space<semaphore_mem>>) src(%dma_wait3A_677 : memref<10000x128xf32, #tpu.memory_space<hbm>>) dst(%dma_wait3A_671 : memref<64x128xf32, #tpu.memory_space<vmem>>)
      %run_scoped3A_678 = arith.constant 3 : i32
      %run_scoped3A_679 = arith.constant 3 : i32
      "tpu.region"() ({
        %run_scoped3A_687 = tpu.sem_alloc : memref<!tpu.dma_semaphore, #tpu.memory_space<semaphore_mem>>
        %dma_start3A_688 = arith.constant 0 : i32
        %dma_start3A_689 = arith.constant 0 : i32
        %dma_start3A_690 = tpu.memref_slice %arg11[%run_scoped3A_678, %dma_start3A_688, %dma_start3A_689] : memref<4x64x128xf32, #tpu.memory_space<vmem>> -> memref<1x64x128xf32, #tpu.memory_space<vmem>>
        %dma_start3A_691 = tpu.memref_squeeze %dma_start3A_690 : memref<1x64x128xf32, #tpu.memory_space<vmem>> -> memref<64x128xf32, #tpu.memory_space<vmem>>
        %dma_start3A_692 = arith.constant 0 : i32
        %dma_start3A_693 = tpu.memref_slice %arg10[%run_scoped3A_679, %dma_start3A_692] : memref<4x64xi32, #tpu.memory_space<vmem>> -> memref<1x64xi32, #tpu.memory_space<vmem>>
        %dma_start3A_694 = tpu.memref_squeeze %dma_start3A_693 : memref<1x64xi32, #tpu.memory_space<vmem>> -> memref<64xi32, #tpu.memory_space<vmem>>
        %dma_start3A_695 = arith.constant 0 : i32
        %dma_start3A_696 = arith.constant 0 : i32
        %dma_start3A_697 = tpu.memref_slice %arg24[%dma_start3A_695, %dma_start3A_696] : memref<10240x128xf32, #tpu.memory_space<vmem_shared>> -> memref<10240x128xf32, #tpu.memory_space<vmem_shared>>
        tpu.enqueue_indirect_dma source(%dma_start3A_691 : memref<64x128xf32, #tpu.memory_space<vmem>>) target(%dma_start3A_697 : memref<10240x128xf32, #tpu.memory_space<vmem_shared>>) offsets(%dma_start3A_694 : memref<64xi32, #tpu.memory_space<vmem>>) semaphore(%run_scoped3A_687 : memref<!tpu.dma_semaphore, #tpu.memory_space<semaphore_mem>>) {add = true}
        %dma_wait3A_698 = arith.constant 0 : i32
        %dma_wait3A_699 = arith.constant 0 : i32
        %dma_wait3A_700 = tpu.memref_slice %arg11[%run_scoped3A_678, %dma_wait3A_698, %dma_wait3A_699] : memref<4x64x128xf32, #tpu.memory_space<vmem>> -> memref<1x64x128xf32, #tpu.memory_space<vmem>>
        %dma_wait3A_701 = tpu.memref_squeeze %dma_wait3A_700 : memref<1x64x128xf32, #tpu.memory_space<vmem>> -> memref<64x128xf32, #tpu.memory_space<vmem>>
        %dma_wait3A_702 = arith.constant 0 : i32
        %dma_wait3A_703 = tpu.memref_slice %arg10[%run_scoped3A_679, %dma_wait3A_702] : memref<4x64xi32, #tpu.memory_space<vmem>> -> memref<1x64xi32, #tpu.memory_space<vmem>>
        %dma_wait3A_704 = tpu.memref_squeeze %dma_wait3A_703 : memref<1x64xi32, #tpu.memory_space<vmem>> -> memref<64xi32, #tpu.memory_space<vmem>>
        %dma_wait3A_705 = arith.constant 0 : i32
        %dma_wait3A_706 = arith.constant 0 : i32
        %dma_wait3A_707 = tpu.memref_slice %arg24[%dma_wait3A_705, %dma_wait3A_706] : memref<10240x128xf32, #tpu.memory_space<vmem_shared>> -> memref<10240x128xf32, #tpu.memory_space<vmem_shared>>
        tpu.wait_indirect_dma semaphore(%run_scoped3A_687 : memref<!tpu.dma_semaphore, #tpu.memory_space<semaphore_mem>>) src(%dma_wait3A_701 : memref<64x128xf32, #tpu.memory_space<vmem>>) dst(%dma_wait3A_707 : memref<10240x128xf32, #tpu.memory_space<vmem_shared>>)
        tpu.yield
      }) : () -> ()
      %add3A_680 = arith.constant 4 : i32
      %add3A_681 = arith.addi %add3A_665, %add3A_680 : i32
      %lt3A_682 = arith.constant 160 : i32
      %lt3A_683 = arith.cmpi slt, %add3A_681, %lt3A_682 : i32
      %convert_element_type3A_684 = arith.extui %lt3A_683 : i1 to i32
      %cond3A_685 = arith.constant 0 : i32
      %cond3A_686 = arith.cmpi ne, %convert_element_type3A_684, %cond3A_685 : i32
      scf.if %cond3A_686 {
        %add3A_687 = arith.constant 4 : i32
        %add3A_688 = arith.addi %add3A_665, %add3A_687 : i32
        %jit3A = arith.constant 2 : i32
        %eq3A_689 = arith.constant 0 : i32
        %eq3A_690 = arith.cmpi eq, %jit3A, %eq3A_689 : i32
        %jit3A_691 = arith.constant 1 : i32
        %select_n3A = arith.select %eq3A_690, %jit3A_691, %jit3A : i32
        %rem3A = arith.remsi %add3A_688, %select_n3A : i32
        %ne3A = arith.constant 0 : i32
        %ne3A_692 = arith.cmpi ne, %rem3A, %ne3A : i32
        %lt3A_693 = arith.constant 0 : i32
        %lt3A_694 = arith.cmpi slt, %rem3A, %lt3A_693 : i32
        %lt3A_695 = arith.constant 0 : i32
        %lt3A_696 = arith.cmpi slt, %select_n3A, %lt3A_695 : i32
        %ne3A_697 = arith.xori %lt3A_694, %lt3A_696 : i1
        %and3A_698 = arith.andi %ne3A_697, %ne3A_692 : i1
        %add3A_699 = arith.addi %rem3A, %select_n3A : i32
        %select_n3A_700 = arith.select %and3A_698, %add3A_699, %rem3A : i32
        %mul3A_701 = arith.constant 64 : i32
        %mul3A_702 = arith.muli %select_n3A_700, %mul3A_701 : i32
        %add3A_703 = arith.constant 0 : i32
        %add3A_704 = arith.addi %mul3A_702, %add3A_703 : i32
        %get3A_705 = arith.constant 1 : i32
        %get3A_706 = arith.constant 0 : i32
        %get3A_707 = arith.index_cast %get3A_705 : i32 to index
        %get3A_708 = arith.index_cast %get3A_706 : i32 to index
        %get3A_709 = arith.index_cast %add3A_704 : i32 to index
        %get3A_710 = tpu.vector_load %arg8[%get3A_707, %get3A_708, %get3A_709] {strides = array<i32>} : memref<2x2x128xi32, #tpu.memory_space<vmem>>, vector<1x1x16xi32>,
        %get3A_711 = vector.shape_cast %get3A_710 : vector<1x1x16xi32> to vector<16xi32>
        %swap3A_712 = arith.constant 3 : i32
        %swap3A_713 = arith.index_cast %swap3A_712 : i32 to index
        %swap3A_714 = arith.constant 0 : index
        %swap3A_715 = tpu.vector_load %arg9[%swap3A_713, %swap3A_714] {strides = array<i32>} : memref<4x64xi32, #tpu.memory_space<vmem>>, vector<1x16xi32>,
        %swap3A_716 = vector.shape_cast %swap3A_715 : vector<1x16xi32> to vector<16xi32>
        %swap3A_717 = vector.shape_cast %get3A_711 : vector<16xi32> to vector<1x16xi32>
        tpu.vector_store %arg9[%swap3A_713, %swap3A_714], %swap3A_717 {strides = array<i32>} : memref<4x64xi32, #tpu.memory_space<vmem>>, vector<1x16xi32>,
        %add3A_718 = arith.constant 0 : i32
        %add3A_719 = arith.addi %mul3A_702, %add3A_718 : i32
        %get3A_720 = arith.constant 1 : i32
        %get3A_721 = arith.constant 1 : i32
        %get3A_722 = arith.index_cast %get3A_720 : i32 to index
        %get3A_723 = arith.index_cast %get3A_721 : i32 to index
        %get3A_724 = arith.index_cast %add3A_719 : i32 to index
        %get3A_725 = tpu.vector_load %arg8[%get3A_722, %get3A_723, %get3A_724] {strides = array<i32>} : memref<2x2x128xi32, #tpu.memory_space<vmem>>, vector<1x1x16xi32>,
        %get3A_726 = vector.shape_cast %get3A_725 : vector<1x1x16xi32> to vector<16xi32>
        %swap3A_727 = arith.constant 3 : i32
        %swap3A_728 = arith.index_cast %swap3A_727 : i32 to index
        %swap3A_729 = arith.constant 0 : index
        %swap3A_730 = tpu.vector_load %arg10[%swap3A_728, %swap3A_729] {strides = array<i32>} : memref<4x64xi32, #tpu.memory_space<vmem>>, vector<1x16xi32>,
        %swap3A_731 = vector.shape_cast %swap3A_730 : vector<1x16xi32> to vector<16xi32>
        %swap3A_732 = vector.shape_cast %get3A_726 : vector<16xi32> to vector<1x16xi32>
        tpu.vector_store %arg10[%swap3A_728, %swap3A_729], %swap3A_732 {strides = array<i32>} : memref<4x64xi32, #tpu.memory_space<vmem>>, vector<1x16xi32>,
        %add3A_733 = arith.constant 16 : i32
        %add3A_734 = arith.addi %mul3A_702, %add3A_733 : i32
        %get3A_735 = arith.constant 1 : i32
        %get3A_736 = arith.constant 0 : i32
        %get3A_737 = arith.index_cast %get3A_735 : i32 to index
        %get3A_738 = arith.index_cast %get3A_736 : i32 to index
        %get3A_739 = arith.index_cast %add3A_734 : i32 to index
        %get3A_740 = tpu.vector_load %arg8[%get3A_737, %get3A_738, %get3A_739] {strides = array<i32>} : memref<2x2x128xi32, #tpu.memory_space<vmem>>, vector<1x1x16xi32>,
        %get3A_741 = vector.shape_cast %get3A_740 : vector<1x1x16xi32> to vector<16xi32>
        %swap3A_742 = arith.constant 3 : i32
        %swap3A_743 = arith.index_cast %swap3A_742 : i32 to index
        %swap3A_744 = arith.constant 16 : index
        %swap3A_745 = tpu.vector_load %arg9[%swap3A_743, %swap3A_744] {strides = array<i32>} : memref<4x64xi32, #tpu.memory_space<vmem>>, vector<1x16xi32>,
        %swap3A_746 = vector.shape_cast %swap3A_745 : vector<1x16xi32> to vector<16xi32>
        %swap3A_747 = vector.shape_cast %get3A_741 : vector<16xi32> to vector<1x16xi32>
        tpu.vector_store %arg9[%swap3A_743, %swap3A_744], %swap3A_747 {strides = array<i32>} : memref<4x64xi32, #tpu.memory_space<vmem>>, vector<1x16xi32>,
        %add3A_748 = arith.constant 16 : i32
        %add3A_749 = arith.addi %mul3A_702, %add3A_748 : i32
        %get3A_750 = arith.constant 1 : i32
        %get3A_751 = arith.constant 1 : i32
        %get3A_752 = arith.index_cast %get3A_750 : i32 to index
        %get3A_753 = arith.index_cast %get3A_751 : i32 to index
        %get3A_754 = arith.index_cast %add3A_749 : i32 to index
        %get3A_755 = tpu.vector_load %arg8[%get3A_752, %get3A_753, %get3A_754] {strides = array<i32>} : memref<2x2x128xi32, #tpu.memory_space<vmem>>, vector<1x1x16xi32>,
        %get3A_756 = vector.shape_cast %get3A_755 : vector<1x1x16xi32> to vector<16xi32>
        %swap3A_757 = arith.constant 3 : i32
        %swap3A_758 = arith.index_cast %swap3A_757 : i32 to index
        %swap3A_759 = arith.constant 16 : index
        %swap3A_760 = tpu.vector_load %arg10[%swap3A_758, %swap3A_759] {strides = array<i32>} : memref<4x64xi32, #tpu.memory_space<vmem>>, vector<1x16xi32>,
        %swap3A_761 = vector.shape_cast %swap3A_760 : vector<1x16xi32> to vector<16xi32>
        %swap3A_762 = vector.shape_cast %get3A_756 : vector<16xi32> to vector<1x16xi32>
        tpu.vector_store %arg10[%swap3A_758, %swap3A_759], %swap3A_762 {strides = array<i32>} : memref<4x64xi32, #tpu.memory_space<vmem>>, vector<1x16xi32>,
        %add3A_763 = arith.constant 32 : i32
        %add3A_764 = arith.addi %mul3A_702, %add3A_763 : i32
        %get3A_765 = arith.constant 1 : i32
        %get3A_766 = arith.constant 0 : i32
        %get3A_767 = arith.index_cast %get3A_765 : i32 to index
        %get3A_768 = arith.index_cast %get3A_766 : i32 to index
        %get3A_769 = arith.index_cast %add3A_764 : i32 to index
        %get3A_770 = tpu.vector_load %arg8[%get3A_767, %get3A_768, %get3A_769] {strides = array<i32>} : memref<2x2x128xi32, #tpu.memory_space<vmem>>, vector<1x1x16xi32>,
        %get3A_771 = vector.shape_cast %get3A_770 : vector<1x1x16xi32> to vector<16xi32>
        %swap3A_772 = arith.constant 3 : i32
        %swap3A_773 = arith.index_cast %swap3A_772 : i32 to index
        %swap3A_774 = arith.constant 32 : index
        %swap3A_775 = tpu.vector_load %arg9[%swap3A_773, %swap3A_774] {strides = array<i32>} : memref<4x64xi32, #tpu.memory_space<vmem>>, vector<1x16xi32>,
        %swap3A_776 = vector.shape_cast %swap3A_775 : vector<1x16xi32> to vector<16xi32>
        %swap3A_777 = vector.shape_cast %get3A_771 : vector<16xi32> to vector<1x16xi32>
        tpu.vector_store %arg9[%swap3A_773, %swap3A_774], %swap3A_777 {strides = array<i32>} : memref<4x64xi32, #tpu.memory_space<vmem>>, vector<1x16xi32>,
        %add3A_778 = arith.constant 32 : i32
        %add3A_779 = arith.addi %mul3A_702, %add3A_778 : i32
        %get3A_780 = arith.constant 1 : i32
        %get3A_781 = arith.constant 1 : i32
        %get3A_782 = arith.index_cast %get3A_780 : i32 to index
        %get3A_783 = arith.index_cast %get3A_781 : i32 to index
        %get3A_784 = arith.index_cast %add3A_779 : i32 to index
        %get3A_785 = tpu.vector_load %arg8[%get3A_782, %get3A_783, %get3A_784] {strides = array<i32>} : memref<2x2x128xi32, #tpu.memory_space<vmem>>, vector<1x1x16xi32>,
        %get3A_786 = vector.shape_cast %get3A_785 : vector<1x1x16xi32> to vector<16xi32>
        %swap3A_787 = arith.constant 3 : i32
        %swap3A_788 = arith.index_cast %swap3A_787 : i32 to index
        %swap3A_789 = arith.constant 32 : index
        %swap3A_790 = tpu.vector_load %arg10[%swap3A_788, %swap3A_789] {strides = array<i32>} : memref<4x64xi32, #tpu.memory_space<vmem>>, vector<1x16xi32>,
        %swap3A_791 = vector.shape_cast %swap3A_790 : vector<1x16xi32> to vector<16xi32>
        %swap3A_792 = vector.shape_cast %get3A_786 : vector<16xi32> to vector<1x16xi32>
        tpu.vector_store %arg10[%swap3A_788, %swap3A_789], %swap3A_792 {strides = array<i32>} : memref<4x64xi32, #tpu.memory_space<vmem>>, vector<1x16xi32>,
        %add3A_793 = arith.constant 48 : i32
        %add3A_794 = arith.addi %mul3A_702, %add3A_793 : i32
        %get3A_795 = arith.constant 1 : i32
        %get3A_796 = arith.constant 0 : i32
        %get3A_797 = arith.index_cast %get3A_795 : i32 to index
        %get3A_798 = arith.index_cast %get3A_796 : i32 to index
        %get3A_799 = arith.index_cast %add3A_794 : i32 to index
        %get3A_800 = tpu.vector_load %arg8[%get3A_797, %get3A_798, %get3A_799] {strides = array<i32>} : memref<2x2x128xi32, #tpu.memory_space<vmem>>, vector<1x1x16xi32>,
        %get3A_801 = vector.shape_cast %get3A_800 : vector<1x1x16xi32> to vector<16xi32>
        %swap3A_802 = arith.constant 3 : i32
        %swap3A_803 = arith.index_cast %swap3A_802 : i32 to index
        %swap3A_804 = arith.constant 48 : index
        %swap3A_805 = tpu.vector_load %arg9[%swap3A_803, %swap3A_804] {strides = array<i32>} : memref<4x64xi32, #tpu.memory_space<vmem>>, vector<1x16xi32>,
        %swap3A_806 = vector.shape_cast %swap3A_805 : vector<1x16xi32> to vector<16xi32>
        %swap3A_807 = vector.shape_cast %get3A_801 : vector<16xi32> to vector<1x16xi32>
        tpu.vector_store %arg9[%swap3A_803, %swap3A_804], %swap3A_807 {strides = array<i32>} : memref<4x64xi32, #tpu.memory_space<vmem>>, vector<1x16xi32>,
        %add3A_808 = arith.constant 48 : i32
        %add3A_809 = arith.addi %mul3A_702, %add3A_808 : i32
        %get3A_810 = arith.constant 1 : i32
        %get3A_811 = arith.constant 1 : i32
        %get3A_812 = arith.index_cast %get3A_810 : i32 to index
        %get3A_813 = arith.index_cast %get3A_811 : i32 to index
        %get3A_814 = arith.index_cast %add3A_809 : i32 to index
        %get3A_815 = tpu.vector_load %arg8[%get3A_812, %get3A_813, %get3A_814] {strides = array<i32>} : memref<2x2x128xi32, #tpu.memory_space<vmem>>, vector<1x1x16xi32>,
        %get3A_816 = vector.shape_cast %get3A_815 : vector<1x1x16xi32> to vector<16xi32>
        %swap3A_817 = arith.constant 3 : i32
        %swap3A_818 = arith.index_cast %swap3A_817 : i32 to index
        %swap3A_819 = arith.constant 48 : index
        %swap3A_820 = tpu.vector_load %arg10[%swap3A_818, %swap3A_819] {strides = array<i32>} : memref<4x64xi32, #tpu.memory_space<vmem>>, vector<1x16xi32>,
        %swap3A_821 = vector.shape_cast %swap3A_820 : vector<1x16xi32> to vector<16xi32>
        %swap3A_822 = vector.shape_cast %get3A_816 : vector<16xi32> to vector<1x16xi32>
        tpu.vector_store %arg10[%swap3A_818, %swap3A_819], %swap3A_822 {strides = array<i32>} : memref<4x64xi32, #tpu.memory_space<vmem>>, vector<1x16xi32>,
        %dma_start3A_823 = arith.constant 3 : i32
        %dma_start3A_824 = arith.constant 3 : i32
        %dma_start3A_825 = arith.constant 0 : i32
        %dma_start3A_826 = arith.constant 0 : i32
        %dma_start3A_827 = tpu.memref_slice %arg11[%dma_start3A_824, %dma_start3A_825, %dma_start3A_826] : memref<4x64x128xf32, #tpu.memory_space<vmem>> -> memref<1x64x128xf32, #tpu.memory_space<vmem>>
        %dma_start3A_828 = tpu.memref_squeeze %dma_start3A_827 : memref<1x64x128xf32, #tpu.memory_space<vmem>> -> memref<64x128xf32, #tpu.memory_space<vmem>>
        %dma_start3A_829 = arith.constant 0 : i32
        %dma_start3A_830 = tpu.memref_slice %arg9[%dma_start3A_823, %dma_start3A_829] : memref<4x64xi32, #tpu.memory_space<vmem>> -> memref<1x64xi32, #tpu.memory_space<vmem>>
        %dma_start3A_831 = tpu.memref_squeeze %dma_start3A_830 : memref<1x64xi32, #tpu.memory_space<vmem>> -> memref<64xi32, #tpu.memory_space<vmem>>
        %dma_start3A_832 = arith.constant 0 : i32
        %dma_start3A_833 = arith.constant 0 : i32
        %dma_start3A_834 = tpu.memref_slice %arg4[%dma_start3A_832, %dma_start3A_833] : memref<10000x128xf32, #tpu.memory_space<hbm>> -> memref<10000x128xf32, #tpu.memory_space<hbm>>
        tpu.enqueue_indirect_dma source(%dma_start3A_834 : memref<10000x128xf32, #tpu.memory_space<hbm>>) target(%dma_start3A_828 : memref<64x128xf32, #tpu.memory_space<vmem>>) offsets(%dma_start3A_831 : memref<64xi32, #tpu.memory_space<vmem>>) semaphore(%arg17 : memref<!tpu.dma_semaphore, #tpu.memory_space<semaphore_mem>>)
        %mul3A_835 = arith.constant 2 : i32
        %mul3A_836 = arith.muli %mul3A_835, %add3A_587 : i32
        %add3A_837 = arith.constant 4 : i32
        %add3A_838 = arith.addi %mul3A_836, %add3A_837 : i32
        %add3A_839 = arith.constant 1 : i32
        %add3A_840 = arith.addi %add3A_838, %add3A_839 : i32
        %lt3A_841 = arith.constant 80 : i32
        %lt3A_842 = arith.cmpi slt, %add3A_840, %lt3A_841 : i32
        %convert_element_type3A_843 = arith.extui %lt3A_842 : i1 to i32
        %cond3A_844 = arith.constant 0 : i32
        %cond3A_845 = arith.cmpi ne, %convert_element_type3A_843, %cond3A_844 : i32
        scf.if %cond3A_845 {
          %eq3A_846 = arith.constant 31 : i32
          %eq3A_847 = arith.cmpi eq, %add3A, %eq3A_846 : i32
          %ge3A = arith.constant 20 : i32
          %ge3A_848 = arith.cmpi sge, %add3A_840, %ge3A : i32
          %and3A_849 = arith.andi %eq3A_847, %ge3A_848 : i1
          %convert_element_type3A_850 = arith.extui %and3A_849 : i1 to i32
          %cond3A_851 = arith.constant 0 : i32
          %cond3A_852 = arith.cmpi ne, %convert_element_type3A_850, %cond3A_851 : i32
          scf.if %cond3A_852 {
            %sub3A = arith.constant 20 : i32
            %sub3A_858 = arith.subi %add3A_840, %sub3A : i32
            %dma_start3A_859 = arith.constant 1 : i32
            %dma_start3A_860 = arith.constant 0 : i32
            %dma_start3A_861 = arith.constant 0 : i32
            %dma_start3A_862 = tpu.memref_slice %arg8[%dma_start3A_859, %dma_start3A_860, %dma_start3A_861] : memref<2x2x128xi32, #tpu.memory_space<vmem>> -> memref<1x2x128xi32, #tpu.memory_space<vmem>>
            %dma_start3A_863 = tpu.memref_squeeze %dma_start3A_862 : memref<1x2x128xi32, #tpu.memory_space<vmem>> -> memref<2x128xi32, #tpu.memory_space<vmem>>
            %dma_start3A_864 = arith.constant 0 : i32
            %dma_start3A_865 = arith.constant 0 : i32
            %dma_start3A_866 = tpu.memref_slice %arg3[%sub3A_858, %dma_start3A_864, %dma_start3A_865] : memref<60x2x128xi32, #tpu.memory_space<hbm>> -> memref<1x2x128xi32, #tpu.memory_space<hbm>>
            %dma_start3A_867 = tpu.memref_squeeze %dma_start3A_866 : memref<1x2x128xi32, #tpu.memory_space<hbm>> -> memref<2x128xi32, #tpu.memory_space<hbm>>
            %dma_start3A_868 = arith.constant 0 : i32
            %dma_start3A_869 = arith.constant 0 : i32
            %dma_start3A_870 = tpu.memref_slice %arg8[%dma_start3A_859, %dma_start3A_868, %dma_start3A_869] : memref<2x2x128xi32, #tpu.memory_space<vmem>> -> memref<1x2x128xi32, #tpu.memory_space<vmem>>
            %dma_start3A_871 = tpu.memref_squeeze %dma_start3A_870 : memref<1x2x128xi32, #tpu.memory_space<vmem>> -> memref<2x128xi32, #tpu.memory_space<vmem>>
            %dma_start3A_872 = arith.constant 0 : i32
            %dma_start3A_873 = arith.constant 0 : i32
            %dma_start3A_874 = tpu.memref_slice %arg3[%sub3A_858, %dma_start3A_872, %dma_start3A_873] : memref<60x2x128xi32, #tpu.memory_space<hbm>> -> memref<1x2x128xi32, #tpu.memory_space<hbm>>
            %dma_start3A_875 = tpu.memref_squeeze %dma_start3A_874 : memref<1x2x128xi32, #tpu.memory_space<hbm>> -> memref<2x128xi32, #tpu.memory_space<hbm>>
            tpu.enqueue_dma source(%dma_start3A_875 : memref<2x128xi32, #tpu.memory_space<hbm>>) target(%dma_start3A_871 : memref<2x128xi32, #tpu.memory_space<vmem>>) target_semaphore(%arg23 : memref<!tpu.dma_semaphore, #tpu.memory_space<semaphore_mem>>)
          } else {
          }
          %not3A_853 = arith.constant true
          %not3A_854 = arith.xori %and3A_849, %not3A_853 : i1
          %convert_element_type3A_855 = arith.extui %not3A_854 : i1 to i32
          %cond3A_856 = arith.constant 0 : i32
          %cond3A_857 = arith.cmpi ne, %convert_element_type3A_855, %cond3A_856 : i32
          scf.if %cond3A_857 {
            %mul3A_858 = arith.constant 10240 : i32
            %mul3A_859 = arith.muli %add3A, %mul3A_858 : i32
            %mul3A_860 = arith.constant 2 : i32
            %mul3A_861 = arith.muli %add3A_840, %mul3A_860 : i32
            %mul3A_862 = arith.constant 64 : i32
            %mul3A_863 = arith.muli %mul3A_861, %mul3A_862 : i32
            %add3A_864 = arith.addi %mul3A_859, %mul3A_863 : i32
            %dma_start3A_865 = arith.constant 1 : i32
            %dma_start3A_866 = arith.constant 0 : i32
            %dma_start3A_867 = arith.constant 0 : i32
            %dma_start3A_868 = tpu.memref_slice %arg8[%dma_start3A_865, %dma_start3A_866, %dma_start3A_867] : memref<2x2x128xi32, #tpu.memory_space<vmem>> -> memref<1x2x128xi32, #tpu.memory_space<vmem>>
            %dma_start3A_869 = tpu.memref_squeeze %dma_start3A_868 : memref<1x2x128xi32, #tpu.memory_space<vmem>> -> memref<2x128xi32, #tpu.memory_space<vmem>>
            %dma_start3A_870 = arith.constant 0 : i32
            %dma_start3A_871 = tpu.memref_slice %arg2[%dma_start3A_870, %add3A_864] : memref<2x320000xi32, #tpu.memory_space<hbm>> -> memref<2x128xi32, #tpu.memory_space<hbm>>
            %dma_start3A_872 = arith.constant 0 : i32
            %dma_start3A_873 = arith.constant 0 : i32
            %dma_start3A_874 = tpu.memref_slice %arg8[%dma_start3A_865, %dma_start3A_872, %dma_start3A_873] : memref<2x2x128xi32, #tpu.memory_space<vmem>> -> memref<1x2x128xi32, #tpu.memory_space<vmem>>
            %dma_start3A_875 = tpu.memref_squeeze %dma_start3A_874 : memref<1x2x128xi32, #tpu.memory_space<vmem>> -> memref<2x128xi32, #tpu.memory_space<vmem>>
            %dma_start3A_876 = arith.constant 0 : i32
            %dma_start3A_877 = tpu.memref_slice %arg2[%dma_start3A_876, %add3A_864] : memref<2x320000xi32, #tpu.memory_space<hbm>> -> memref<2x128xi32, #tpu.memory_space<hbm>>
            tpu.enqueue_dma source(%dma_start3A_877 : memref<2x128xi32, #tpu.memory_space<hbm>>) target(%dma_start3A_875 : memref<2x128xi32, #tpu.memory_space<vmem>>) target_semaphore(%arg23 : memref<!tpu.dma_semaphore, #tpu.memory_space<semaphore_mem>>)
          } else {
          }
        } else {
        }
      } else {
      }
    }
    %scan3A_558 = arith.constant 40 : i32
    %barrier3A_559 = arith.constant 0 : index
    tpu.barrier barrier_id(%barrier3A_559)
    %mul3A_560 = arith.constant 2 : i32
    %mul3A_561 = arith.muli %arg1, %mul3A_560 : i32
    %mul3A_562 = arith.constant 64 : i32
    %mul3A_563 = arith.muli %mul3A_561, %mul3A_562 : i32
    "tpu.region"() ({
      %run_scoped3A_583 = tpu.sem_alloc : memref<!tpu.dma_semaphore, #tpu.memory_space<semaphore_mem>>
      %dma_start3A_584 = tpu.memref_slice %arg5[%mul3A_563] : memref<2048xi32, #tpu.memory_space<hbm>> -> memref<128xi32, #tpu.memory_space<hbm>>
      %dma_start3A_585 = tpu.memref_slice %arg5[%mul3A_563] : memref<2048xi32, #tpu.memory_space<hbm>> -> memref<128xi32, #tpu.memory_space<hbm>>
      tpu.enqueue_dma source(%dma_start3A_585 : memref<128xi32, #tpu.memory_space<hbm>>) target(%arg12 : memref<128xi32, #tpu.memory_space<vmem>>) target_semaphore(%run_scoped3A_583 : memref<!tpu.dma_semaphore, #tpu.memory_space<semaphore_mem>>)
      %dma_wait3A_586 = tpu.memref_slice %arg5[%mul3A_563] : memref<2048xi32, #tpu.memory_space<hbm>> -> memref<128xi32, #tpu.memory_space<hbm>>
      %dma_wait3A_587 = tpu.memref_slice %arg5[%mul3A_563] : memref<2048xi32, #tpu.memory_space<hbm>> -> memref<128xi32, #tpu.memory_space<hbm>>
      tpu.wait_dma2 semaphore(%run_scoped3A_583 : memref<!tpu.dma_semaphore, #tpu.memory_space<semaphore_mem>>) src(%dma_wait3A_587 : memref<128xi32, #tpu.memory_space<hbm>>) dst(%arg12 : memref<128xi32, #tpu.memory_space<vmem>>)
      tpu.yield
    }) : () -> ()
    %run_scoped3A = arith.constant 0 : i32
    "tpu.region"() ({
      %run_scoped3A_583 = tpu.sem_alloc : memref<!tpu.dma_semaphore, #tpu.memory_space<semaphore_mem>>
      %dma_start3A_584 = arith.constant 0 : i32
      %dma_start3A_585 = arith.constant 0 : i32
      %dma_start3A_586 = tpu.memref_slice %arg11[%run_scoped3A, %dma_start3A_584, %dma_start3A_585] : memref<4x64x128xf32, #tpu.memory_space<vmem>> -> memref<1x64x128xf32, #tpu.memory_space<vmem>>
      %dma_start3A_587 = tpu.memref_squeeze %dma_start3A_586 : memref<1x64x128xf32, #tpu.memory_space<vmem>> -> memref<64x128xf32, #tpu.memory_space<vmem>>
      %dma_start3A_588 = arith.constant 0 : i32
      %dma_start3A_589 = tpu.memref_slice %arg12[%dma_start3A_588] : memref<128xi32, #tpu.memory_space<vmem>> -> memref<64xi32, #tpu.memory_space<vmem>>
      %dma_start3A_590 = arith.constant 0 : i32
      %dma_start3A_591 = arith.constant 0 : i32
      %dma_start3A_592 = tpu.memref_slice %arg24[%dma_start3A_590, %dma_start3A_591] : memref<10240x128xf32, #tpu.memory_space<vmem_shared>> -> memref<10240x128xf32, #tpu.memory_space<vmem_shared>>
      tpu.enqueue_indirect_dma source(%dma_start3A_592 : memref<10240x128xf32, #tpu.memory_space<vmem_shared>>) target(%dma_start3A_587 : memref<64x128xf32, #tpu.memory_space<vmem>>) offsets(%dma_start3A_589 : memref<64xi32, #tpu.memory_space<vmem>>) semaphore(%run_scoped3A_583 : memref<!tpu.dma_semaphore, #tpu.memory_space<semaphore_mem>>)
      %dma_wait3A_593 = arith.constant 0 : i32
      %dma_wait3A_594 = arith.constant 0 : i32
      %dma_wait3A_595 = tpu.memref_slice %arg11[%run_scoped3A, %dma_wait3A_593, %dma_wait3A_594] : memref<4x64x128xf32, #tpu.memory_space<vmem>> -> memref<1x64x128xf32, #tpu.memory_space<vmem>>
      %dma_wait3A_596 = tpu.memref_squeeze %dma_wait3A_595 : memref<1x64x128xf32, #tpu.memory_space<vmem>> -> memref<64x128xf32, #tpu.memory_space<vmem>>
      %dma_wait3A_597 = arith.constant 0 : i32
      %dma_wait3A_598 = tpu.memref_slice %arg12[%dma_wait3A_597] : memref<128xi32, #tpu.memory_space<vmem>> -> memref<64xi32, #tpu.memory_space<vmem>>
      %dma_wait3A_599 = arith.constant 0 : i32
      %dma_wait3A_600 = arith.constant 0 : i32
      %dma_wait3A_601 = tpu.memref_slice %arg24[%dma_wait3A_599, %dma_wait3A_600] : memref<10240x128xf32, #tpu.memory_space<vmem_shared>> -> memref<10240x128xf32, #tpu.memory_space<vmem_shared>>
      tpu.wait_indirect_dma semaphore(%run_scoped3A_583 : memref<!tpu.dma_semaphore, #tpu.memory_space<semaphore_mem>>) src(%dma_wait3A_601 : memref<10240x128xf32, #tpu.memory_space<vmem_shared>>) dst(%dma_wait3A_596 : memref<64x128xf32, #tpu.memory_space<vmem>>)
      tpu.yield
    }) : () -> ()
    %mul3A_564 = arith.constant 2 : i32
    %mul3A_565 = arith.muli %arg1, %mul3A_564 : i32
    %mul3A_566 = arith.constant 64 : i32
    %mul3A_567 = arith.muli %mul3A_565, %mul3A_566 : i32
    %run_scoped3A_568 = arith.constant 0 : i32
    "tpu.region"() ({
      %run_scoped3A_583 = tpu.sem_alloc : memref<!tpu.dma_semaphore, #tpu.memory_space<semaphore_mem>>
      %dma_start3A_584 = arith.constant 0 : i32
      %dma_start3A_585 = arith.constant 0 : i32
      %dma_start3A_586 = tpu.memref_slice %arg11[%run_scoped3A_568, %dma_start3A_584, %dma_start3A_585] : memref<4x64x128xf32, #tpu.memory_space<vmem>> -> memref<1x64x128xf32, #tpu.memory_space<vmem>>
      %dma_start3A_587 = tpu.memref_squeeze %dma_start3A_586 : memref<1x64x128xf32, #tpu.memory_space<vmem>> -> memref<64x128xf32, #tpu.memory_space<vmem>>
      %dma_start3A_588 = arith.constant 0 : i32
      %dma_start3A_589 = tpu.memref_slice %arg6[%arg0, %mul3A_567, %dma_start3A_588] : memref<2x2048x128xf32, #tpu.memory_space<hbm>> -> memref<1x64x128xf32, #tpu.memory_space<hbm>>
      %dma_start3A_590 = tpu.memref_squeeze %dma_start3A_589 : memref<1x64x128xf32, #tpu.memory_space<hbm>> -> memref<64x128xf32, #tpu.memory_space<hbm>>
      %dma_start3A_591 = arith.constant 0 : i32
      %dma_start3A_592 = tpu.memref_slice %arg6[%arg0, %mul3A_567, %dma_start3A_591] : memref<2x2048x128xf32, #tpu.memory_space<hbm>> -> memref<1x64x128xf32, #tpu.memory_space<hbm>>
      %dma_start3A_593 = tpu.memref_squeeze %dma_start3A_592 : memref<1x64x128xf32, #tpu.memory_space<hbm>> -> memref<64x128xf32, #tpu.memory_space<hbm>>
      %dma_start3A_594 = arith.constant 0 : i32
      %dma_start3A_595 = arith.constant 0 : i32
      %dma_start3A_596 = tpu.memref_slice %arg11[%run_scoped3A_568, %dma_start3A_594, %dma_start3A_595] : memref<4x64x128xf32, #tpu.memory_space<vmem>> -> memref<1x64x128xf32, #tpu.memory_space<vmem>>
      %dma_start3A_597 = tpu.memref_squeeze %dma_start3A_596 : memref<1x64x128xf32, #tpu.memory_space<vmem>> -> memref<64x128xf32, #tpu.memory_space<vmem>>
      tpu.enqueue_dma source(%dma_start3A_597 : memref<64x128xf32, #tpu.memory_space<vmem>>) target(%dma_start3A_593 : memref<64x128xf32, #tpu.memory_space<hbm>>) target_semaphore(%run_scoped3A_583 : memref<!tpu.dma_semaphore, #tpu.memory_space<semaphore_mem>>)
      %dma_wait3A_598 = arith.constant 0 : i32
      %dma_wait3A_599 = arith.constant 0 : i32
      %dma_wait3A_600 = tpu.memref_slice %arg11[%run_scoped3A_568, %dma_wait3A_598, %dma_wait3A_599] : memref<4x64x128xf32, #tpu.memory_space<vmem>> -> memref<1x64x128xf32, #tpu.memory_space<vmem>>
      %dma_wait3A_601 = tpu.memref_squeeze %dma_wait3A_600 : memref<1x64x128xf32, #tpu.memory_space<vmem>> -> memref<64x128xf32, #tpu.memory_space<vmem>>
      %dma_wait3A_602 = arith.constant 0 : i32
      %dma_wait3A_603 = tpu.memref_slice %arg6[%arg0, %mul3A_567, %dma_wait3A_602] : memref<2x2048x128xf32, #tpu.memory_space<hbm>> -> memref<1x64x128xf32, #tpu.memory_space<hbm>>
      %dma_wait3A_604 = tpu.memref_squeeze %dma_wait3A_603 : memref<1x64x128xf32, #tpu.memory_space<hbm>> -> memref<64x128xf32, #tpu.memory_space<hbm>>
      %dma_wait3A_605 = arith.constant 0 : i32
      %dma_wait3A_606 = tpu.memref_slice %arg6[%arg0, %mul3A_567, %dma_wait3A_605] : memref<2x2048x128xf32, #tpu.memory_space<hbm>> -> memref<1x64x128xf32, #tpu.memory_space<hbm>>
      %dma_wait3A_607 = tpu.memref_squeeze %dma_wait3A_606 : memref<1x64x128xf32, #tpu.memory_space<hbm>> -> memref<64x128xf32, #tpu.memory_space<hbm>>
      %dma_wait3A_608 = arith.constant 0 : i32
      %dma_wait3A_609 = arith.constant 0 : i32
      %dma_wait3A_610 = tpu.memref_slice %arg11[%run_scoped3A_568, %dma_wait3A_608, %dma_wait3A_609] : memref<4x64x128xf32, #tpu.memory_space<vmem>> -> memref<1x64x128xf32, #tpu.memory_space<vmem>>
      %dma_wait3A_611 = tpu.memref_squeeze %dma_wait3A_610 : memref<1x64x128xf32, #tpu.memory_space<vmem>> -> memref<64x128xf32, #tpu.memory_space<vmem>>
      tpu.wait_dma2 semaphore(%run_scoped3A_583 : memref<!tpu.dma_semaphore, #tpu.memory_space<semaphore_mem>>) src(%dma_wait3A_611 : memref<64x128xf32, #tpu.memory_space<vmem>>) dst(%dma_wait3A_607 : memref<64x128xf32, #tpu.memory_space<hbm>>)
      tpu.yield
    }) : () -> ()
    %run_scoped3A_569 = arith.constant 1 : i32
    "tpu.region"() ({
      %run_scoped3A_583 = tpu.sem_alloc : memref<!tpu.dma_semaphore, #tpu.memory_space<semaphore_mem>>
      %dma_start3A_584 = arith.constant 0 : i32
      %dma_start3A_585 = arith.constant 0 : i32
      %dma_start3A_586 = tpu.memref_slice %arg11[%run_scoped3A_569, %dma_start3A_584, %dma_start3A_585] : memref<4x64x128xf32, #tpu.memory_space<vmem>> -> memref<1x64x128xf32, #tpu.memory_space<vmem>>
      %dma_start3A_587 = tpu.memref_squeeze %dma_start3A_586 : memref<1x64x128xf32, #tpu.memory_space<vmem>> -> memref<64x128xf32, #tpu.memory_space<vmem>>
      %dma_start3A_588 = arith.constant 64 : i32
      %dma_start3A_589 = tpu.memref_slice %arg12[%dma_start3A_588] : memref<128xi32, #tpu.memory_space<vmem>> -> memref<64xi32, #tpu.memory_space<vmem>>
      %dma_start3A_590 = arith.constant 0 : i32
      %dma_start3A_591 = arith.constant 0 : i32
      %dma_start3A_592 = tpu.memref_slice %arg24[%dma_start3A_590, %dma_start3A_591] : memref<10240x128xf32, #tpu.memory_space<vmem_shared>> -> memref<10240x128xf32, #tpu.memory_space<vmem_shared>>
      tpu.enqueue_indirect_dma source(%dma_start3A_592 : memref<10240x128xf32, #tpu.memory_space<vmem_shared>>) target(%dma_start3A_587 : memref<64x128xf32, #tpu.memory_space<vmem>>) offsets(%dma_start3A_589 : memref<64xi32, #tpu.memory_space<vmem>>) semaphore(%run_scoped3A_583 : memref<!tpu.dma_semaphore, #tpu.memory_space<semaphore_mem>>)
      %dma_wait3A_593 = arith.constant 0 : i32
      %dma_wait3A_594 = arith.constant 0 : i32
      %dma_wait3A_595 = tpu.memref_slice %arg11[%run_scoped3A_569, %dma_wait3A_593, %dma_wait3A_594] : memref<4x64x128xf32, #tpu.memory_space<vmem>> -> memref<1x64x128xf32, #tpu.memory_space<vmem>>
      %dma_wait3A_596 = tpu.memref_squeeze %dma_wait3A_595 : memref<1x64x128xf32, #tpu.memory_space<vmem>> -> memref<64x128xf32, #tpu.memory_space<vmem>>
      %dma_wait3A_597 = arith.constant 64 : i32
      %dma_wait3A_598 = tpu.memref_slice %arg12[%dma_wait3A_597] : memref<128xi32, #tpu.memory_space<vmem>> -> memref<64xi32, #tpu.memory_space<vmem>>
      %dma_wait3A_599 = arith.constant 0 : i32
      %dma_wait3A_600 = arith.constant 0 : i32
      %dma_wait3A_601 = tpu.memref_slice %arg24[%dma_wait3A_599, %dma_wait3A_600] : memref<10240x128xf32, #tpu.memory_space<vmem_shared>> -> memref<10240x128xf32, #tpu.memory_space<vmem_shared>>
      tpu.wait_indirect_dma semaphore(%run_scoped3A_583 : memref<!tpu.dma_semaphore, #tpu.memory_space<semaphore_mem>>) src(%dma_wait3A_601 : memref<10240x128xf32, #tpu.memory_space<vmem_shared>>) dst(%dma_wait3A_596 : memref<64x128xf32, #tpu.memory_space<vmem>>)
      tpu.yield
    }) : () -> ()
    %mul3A_570 = arith.constant 2 : i32
    %mul3A_571 = arith.muli %arg1, %mul3A_570 : i32
    %mul3A_572 = arith.constant 64 : i32
    %mul3A_573 = arith.muli %mul3A_571, %mul3A_572 : i32
    %add3A_574 = arith.constant 64 : i32
    %add3A_575 = arith.addi %mul3A_573, %add3A_574 : i32
    %run_scoped3A_576 = arith.constant 1 : i32
    "tpu.region"() ({
      %run_scoped3A_583 = tpu.sem_alloc : memref<!tpu.dma_semaphore, #tpu.memory_space<semaphore_mem>>
      %dma_start3A_584 = arith.constant 0 : i32
      %dma_start3A_585 = arith.constant 0 : i32
      %dma_start3A_586 = tpu.memref_slice %arg11[%run_scoped3A_576, %dma_start3A_584, %dma_start3A_585] : memref<4x64x128xf32, #tpu.memory_space<vmem>> -> memref<1x64x128xf32, #tpu.memory_space<vmem>>
      %dma_start3A_587 = tpu.memref_squeeze %dma_start3A_586 : memref<1x64x128xf32, #tpu.memory_space<vmem>> -> memref<64x128xf32, #tpu.memory_space<vmem>>
      %dma_start3A_588 = arith.constant 0 : i32
      %dma_start3A_589 = tpu.memref_slice %arg6[%arg0, %add3A_575, %dma_start3A_588] : memref<2x2048x128xf32, #tpu.memory_space<hbm>> -> memref<1x64x128xf32, #tpu.memory_space<hbm>>
      %dma_start3A_590 = tpu.memref_squeeze %dma_start3A_589 : memref<1x64x128xf32, #tpu.memory_space<hbm>> -> memref<64x128xf32, #tpu.memory_space<hbm>>
      %dma_start3A_591 = arith.constant 0 : i32
      %dma_start3A_592 = tpu.memref_slice %arg6[%arg0, %add3A_575, %dma_start3A_591] : memref<2x2048x128xf32, #tpu.memory_space<hbm>> -> memref<1x64x128xf32, #tpu.memory_space<hbm>>
      %dma_start3A_593 = tpu.memref_squeeze %dma_start3A_592 : memref<1x64x128xf32, #tpu.memory_space<hbm>> -> memref<64x128xf32, #tpu.memory_space<hbm>>
      %dma_start3A_594 = arith.constant 0 : i32
      %dma_start3A_595 = arith.constant 0 : i32
      %dma_start3A_596 = tpu.memref_slice %arg11[%run_scoped3A_576, %dma_start3A_594, %dma_start3A_595] : memref<4x64x128xf32, #tpu.memory_space<vmem>> -> memref<1x64x128xf32, #tpu.memory_space<vmem>>
      %dma_start3A_597 = tpu.memref_squeeze %dma_start3A_596 : memref<1x64x128xf32, #tpu.memory_space<vmem>> -> memref<64x128xf32, #tpu.memory_space<vmem>>
      tpu.enqueue_dma source(%dma_start3A_597 : memref<64x128xf32, #tpu.memory_space<vmem>>) target(%dma_start3A_593 : memref<64x128xf32, #tpu.memory_space<hbm>>) target_semaphore(%run_scoped3A_583 : memref<!tpu.dma_semaphore, #tpu.memory_space<semaphore_mem>>)
      %dma_wait3A_598 = arith.constant 0 : i32
      %dma_wait3A_599 = arith.constant 0 : i32
      %dma_wait3A_600 = tpu.memref_slice %arg11[%run_scoped3A_576, %dma_wait3A_598, %dma_wait3A_599] : memref<4x64x128xf32, #tpu.memory_space<vmem>> -> memref<1x64x128xf32, #tpu.memory_space<vmem>>
      %dma_wait3A_601 = tpu.memref_squeeze %dma_wait3A_600 : memref<1x64x128xf32, #tpu.memory_space<vmem>> -> memref<64x128xf32, #tpu.memory_space<vmem>>
      %dma_wait3A_602 = arith.constant 0 : i32
      %dma_wait3A_603 = tpu.memref_slice %arg6[%arg0, %add3A_575, %dma_wait3A_602] : memref<2x2048x128xf32, #tpu.memory_space<hbm>> -> memref<1x64x128xf32, #tpu.memory_space<hbm>>
      %dma_wait3A_604 = tpu.memref_squeeze %dma_wait3A_603 : memref<1x64x128xf32, #tpu.memory_space<hbm>> -> memref<64x128xf32, #tpu.memory_space<hbm>>
      %dma_wait3A_605 = arith.constant 0 : i32
      %dma_wait3A_606 = tpu.memref_slice %arg6[%arg0, %add3A_575, %dma_wait3A_605] : memref<2x2048x128xf32, #tpu.memory_space<hbm>> -> memref<1x64x128xf32, #tpu.memory_space<hbm>>
      %dma_wait3A_607 = tpu.memref_squeeze %dma_wait3A_606 : memref<1x64x128xf32, #tpu.memory_space<hbm>> -> memref<64x128xf32, #tpu.memory_space<hbm>>
      %dma_wait3A_608 = arith.constant 0 : i32
      %dma_wait3A_609 = arith.constant 0 : i32
      %dma_wait3A_610 = tpu.memref_slice %arg11[%run_scoped3A_576, %dma_wait3A_608, %dma_wait3A_609] : memref<4x64x128xf32, #tpu.memory_space<vmem>> -> memref<1x64x128xf32, #tpu.memory_space<vmem>>
      %dma_wait3A_611 = tpu.memref_squeeze %dma_wait3A_610 : memref<1x64x128xf32, #tpu.memory_space<vmem>> -> memref<64x128xf32, #tpu.memory_space<vmem>>
      tpu.wait_dma2 semaphore(%run_scoped3A_583 : memref<!tpu.dma_semaphore, #tpu.memory_space<semaphore_mem>>) src(%dma_wait3A_611 : memref<64x128xf32, #tpu.memory_space<vmem>>) dst(%dma_wait3A_607 : memref<64x128xf32, #tpu.memory_space<hbm>>)
      tpu.yield
    }) : () -> ()
    %mul3A_577 = arith.constant 64 : i32
    %mul3A_578 = arith.muli %add3A, %mul3A_577 : i32
    "tpu.region"() ({
      %run_scoped3A_583 = tpu.sem_alloc : memref<!tpu.dma_semaphore, #tpu.memory_space<semaphore_mem>>
      %dma_start3A_584 = tpu.memref_slice %arg5[%mul3A_578] : memref<2048xi32, #tpu.memory_space<hbm>> -> memref<64xi32, #tpu.memory_space<hbm>>
      %dma_start3A_585 = tpu.memref_slice %arg5[%mul3A_578] : memref<2048xi32, #tpu.memory_space<hbm>> -> memref<64xi32, #tpu.memory_space<hbm>>
      tpu.enqueue_dma source(%dma_start3A_585 : memref<64xi32, #tpu.memory_space<hbm>>) target(%arg13 : memref<64xi32, #tpu.memory_space<vmem>>) target_semaphore(%run_scoped3A_583 : memref<!tpu.dma_semaphore, #tpu.memory_space<semaphore_mem>>)
      %dma_wait3A_586 = tpu.memref_slice %arg5[%mul3A_578] : memref<2048xi32, #tpu.memory_space<hbm>> -> memref<64xi32, #tpu.memory_space<hbm>>
      %dma_wait3A_587 = tpu.memref_slice %arg5[%mul3A_578] : memref<2048xi32, #tpu.memory_space<hbm>> -> memref<64xi32, #tpu.memory_space<hbm>>
      tpu.wait_dma2 semaphore(%run_scoped3A_583 : memref<!tpu.dma_semaphore, #tpu.memory_space<semaphore_mem>>) src(%dma_wait3A_587 : memref<64xi32, #tpu.memory_space<hbm>>) dst(%arg13 : memref<64xi32, #tpu.memory_space<vmem>>)
      tpu.yield
    }) : () -> ()
    %run_scoped3A_579 = arith.constant 2 : i32
    "tpu.region"() ({
      %run_scoped3A_583 = tpu.sem_alloc : memref<!tpu.dma_semaphore, #tpu.memory_space<semaphore_mem>>
      %dma_start3A_584 = arith.constant 0 : i32
      %dma_start3A_585 = arith.constant 0 : i32
      %dma_start3A_586 = tpu.memref_slice %arg11[%run_scoped3A_579, %dma_start3A_584, %dma_start3A_585] : memref<4x64x128xf32, #tpu.memory_space<vmem>> -> memref<1x64x128xf32, #tpu.memory_space<vmem>>
      %dma_start3A_587 = tpu.memref_squeeze %dma_start3A_586 : memref<1x64x128xf32, #tpu.memory_space<vmem>> -> memref<64x128xf32, #tpu.memory_space<vmem>>
      %dma_start3A_588 = arith.constant 0 : i32
      %dma_start3A_589 = arith.constant 0 : i32
      %dma_start3A_590 = tpu.memref_slice %arg4[%dma_start3A_588, %dma_start3A_589] : memref<10000x128xf32, #tpu.memory_space<hbm>> -> memref<10000x128xf32, #tpu.memory_space<hbm>>
      tpu.enqueue_indirect_dma source(%dma_start3A_590 : memref<10000x128xf32, #tpu.memory_space<hbm>>) target(%dma_start3A_587 : memref<64x128xf32, #tpu.memory_space<vmem>>) offsets(%arg13 : memref<64xi32, #tpu.memory_space<vmem>>) semaphore(%run_scoped3A_583 : memref<!tpu.dma_semaphore, #tpu.memory_space<semaphore_mem>>)
      %dma_wait3A_591 = arith.constant 0 : i32
      %dma_wait3A_592 = arith.constant 0 : i32
      %dma_wait3A_593 = tpu.memref_slice %arg11[%run_scoped3A_579, %dma_wait3A_591, %dma_wait3A_592] : memref<4x64x128xf32, #tpu.memory_space<vmem>> -> memref<1x64x128xf32, #tpu.memory_space<vmem>>
      %dma_wait3A_594 = tpu.memref_squeeze %dma_wait3A_593 : memref<1x64x128xf32, #tpu.memory_space<vmem>> -> memref<64x128xf32, #tpu.memory_space<vmem>>
      %dma_wait3A_595 = arith.constant 0 : i32
      %dma_wait3A_596 = arith.constant 0 : i32
      %dma_wait3A_597 = tpu.memref_slice %arg4[%dma_wait3A_595, %dma_wait3A_596] : memref<10000x128xf32, #tpu.memory_space<hbm>> -> memref<10000x128xf32, #tpu.memory_space<hbm>>
      tpu.wait_indirect_dma semaphore(%run_scoped3A_583 : memref<!tpu.dma_semaphore, #tpu.memory_space<semaphore_mem>>) src(%dma_wait3A_597 : memref<10000x128xf32, #tpu.memory_space<hbm>>) dst(%dma_wait3A_594 : memref<64x128xf32, #tpu.memory_space<vmem>>)
      tpu.yield
    }) : () -> ()
    %mul3A_580 = arith.constant 64 : i32
    %mul3A_581 = arith.muli %add3A, %mul3A_580 : i32
    %run_scoped3A_582 = arith.constant 2 : i32
    "tpu.region"() ({
      %run_scoped3A_583 = tpu.sem_alloc : memref<!tpu.dma_semaphore, #tpu.memory_space<semaphore_mem>>
      %dma_start3A_584 = arith.constant 0 : i32
      %dma_start3A_585 = arith.constant 0 : i32
      %dma_start3A_586 = tpu.memref_slice %arg11[%run_scoped3A_582, %dma_start3A_584, %dma_start3A_585] : memref<4x64x128xf32, #tpu.memory_space<vmem>> -> memref<1x64x128xf32, #tpu.memory_space<vmem>>
      %dma_start3A_587 = tpu.memref_squeeze %dma_start3A_586 : memref<1x64x128xf32, #tpu.memory_space<vmem>> -> memref<64x128xf32, #tpu.memory_space<vmem>>
      %dma_start3A_588 = arith.constant 0 : i32
      %dma_start3A_589 = tpu.memref_slice %arg7[%mul3A_581, %dma_start3A_588] : memref<2048x128xf32, #tpu.memory_space<hbm>> -> memref<64x128xf32, #tpu.memory_space<hbm>>
      %dma_start3A_590 = arith.constant 0 : i32
      %dma_start3A_591 = tpu.memref_slice %arg7[%mul3A_581, %dma_start3A_590] : memref<2048x128xf32, #tpu.memory_space<hbm>> -> memref<64x128xf32, #tpu.memory_space<hbm>>
      %dma_start3A_592 = arith.constant 0 : i32
      %dma_start3A_593 = arith.constant 0 : i32
      %dma_start3A_594 = tpu.memref_slice %arg11[%run_scoped3A_582, %dma_start3A_592, %dma_start3A_593] : memref<4x64x128xf32, #tpu.memory_space<vmem>> -> memref<1x64x128xf32, #tpu.memory_space<vmem>>
      %dma_start3A_595 = tpu.memref_squeeze %dma_start3A_594 : memref<1x64x128xf32, #tpu.memory_space<vmem>> -> memref<64x128xf32, #tpu.memory_space<vmem>>
      tpu.enqueue_dma source(%dma_start3A_595 : memref<64x128xf32, #tpu.memory_space<vmem>>) target(%dma_start3A_591 : memref<64x128xf32, #tpu.memory_space<hbm>>) target_semaphore(%run_scoped3A_583 : memref<!tpu.dma_semaphore, #tpu.memory_space<semaphore_mem>>)
      %dma_wait3A_596 = arith.constant 0 : i32
      %dma_wait3A_597 = arith.constant 0 : i32
      %dma_wait3A_598 = tpu.memref_slice %arg11[%run_scoped3A_582, %dma_wait3A_596, %dma_wait3A_597] : memref<4x64x128xf32, #tpu.memory_space<vmem>> -> memref<1x64x128xf32, #tpu.memory_space<vmem>>
      %dma_wait3A_599 = tpu.memref_squeeze %dma_wait3A_598 : memref<1x64x128xf32, #tpu.memory_space<vmem>> -> memref<64x128xf32, #tpu.memory_space<vmem>>
      %dma_wait3A_600 = arith.constant 0 : i32
      %dma_wait3A_601 = tpu.memref_slice %arg7[%mul3A_581, %dma_wait3A_600] : memref<2048x128xf32, #tpu.memory_space<hbm>> -> memref<64x128xf32, #tpu.memory_space<hbm>>
      %dma_wait3A_602 = arith.constant 0 : i32
      %dma_wait3A_603 = tpu.memref_slice %arg7[%mul3A_581, %dma_wait3A_602] : memref<2048x128xf32, #tpu.memory_space<hbm>> -> memref<64x128xf32, #tpu.memory_space<hbm>>
      %dma_wait3A_604 = arith.constant 0 : i32
      %dma_wait3A_605 = arith.constant 0 : i32
      %dma_wait3A_606 = tpu.memref_slice %arg11[%run_scoped3A_582, %dma_wait3A_604, %dma_wait3A_605] : memref<4x64x128xf32, #tpu.memory_space<vmem>> -> memref<1x64x128xf32, #tpu.memory_space<vmem>>
      %dma_wait3A_607 = tpu.memref_squeeze %dma_wait3A_606 : memref<1x64x128xf32, #tpu.memory_space<vmem>> -> memref<64x128xf32, #tpu.memory_space<vmem>>
      tpu.wait_dma2 semaphore(%run_scoped3A_583 : memref<!tpu.dma_semaphore, #tpu.memory_space<semaphore_mem>>) src(%dma_wait3A_607 : memref<64x128xf32, #tpu.memory_space<vmem>>) dst(%dma_wait3A_603 : memref<64x128xf32, #tpu.memory_space<hbm>>)
      tpu.yield
    }) : () -> ()
    return
  }
}

module attributes {stable_mosaic.version = 14 : i64} {
  func.func @_head_body(%arg0: i32, %arg1: memref<2x1x512x128xf32, #tpu.memory_space<vmem>>, %arg2: memref<1x512x128xf32, #tpu.memory_space<vmem>>, %arg3: memref<1x1x512xi32, #tpu.memory_space<vmem>>, %arg4: memref<1x512x64xi32, #tpu.memory_space<vmem>>, %arg5: memref<128x128xf32, #tpu.memory_space<vmem>>, %arg6: memref<128x128xf32, #tpu.memory_space<vmem>>, %arg7: memref<1x1x128xf32, #tpu.memory_space<vmem>>, %arg8: memref<1x128x128xf32, #tpu.memory_space<vmem>>, %arg9: memref<1x1x128xf32, #tpu.memory_space<vmem>>, %arg10: memref<1x128x64xf32, #tpu.memory_space<vmem>>, %arg11: memref<1x1x64xf32, #tpu.memory_space<vmem>>, %arg12: memref<1x1x512xf32, #tpu.memory_space<vmem>>, %arg13: memref<64x1x8x64xf32, #tpu.memory_space<vmem>>) attributes {dimension_semantics = [#tpu.dimension_semantics<arbitrary>], iteration_bounds = array<i64: 4>, scalar_prefetch = 0 : i64, scratch_operands = 0 : i64, tpu.core_type = #tpu.core_type<tc>, window_params = [{transform_indices = @transform_0, window_bounds = array<i64: 2, 1, 512, 128>}, {transform_indices = @transform_1, window_bounds = array<i64: 1, 512, 128>}, {transform_indices = @transform_2, window_bounds = array<i64: 1, 1, 512>}, {transform_indices = @transform_3, window_bounds = array<i64: 1, 512, 64>}, {pipeline_mode = #tpu.pipeline_mode<synchronous>, transform_indices = @transform_4, window_bounds = array<i64: 128, 128>}, {pipeline_mode = #tpu.pipeline_mode<synchronous>, transform_indices = @transform_5, window_bounds = array<i64: 128, 128>}, {transform_indices = @transform_6, window_bounds = array<i64: 1, 1, 128>}, {transform_indices = @transform_7, window_bounds = array<i64: 1, 128, 128>}, {transform_indices = @transform_8, window_bounds = array<i64: 1, 1, 128>}, {transform_indices = @transform_9, window_bounds = array<i64: 1, 128, 64>}, {transform_indices = @transform_10, window_bounds = array<i64: 1, 1, 64>}, {transform_indices = @transform_11, window_bounds = array<i64: 1, 1, 512>}, {transform_indices = @transform_12, window_bounds = array<i64: 64, 1, 8, 64>}]} {
    %get3A = arith.constant 0 : index
    %get3A_0 = arith.constant 0 : index
    %get3A_1 = arith.constant 0 : index
    %get3A_2 = arith.constant 0 : index
    %get3A_3 = vector.load %arg1[%get3A, %get3A_0, %get3A_1, %get3A_2] : memref<2x1x512x128xf32, #tpu.memory_space<vmem>>, vector<1x1x512x128xf32>
    %get3A_4 = vector.shape_cast %get3A_3 : vector<1x1x512x128xf32> to vector<512x128xf32>
    %get3A_5 = arith.constant 1 : index
    %get3A_6 = arith.constant 0 : index
    %get3A_7 = arith.constant 0 : index
    %get3A_8 = arith.constant 0 : index
    %get3A_9 = vector.load %arg1[%get3A_5, %get3A_6, %get3A_7, %get3A_8] : memref<2x1x512x128xf32, #tpu.memory_space<vmem>>, vector<1x1x512x128xf32>
    %get3A_10 = vector.shape_cast %get3A_9 : vector<1x1x512x128xf32> to vector<512x128xf32>
    %add3A = arith.addf %get3A_4, %get3A_10 : vector<512x128xf32>
    %get3A_11 = arith.constant 0 : index
    %get3A_12 = arith.constant 0 : index
    %get3A_13 = vector.load %arg5[%get3A_11, %get3A_12] : memref<128x128xf32, #tpu.memory_space<vmem>>, vector<128x128xf32>
    %dot_general3A = arith.constant dense<0.000000e+00> : vector<512x128xf32>
    %dot_general3A_14 = tpu.matmul %add3A, %get3A_13, %dot_general3A {dimension_numbers = #tpu.dot_dimension_numbers<[1], [0], [0], [1], [0, 0, 1, 1], [], []>, transpose_lhs_hint = false} : vector<512x128xf32>, vector<128x128xf32>, vector<512x128xf32> -> vector<512x128xf32>
    %get3A_15 = arith.constant 0 : index
    %get3A_16 = arith.constant 0 : index
    %get3A_17 = arith.constant 0 : index
    %get3A_18 = vector.load %arg2[%get3A_15, %get3A_16, %get3A_17] : memref<1x512x128xf32, #tpu.memory_space<vmem>>, vector<1x512x128xf32>
    %get3A_19 = vector.shape_cast %get3A_18 : vector<1x512x128xf32> to vector<512x128xf32>
    %get3A_20 = arith.constant 0 : index
    %get3A_21 = arith.constant 0 : index
    %get3A_22 = vector.load %arg6[%get3A_20, %get3A_21] : memref<128x128xf32, #tpu.memory_space<vmem>>, vector<128x128xf32>
    %dot_general3A_23 = arith.constant dense<0.000000e+00> : vector<512x128xf32>
    %dot_general3A_24 = tpu.matmul %get3A_19, %get3A_22, %dot_general3A_23 {dimension_numbers = #tpu.dot_dimension_numbers<[1], [0], [0], [1], [0, 0, 1, 1], [], []>, transpose_lhs_hint = false} : vector<512x128xf32>, vector<128x128xf32>, vector<512x128xf32> -> vector<512x128xf32>
    %add3A_25 = arith.addf %dot_general3A_14, %dot_general3A_24 : vector<512x128xf32>
    %max3A = arith.constant 0.000000e+00 : f32
    %max3A_26 = vector.broadcast %max3A : f32 to vector<512x128xf32>
    %max3A_27 = arith.maximumf %add3A_25, %max3A_26 : vector<512x128xf32>
    %get3A_28 = arith.constant 0 : index
    %get3A_29 = arith.constant 0 : index
    %get3A_30 = arith.constant 0 : index
    %get3A_31 = vector.load %arg7[%get3A_28, %get3A_29, %get3A_30] : memref<1x1x128xf32, #tpu.memory_space<vmem>>, vector<1x1x128xf32>
    %get3A_32 = vector.shape_cast %get3A_31 : vector<1x1x128xf32> to vector<1x128xf32>
    %mul3A = vector.broadcast %get3A_32 : vector<1x128xf32> to vector<512x128xf32>
    %mul3A_33 = arith.mulf %max3A_27, %mul3A : vector<512x128xf32>
    %reduce_sum3A = arith.constant dense<0.000000e+00> : vector<512xf32>
    %reduce_sum3A_34 = vector.multi_reduction <add>, %mul3A_33, %reduce_sum3A [1] : vector<512x128xf32> to vector<512xf32>
    %get3A_35 = arith.constant 0 : index
    %get3A_36 = arith.constant 0 : index
    %get3A_37 = arith.constant 0 : index
    %get3A_38 = vector.load %arg8[%get3A_35, %get3A_36, %get3A_37] : memref<1x128x128xf32, #tpu.memory_space<vmem>>, vector<1x128x128xf32>
    %get3A_39 = vector.shape_cast %get3A_38 : vector<1x128x128xf32> to vector<128x128xf32>
    %dot_general3A_40 = arith.constant dense<0.000000e+00> : vector<512x128xf32>
    %dot_general3A_41 = tpu.matmul %max3A_27, %get3A_39, %dot_general3A_40 {dimension_numbers = #tpu.dot_dimension_numbers<[1], [0], [0], [1], [0, 0, 1, 1], [], []>, transpose_lhs_hint = false} : vector<512x128xf32>, vector<128x128xf32>, vector<512x128xf32> -> vector<512x128xf32>
    %get3A_42 = arith.constant 0 : index
    %get3A_43 = arith.constant 0 : index
    %get3A_44 = arith.constant 0 : index
    %get3A_45 = vector.load %arg9[%get3A_42, %get3A_43, %get3A_44] : memref<1x1x128xf32, #tpu.memory_space<vmem>>, vector<1x1x128xf32>
    %get3A_46 = vector.shape_cast %get3A_45 : vector<1x1x128xf32> to vector<1x128xf32>
    %add3A_47 = vector.broadcast %get3A_46 : vector<1x128xf32> to vector<512x128xf32>
    %add3A_48 = arith.addf %dot_general3A_41, %add3A_47 : vector<512x128xf32>
    %max3A_49 = arith.constant 0.000000e+00 : f32
    %max3A_50 = vector.broadcast %max3A_49 : f32 to vector<512x128xf32>
    %max3A_51 = arith.maximumf %add3A_48, %max3A_50 : vector<512x128xf32>
    %get3A_52 = arith.constant 0 : index
    %get3A_53 = arith.constant 0 : index
    %get3A_54 = arith.constant 0 : index
    %get3A_55 = vector.load %arg10[%get3A_52, %get3A_53, %get3A_54] : memref<1x128x64xf32, #tpu.memory_space<vmem>>, vector<1x128x64xf32>
    %get3A_56 = vector.shape_cast %get3A_55 : vector<1x128x64xf32> to vector<128x64xf32>
    %dot_general3A_57 = arith.constant dense<0.000000e+00> : vector<512x64xf32>
    %dot_general3A_58 = tpu.matmul %max3A_51, %get3A_56, %dot_general3A_57 {dimension_numbers = #tpu.dot_dimension_numbers<[1], [0], [0], [1], [0, 0, 1, 1], [], []>, transpose_lhs_hint = false} : vector<512x128xf32>, vector<128x64xf32>, vector<512x64xf32> -> vector<512x64xf32>
    %get3A_59 = arith.constant 0 : index
    %get3A_60 = arith.constant 0 : index
    %get3A_61 = arith.constant 0 : index
    %get3A_62 = vector.load %arg11[%get3A_59, %get3A_60, %get3A_61] : memref<1x1x64xf32, #tpu.memory_space<vmem>>, vector<1x1x64xf32>
    %get3A_63 = vector.shape_cast %get3A_62 : vector<1x1x64xf32> to vector<1x64xf32>
    %add3A_64 = vector.broadcast %get3A_63 : vector<1x64xf32> to vector<512x64xf32>
    %add3A_65 = arith.addf %dot_general3A_58, %add3A_64 : vector<512x64xf32>
    %get3A_66 = arith.constant 0 : index
    %get3A_67 = arith.constant 0 : index
    %get3A_68 = arith.constant 0 : index
    %get3A_69 = vector.load %arg3[%get3A_66, %get3A_67, %get3A_68] : memref<1x1x512xi32, #tpu.memory_space<vmem>>, vector<1x1x512xi32>
    %get3A_70 = vector.shape_cast %get3A_69 : vector<1x1x512xi32> to vector<1x512xi32>
    %ge3A = arith.constant 0 : i32
    %ge3A_71 = vector.broadcast %ge3A : i32 to vector<1x512xi32>
    %ge3A_72 = arith.cmpi sge, %get3A_70, %ge3A_71 : vector<1x512xi32>
    %reshape3A = vector.shape_cast %reduce_sum3A_34 : vector<512xf32> to vector<1x512xf32>
    %jit3A = arith.constant -1.000000e+09 : f32
    %broadcast_in_dim3A = vector.broadcast %jit3A : f32 to vector<1x512xf32>
    %select_n3A = arith.select %ge3A_72, %reshape3A, %broadcast_in_dim3A : vector<1x512xi1>, vector<1x512xf32>
    %reshape3A_73 = vector.shape_cast %select_n3A : vector<1x512xf32> to vector<1x1x512xf32>
    %swap3A = arith.constant 0 : index
    %swap3A_74 = arith.constant 0 : index
    %swap3A_75 = arith.constant 0 : index
    %swap3A_76 = vector.load %arg12[%swap3A, %swap3A_74, %swap3A_75] : memref<1x1x512xf32, #tpu.memory_space<vmem>>, vector<1x1x512xf32>
    tpu.vector_store %arg12[%swap3A, %swap3A_74, %swap3A_75], %reshape3A_73 {strides = array<i32>} : memref<1x1x512xf32, #tpu.memory_space<vmem>>, vector<1x1x512xf32>,
    %get3A_77 = arith.constant 0 : index
    %get3A_78 = arith.constant 0 : index
    %get3A_79 = arith.constant 0 : index
    %get3A_80 = vector.load %arg4[%get3A_77, %get3A_78, %get3A_79] : memref<1x512x64xi32, #tpu.memory_space<vmem>>, vector<1x512x64xi32>
    %get3A_81 = vector.shape_cast %get3A_80 : vector<1x512x64xi32> to vector<512x64xi32>
    %ge3A_82 = arith.constant 0 : i32
    %ge3A_83 = vector.broadcast %ge3A_82 : i32 to vector<512x64xi32>
    %ge3A_84 = arith.cmpi sge, %get3A_81, %ge3A_83 : vector<512x64xi32>
    %jit3A_85 = arith.constant -1.000000e+09 : f32
    %broadcast_in_dim3A_86 = vector.broadcast %jit3A_85 : f32 to vector<512x64xf32>
    %select_n3A_87 = arith.select %ge3A_84, %add3A_65, %broadcast_in_dim3A_86 : vector<512x64xi1>, vector<512x64xf32>
    %reshape3A_88 = vector.shape_cast %select_n3A_87 : vector<512x64xf32> to vector<64x1x8x64xf32>
    %swap3A_89 = arith.constant 0 : index
    %swap3A_90 = arith.constant 0 : index
    %swap3A_91 = arith.constant 0 : index
    %swap3A_92 = arith.constant 0 : index
    %swap3A_93 = vector.load %arg13[%swap3A_89, %swap3A_90, %swap3A_91, %swap3A_92] : memref<64x1x8x64xf32, #tpu.memory_space<vmem>>, vector<64x1x8x64xf32>
    tpu.vector_store %arg13[%swap3A_89, %swap3A_90, %swap3A_91, %swap3A_92], %reshape3A_88 {strides = array<i32>} : memref<64x1x8x64xf32, #tpu.memory_space<vmem>>, vector<64x1x8x64xf32>,
    return
  }
  func.func @transform_0(%arg0: i32) -> (i32, i32, i32, i32) {
    %c0_i32 = arith.constant 0 : i32
    %c0_i32_0 = arith.constant 0 : i32
    %c0_i32_1 = arith.constant 0 : i32
    %c0_i32_2 = arith.constant 0 : i32
    return %c0_i32, %arg0, %c0_i32_0, %c0_i32_1 : i32, i32, i32, i32
  }
  func.func @transform_1(%arg0: i32) -> (i32, i32, i32) {
    %c0_i32 = arith.constant 0 : i32
    %c0_i32_0 = arith.constant 0 : i32
    %c0_i32_1 = arith.constant 0 : i32
    return %arg0, %c0_i32, %c0_i32_0 : i32, i32, i32
  }
  func.func @transform_2(%arg0: i32) -> (i32, i32, i32) {
    %c0_i32 = arith.constant 0 : i32
    %c0_i32_0 = arith.constant 0 : i32
    %c0_i32_1 = arith.constant 0 : i32
    return %arg0, %c0_i32, %c0_i32_0 : i32, i32, i32
  }
  func.func @transform_3(%arg0: i32) -> (i32, i32, i32) {
    %c0_i32 = arith.constant 0 : i32
    %c0_i32_0 = arith.constant 0 : i32
    %c0_i32_1 = arith.constant 0 : i32
    return %arg0, %c0_i32, %c0_i32_0 : i32, i32, i32
  }
  func.func @transform_4(%arg0: i32) -> (i32, i32) {
    %c0_i32 = arith.constant 0 : i32
    %c0_i32_0 = arith.constant 0 : i32
    %c0_i32_1 = arith.constant 0 : i32
    return %c0_i32, %c0_i32_0 : i32, i32
  }
  func.func @transform_5(%arg0: i32) -> (i32, i32) {
    %c0_i32 = arith.constant 0 : i32
    %c0_i32_0 = arith.constant 0 : i32
    %c0_i32_1 = arith.constant 0 : i32
    return %c0_i32, %c0_i32_0 : i32, i32
  }
  func.func @transform_6(%arg0: i32) -> (i32, i32, i32) {
    %c0_i32 = arith.constant 0 : i32
    %c0_i32_0 = arith.constant 0 : i32
    %c0_i32_1 = arith.constant 0 : i32
    return %arg0, %c0_i32, %c0_i32_0 : i32, i32, i32
  }
  func.func @transform_7(%arg0: i32) -> (i32, i32, i32) {
    %c0_i32 = arith.constant 0 : i32
    %c0_i32_0 = arith.constant 0 : i32
    %c0_i32_1 = arith.constant 0 : i32
    return %arg0, %c0_i32, %c0_i32_0 : i32, i32, i32
  }
  func.func @transform_8(%arg0: i32) -> (i32, i32, i32) {
    %c0_i32 = arith.constant 0 : i32
    %c0_i32_0 = arith.constant 0 : i32
    %c0_i32_1 = arith.constant 0 : i32
    return %arg0, %c0_i32, %c0_i32_0 : i32, i32, i32
  }
  func.func @transform_9(%arg0: i32) -> (i32, i32, i32) {
    %c0_i32 = arith.constant 0 : i32
    %c0_i32_0 = arith.constant 0 : i32
    %c0_i32_1 = arith.constant 0 : i32
    return %arg0, %c0_i32, %c0_i32_0 : i32, i32, i32
  }
  func.func @transform_10(%arg0: i32) -> (i32, i32, i32) {
    %c0_i32 = arith.constant 0 : i32
    %c0_i32_0 = arith.constant 0 : i32
    %c0_i32_1 = arith.constant 0 : i32
    return %arg0, %c0_i32, %c0_i32_0 : i32, i32, i32
  }
  func.func @transform_11(%arg0: i32) -> (i32, i32, i32) {
    %c0_i32 = arith.constant 0 : i32
    %c0_i32_0 = arith.constant 0 : i32
    %c0_i32_1 = arith.constant 0 : i32
    return %arg0, %c0_i32, %c0_i32_0 : i32, i32, i32
  }
  func.func @transform_12(%arg0: i32) -> (i32, i32, i32, i32) {
    %c0_i32 = arith.constant 0 : i32
    %c0_i32_0 = arith.constant 0 : i32
    %c0_i32_1 = arith.constant 0 : i32
    %c0_i32_2 = arith.constant 0 : i32
    return %c0_i32, %arg0, %c0_i32_0, %c0_i32_1 : i32, i32, i32, i32
  }
}

</mosaic_0001>

<sc_bundles>
// kernel: kernel.4.cloned.1.call-start
scs
__scs_entry_jumppad:
0x0: {  	(pc) =	sbr.rel $0x88, $3  }
0x1: {  	(tag) =	ssettag $0x0;
	lr =	simm.s32 $0x1  }
0x2: {  	[smem:$0x3F96] =	sst lr;
	_ =	strace $0xD0000000  }
0x3: {  	_ = 	snop  }
0x4: {  	_ = 	snop  }
0x5: {  	_ = 	snop  }
0x6: {  	_ = 	snop  }
0x7: {  	_ = 	snop  }
__scs_overlays_trampoline_lowered:
0x8: {  	[smem:$0x3FA5] =	sst s0  }
0x9: {  	[smem:$0x3FA6] =	sst s1  }
0xa: {  	[smem:$0x3FA7] =	sst s2  }
0xb: {  	[smem:$0x3FA8] =	sst s3  }
0xc: {  	[smem:$0x3FA9] =	sst s4  }
0xd: {  	[smem:$0x3FAA] =	sst s5  }
0xe: {  	[smem:$0x3FAB] =	sst s6  }
0xf: {  	[smem:$0x3FAC] =	sst s7  }
0x10: {  	[smem:$0x3FAD] =	sst s8  }
0x11: {  	[smem:$0x3FAE] =	sst s9;
	s0 =	simm.s32 @!p0 $0x0  }
0x12: {  	s1 =	sld [smem:$0x3F94];
	s0 =	simm.s32 @p0 $0x1  }
0x13: {  	[smem:$0x3FAF] =	sst s0;
	s0 =	simm.s32 @!p1 $0x0  }
0x14: {  	s2 =	sld [smem:$0x3F93];
	s0 =	simm.s32 @p1 $0x1  }
0x15: {  	[smem:$0x3FB0] =	sst s0;
	s0 =	simm.s32 @!p2 $0x0  }
0x16: {  	s3 =	sld [smem:$0x3FDB];
	s0 =	simm.s32 @p2 $0x1  }
0x17: {  	s4 =	simm.s32 $0x1BF5;
	[smem:$0x3FB2] =	sst s0  }
0x18: {  	s0 =	sld [smem:$0x3F95];
	_ =	swait.ge [sflag:s4], $0x0  }
0x19: {  	s7 =	sld [smem:$0x3F96]  }
0x1a: {  	s8 =	sadd.s32 $0xFFFFE003, lr  }
0x1b: {  	s9 =	sadd.s32 $0xFFFFFEF7, lr;
	s5 =	simm.s32 $0xFFFFFFFF;
	p2 =	slt.u32 s8, $0xFFFFF086  }
0x1c: {  	p1 =	slt.u32 s9, $0xF7A;
	s5 =	simm.s32 @!p2 $0x0  }
0x1d: {  	s5 =	simm.s32 @p1 $0x1;
	p0 =	seq.s32 s7, s2  }
0x1e: {  	s7 =	smul.u32 @!p0 $0xF7A, s2;
	p2 =	seq.s32 @!p0 s5, $0x0  }
0x1f: {  	s9 =	smul.u32 $0xF7A, s1;
	s8 =	simm.s32 @!p0 $0x1BF5;
	p2 =	por !p2, p0  }
0x20: {  	[sflag:s8] =	ssyncset.s32 @!p0 $0xFFFFF086;
	s6 =	sadd.s32 @!p0 s3, s7;
	s7 =	simm.s32 @!p0 $0x108  }
0x21: {  	s3 =	sadd.s32 s3, s9;
	s6 =	sadd.s32 @!p0 $0x88, s6;
	s7 =	simm.s32 @p2 $0x1082  }
0x22: {  	[simem:s7], [sflag:s8] =	dma.local @!p0 [hbm:s6], $0xF7A  }
0x23: {  	s9 =	sor.u32 $0xD0000000, s2;
	s6 =	simm.s32 $0x108;
	_ =	swait.ge @!p0 [sflag:s8], $0x0  }
0x24: {  	s3 =	sadd.s32 $0x88, s3;
	s6 =	simm.s32 @!p1 $0x1082;
	[sflag:s4] =	ssyncset.s32 $0xFFFFF086  }
0x25: {  	[simem:s6], [sflag:s4] =	dma.local [hbm:s3], $0xF7A  }
0x26: {  	[smem:$0x3F96] =	sst s1;
	(tag) =	ssettag s2;
	_ =	strace s9  }
0x27: {  	s1 =	sld [smem:$0x3FA6]  }
0x28: {  	s2 =	sld [smem:$0x3FA7]  }
0x29: {  	s4 =	sld [smem:$0x3FA9]  }
0x2a: {  	p0 =	seq.s32 s5, $0x0;
	s5 =	sld [smem:$0x3FAA]  }
0x2b: {  	s6 =	sld [smem:$0x3FAB]  }
0x2c: {  	s7 =	sld [smem:$0x3FAC]  }
0x2d: {  	s3 =	simm.s32 $0x108;
	s8 =	sld [smem:$0x3FAD]  }
0x2e: {  	s3 =	simm.s32 @!p0 $0x1082;
	s9 =	sld [smem:$0x3FAE]  }
0x2f: {  	lr =	sadd.s32 s0, s3;
	s0 =	sld [smem:$0x3FA5]  }
0x30: {  	s3 =	sld [smem:$0x3FA8]  }
0x31: {  	[smem:$0x3FB1] =	sst s10  }
0x32: {  	s10 =	sld [smem:$0x3FAF];
	_ =	sdelay $0x3  }
0x33: {  	p0 =	seq.s32 s10, $0x1;
	s10 =	sld [smem:$0x3FB1];
	_ =	sdelay $0x3  }
0x34: {  	[smem:$0x3FB1] =	sst s10  }
0x35: {  	s10 =	sld [smem:$0x3FB0];
	_ =	sdelay $0x3  }
0x36: {  	p1 =	seq.s32 s10, $0x1;
	s10 =	sld [smem:$0x3FB1];
	_ =	sdelay $0x3  }
0x37: {  	[smem:$0x3FB1] =	sst s10  }
0x38: {  	s10 =	sld [smem:$0x3FB2]  }
0x39: {  	_ = 	snop;
	(pc) =	sbr.ind lr, $3  }
0x3a: {  	_ = 	snop  }
0x3b: {  	_ = 	snop  }
0x3c: {  	p2 =	seq.s32 s10, $0x1;
	s10 =	sld [smem:$0x3FB1]  }
0x3d: {  	_ =	shalt  }
0x3e: {  	_ =	shalt  }
0x3f: {  	_ =	shalt  }
0x40: {  	_ =	shalt  }
0x41: {  	_ =	shalt  }
0x42: {  	_ =	shalt  }
0x43: {  	_ =	shalt  }
0x44: {  	_ =	shalt  }
0x45: {  	_ =	shalt  }
0x46: {  	_ =	shalt  }
0x47: {  	_ =	shalt  }
0x48: {  	_ =	shalt  }
0x49: {  	_ =	shalt  }
0x4a: {  	_ =	shalt  }
0x4b: {  	_ =	shalt  }
0x4c: {  	_ =	shalt  }
0x4d: {  	_ =	shalt  }
0x4e: {  	_ =	shalt  }
0x4f: {  	_ =	shalt  }
0x50: {  	_ =	shalt  }
0x51: {  	_ =	shalt  }
0x52: {  	_ =	shalt  }
0x53: {  	_ =	shalt  }
0x54: {  	_ =	shalt  }
0x55: {  	_ =	shalt  }
0x56: {  	_ =	shalt  }
0x57: {  	_ =	shalt  }
0x58: {  	_ =	shalt  }
0x59: {  	_ =	shalt  }
0x5a: {  	_ =	shalt  }
0x5b: {  	_ =	shalt  }
0x5c: {  	_ =	shalt  }
0x5d: {  	_ =	shalt  }
0x5e: {  	_ =	shalt  }
0x5f: {  	_ =	shalt  }
0x60: {  	_ =	shalt  }
0x61: {  	_ =	shalt  }
0x62: {  	_ =	shalt  }
0x63: {  	_ =	shalt  }
0x64: {  	_ =	shalt  }
0x65: {  	_ =	shalt  }
0x66: {  	_ =	shalt  }
0x67: {  	_ =	shalt  }
0x68: {  	_ =	shalt  }
0x69: {  	_ =	shalt  }
0x6a: {  	_ =	shalt  }
0x6b: {  	_ =	shalt  }
0x6c: {  	_ =	shalt  }
0x6d: {  	_ =	shalt  }
0x6e: {  	_ =	shalt  }
0x6f: {  	_ =	shalt  }
0x70: {  	_ =	shalt  }
0x71: {  	_ =	shalt  }
0x72: {  	_ =	shalt  }
0x73: {  	_ =	shalt  }
0x74: {  	_ =	shalt  }
0x75: {  	_ =	shalt  }
0x76: {  	_ =	shalt  }
0x77: {  	_ =	shalt  }
0x78: {  	_ =	shalt  }
0x79: {  	_ =	shalt  }
0x7a: {  	_ =	shalt  }
0x7b: {  	_ =	shalt  }
0x7c: {  	_ =	shalt  }
0x7d: {  	_ =	shalt  }
0x7e: {  	_ =	shalt  }
0x7f: {  	_ =	shalt  }
0x80: {  	_ =	shalt  }
0x81: {  	_ =	shalt  }
0x82: {  	_ =	shalt  }
0x83: {  	_ =	shalt  }
0x84: {  	_ =	shalt  }
0x85: {  	_ =	shalt  }
0x86: {  	_ =	shalt  }
0x87: {  	_ =	shalt  }
.Lfunc_end0:
.L_simem_size_0:
called_computation_lowered:
.L_overlay_start_0:
0x88: {  	s2 =	sld [smem:$0x3FD9]  }
0x89: {  	s3 =	sld [smem:$0x3FFE];
	_ =	sdelay $0x1  }
0x8a: {  	s1 =	srdreg.scid  }
0x8b: {  	s0 =	sand.u32 $0x1, s1  }
0x8c: {  	s14 =	sshll.u32 s0, $0xA;
	s2 =	sadd.s32 s3, s2  }
0x8d: {  	s2 =	sadd.s32 s2, s14  }
0x8e: {  	[smem:$0x3FBD] =	sst s2  }
0x8f: {  	_ = 	snop  }
0x90: {  	s2 =	sld [smem:$0x3FD0];
	_ =	sdelay $0x1  }
0x91: {  	s15 =	sld [smem:$0x3FC9]  }
0x92: {  	s5 =	simm.s32 $0xA;
	s6 =	simm.s32 $0x10;
	s4 =	sld [smem:$0x3FC8]  }
0x93: {  	[smem:s6], [sflag:s5] =	dma.local [hbm:s2], $0x1  }
0x94: {  	_ =	swait.eq [sflag:s5], $0x1  }
0x95: {  	[sflag:s5] =	ssyncset.done $0x0  }
0x96: {  	s16 =	sld [smem:$0x10];
	[sflag:s5] =	ssyncadd.s32 $0xFFFFFFFF  }
0x97: {  	s17 =	sld [smem:$0x11];
	(tm) =	ssettm $0x1  }
0x98: {  	s18 =	sld [smem:$0x3FFB];
	_ =	sdelay $0x3  }
0x99: {  	_ =	strace s18  }
0x9a: {  	s6 =	sld [smem:$0x3FFC];
	_ =	sdelay $0x3  }
0x9b: {  	_ =	strace s6  }
0x9c: {  	s6 =	sld [smem:$0x3FFD];
	_ =	sdelay $0x3  }
0x9d: {  	_ =	strace s6  }
0x9e: {  	_ =	strace $0x8FFFFFFF  }
0x9f: {  	s19 =	sld [smem:$0x3FDB];
	_ =	sdelay $0x1  }
0xa0: {  	s7 =	simm.s32 $_scs_section_size  }
0xa1: {  	s8 =	simm.s32 $_size__tile_overlayer_lowered;
	s9 =	simm.s32 $_tile_overlayer_lowered  }
0xa2: {  	s22 =	simm.s32 $0x1BFF;
	s21 =	sshll.u32 s9, $0x1;
	s6 =	sadd.s32 s7, s19  }
0xa3: {  	s10 =	simm.s32 $0x0;
	s20 =	sshll.u32 s8, $0x1;
	s8 =	sadd.s32 s21, s6  }
0xa4: {  	[timem:s10], [sflag:s22] =	dma.local [hbm:s8], s20  }
0xa5: {  	_ =	swait.ge [sflag:s22], s20  }
0xa6: {  	s7 =	ssub.s32 $0x0, s20;
	[sflag:s22] =	ssyncset.done $0x0  }
0xa7: {  	[sflag:s22] =	ssyncadd.s32 s7;
	_ =	sdelay $0x1  }
0xa8: {  	s23 =	simm.s32 $0x1B8B  }
0xa9: {  	_ =	swait.ge [sflag:s23], $0x1  }
0xaa: {  	[sflag:s23] =	ssyncset.done $0x0  }
0xab: {  	s25 =	simm.s32 $0x1B8E;
	s24 =	sld [smem:$0x3FFE];
	[sflag:s23] =	ssyncadd.s32 $0xFFFFFFFF  }
0xac: {  	s26 =	simm.s32 $execute0_lowered;
	[smem:$0x3FD2] =	sst s25  }
0xad: {  	s8 =	sshll.u32 s26, $0x1;
	_ =	strace $0x80000046;
	[dreg:$0x1] =	wrdreg $0xFFFFFFFF  }
0xae: {  	s28 =	simm.s32 $_size_execute0_lowered;
	s6 =	sadd.s32 s6, s8;
	[dreg:$0x0] =	wrdreg $0x0  }
0xaf: {  	s8 =	sshll.u32 s28, $0x1;
	[dreg:$0x2] =	wrdreg s6  }
0xb0: {  	[dreg:$0x3] =	wrdreg s8  }
0xb1: {  	[dreg:$0x4] =	wrdreg $0xC0  }
0xb2: {  	_ =	task [dreg:s10], $0x5FFFF  }
0xb3: {  	[dreg:$0x1] =	wrdreg $0xFFFFFFFF  }
0xb4: {  	[dreg:$0x0] =	wrdreg $0x60  }
0xb5: {  	[dreg:$0x2] =	wrdreg s4  }
0xb6: {  	[dreg:$0x3] =	wrdreg s24  }
0xb7: {  	[dreg:$0x4] =	wrdreg s15  }
0xb8: {  	[dreg:$0x5] =	wrdreg s16  }
0xb9: {  	[dreg:$0x6] =	wrdreg s17  }
0xba: {  	[dreg:$0x7] =	wrdreg $0x87000  }
0xbb: {  	[dreg:$0x8] =	wrdreg $0x9  }
0xbc: {  	_ =	task.clear_ibuf [dreg:s10], $0x9FFFF;
	_ =	strace $0x90000046  }
0xbd: {  	s29 =	simm.s32 $0x9;
	_ =	strace $0x80000048  }
0xbe: {  	_ =	swait.ge [sflag:s29], $0x1  }
0xbf: {  	[sflag:s29] =	ssyncadd.s32 $0xFFFFFFFF  }
0xc0: {  	_ =	strace $0x90000048  }
0xc1: {  	_ =	sfence  }
0xc2: {  	s30 =	sld [smem:$0x0];
	_ =	sdelay $0x2  }
0xc3: {  	s31 =	sshll.u32 s1, $0xD;
	s1 =	sshrl.u32 s1, $0x2  }
0xc4: {  	s3 =	sand.u32 $0x4000, s31;
	s1 =	sadd.s32 s1, s30  }
0xc5: {  	s0 =	sor.u32 s3, s0;
	s1 =	sshll.u32 s1, $0x11  }
0xc6: {  	s0 =	sor.u32 s1, s0  }
0xc7: {  	s0 =	sadd.s32 $0x8F2B, s0  }
0xc8: {  	[sflag:s0] =	ssyncadd.remote.s32 $0x1  }
0xc9: {  	_ =	sfence.sel $0xFFFF  }
0xca: {  	[dreg:$0x0] =	wrdreg $0xFFFFFFFF;
	(pc) =	sbr.abs _section_cstart, $3  }
0xcb: {  	[dreg:$0x1] =	wrdreg $0xFFFFFFFF  }
0xcc: {  	_ =	task.clear_ibuf [dreg:s10], $0x2FFFF;
	_ =	strace $0x9FFFFFFF  }
0xcd: {  	(tm) =	ssettm $0x7FFFFFFF  }
tec
execute0_lowered:
.L_overlay_start_1:
0x0: {  	(tag) =	ssettag $0x1  }
0x1: {  	s0 =	rddreg [dreg:$0x0]  }
0x2: {  	s3 =	rddreg [dreg:$0x1]  }
0x3: {  	s1 =	rddreg [dreg:$0x2]  }
0x4: {  	s7 =	rddreg [dreg:$0x3]  }
0x5: {  	s14 =	rddreg [dreg:$0x4]  }
0x6: {  	s2 =	rddreg [dreg:$0x5];
	s4 =	simm.s32 $0x0  }
0x7: {  	s5 =	srdreg.scid;
	s9 =	simm.s32 $0x0;
	s29 =	simm.s32 $0x600  }
0x8: {  	s30 =	simm.s32 $0x1;
	s28 =	simm.s32 $0x0;
	s10 =	sand.u32 $0x1, s5  }
0x9: {  	[smem:$0x7FF] =	sst s4;
	s4 =	stileid.u32;
	s6 =	sshll.u32 s10, $0xF  }
0xa: {  	s5 =	sshll.u32 s10, $0x4;
	s8 =	sshll.u32 s4, $0xB;
	s11 =	smul.u32 $0x50000, s4  }
0xb: {  	_ =	strace $0x80000047;
	s20 =	ssub.s32 $0x2, s10;
	s25 =	sshll.u32 s4, $0x4  }
0xc: {  	s17 =	smul.u32 $0xA000, s10;
	s10 =	simm.s32 $0x280;
	s5 =	sor.u32 s4, s5  }
0xd: {  	s8 =	sor.u32 s8, s6;
	s6 =	sadd.s32 $0x1C00, s3;
	s11 =	sshrl.u32 s11, $0x2  }
0xe: {  	s3 =	sadd.s32 s8, s3;
	s8 =	sadd.s32 s11, s2;
	s11 =	sadd.s32 s7, s25  }
0xf: {  	s13 =	sshrl.u32 s20, $0x1;
	s26 =	sadd.s32 $0x2400, s3;
	[dreg:$0xc] =	wrdreg s11  }
0x10: {  	s31 =	sshll.u32 s5, $0x3;
	s3 =	sadd.s32 $0x2800, s3;
	[dreg:$0xd] =	wrdreg s26  }
0x11: {  	s21 =	ssub.s32 s20, s13;
	s13 =	sadd.s32 s7, s31;
	[dreg:$0xe] =	wrdreg s3  }
0x12: {  	s12 =	smul.u32 $0xA00, s5;
	s16 =	smax.u32 s21, $0x1;
	[dreg:$0xf] =	wrdreg s13  }
0x13: {  	s20 =	smul.u32 $0xA00, s4;
	p0 =	sne.s32 s5, $0x1F;
	[dreg:$0x11] =	wrdreg s16  }
0x14: {  	s15 =	sadd.s32 s0, s12;
	s18 =	sadd.s32 $0x2000, s8;
	[dreg:$0x8] =	wrdreg s8  }
0x15: {  	s19 =	sadd.s32 $0x4000, s8;
	s21 =	sadd.s32 $0x6000, s8;
	[dreg:$0x7] =	wrdreg s15  }
0x16: {  	s0 =	sadd.s32 s17, s0;
	s25 =	sadd.s32 $0xE000, s8;
	[dreg:$0x12] =	wrdreg s18  }
0x17: {  	s26 =	sadd.s32 $0x10000, s8;
	s31 =	sadd.s32 $0x12000, s8;
	[dreg:$0x13] =	wrdreg s19  }
0x18: {  	s11 =	simm.s32 $0x2600;
	s12 =	simm.s32 $0x6;
	[dreg:$0x14] =	wrdreg s21  }
0x19: {  	s13 =	simm.s32 $0x300;
	s16 =	simm.s32 $0x6600;
	[dreg:$0x18] =	wrdreg s25  }
0x1a: {  	s17 =	simm.s32 $0x400;
	s22 =	sadd.s32 $0x20, s15;
	[dreg:$0x1a] =	wrdreg s26  }
0x1b: {  	s23 =	sadd.s32 $0x40, s15;
	s24 =	sadd.s32 $0x60, s15;
	[dreg:$0x1b] =	wrdreg s31  }
0x1c: {  	s15 =	sshll.u32 s5, $0xA;
	s0 =	sadd.s32 s20, s0;
	[dreg:$0x9] =	wrdreg s22  }
0x1d: {  	s18 =	simm.s32 $0x7;
	s19 =	simm.s32 $0x2;
	[dreg:$0xa] =	wrdreg s23  }
0x1e: {  	s20 =	simm.s32 $0x480;
	[dreg:$0xb] =	wrdreg s24;
	s3 =	sadd.s32 s14, s15  }
0x1f: {  	s21 =	simm.s32 $0x3;
	s22 =	sadd.s32 $0x8000, s8;
	[dreg:$0x10] =	wrdreg s3  }
.Ltmp0:
0x20: {  	s23 =	sadd.s32 $0xA000, s8;
	[dreg:$0x15] =	wrdreg s22;
	(pc) =	sbr.rel .LBB2_1-.Ltmp0, $4  }
0x21: {  	s24 =	sadd.s32 $0xC000, s8;
	s0 =	sadd.s32 $0xA0, s0;
	[dreg:$0x16] =	wrdreg s23  }
0x22: {  	s14 =	simm.s32 $0x4600;
	s15 =	simm.s32 $0x380;
	[dreg:$0x17] =	wrdreg s24  }
0x23: {  	[dreg:$0x19] =	wrdreg s0;
	s0 =	simm.s32 $0x5;
	s3 =	simm.s32 $0x40  }
0x24: {  	v0 =	vimm.f32 $0.0e+00;
	s22 =	simm.s32 $0x500;
	s23 =	simm.s32 $0x4;
	s24 =	simm.s32 $0x580  }
.LBB2_12:
0x25: {  	_ =	swait.ge [sflag:s23], $0x2000  }
0x26: {  	[sflag:s23] =	ssyncset.done $0x0  }
0x27: {  	[sflag:s23] =	ssyncadd.s32 $0xFFFFE000  }
0x28: {  	[spmem:s2] =	stream.indirect.scatter.add.f32 [tilespmem:s16], [sflag:$0x7], $0x80, s24, s3, $0xb8;
	[tilespmem:$0x1C700] =	vst v63  }
0x29: {  	_ =	swait.ge [sflag:s18], $0x2000  }
0x2a: {  	[sflag:s18] =	ssyncset.done $0x0  }
0x2b: {  	[sflag:s18] =	ssyncadd.s32 $0xFFFFE000  }
.LBB2_10:
0x2c: {  	[bflag:$0x0] =	sbarrier.arrive $0xFFFF  }
0x2d: {  	s4 =	simm.s32 $0x0;
	s8 =	simm.s32 $0x8600;
	s7 =	rddreg [dreg:$0xc]  }
0x2e: {  	[tilespmem:s8], [sflag:$0x7] =	stream.linear.gather [hbm4b:s7+s4], $0x80, $0x38;
	[tilespmem:$0x1C700] =	vst v63  }
0x2f: {  	_ =	swait.ge [sflag:s18], $0x80  }
0x30: {  	[sflag:s18] =	ssyncset.done $0x0  }
0x31: {  	[sflag:s18] =	ssyncadd.s32 $0xFFFFFF80  }
0x32: {  	[tilespmem:s29], [sflag:$0x7] =	stream.indirect.gather [spmem:s2], $0x80, s8, s3, $0xb8;
	[tilespmem:$0x1C700] =	vst v63  }
0x33: {  	_ =	swait.ge [sflag:s18], $0x2000  }
0x34: {  	[sflag:s18] =	ssyncset.done $0x0  }
0x35: {  	s26 =	rddreg [dreg:$0xd];
	[sflag:s18] =	ssyncadd.s32 $0xFFFFE000  }
0x36: {  	[hbm4b:s26+s4] =	stream.linear.scatter [tilespmem:s29], [sflag:$0x7], $0x2000, $0x38;
	[tilespmem:$0x1C700] =	vst v63  }
0x37: {  	_ =	swait.ge [sflag:s18], $0x2000  }
0x38: {  	[sflag:s18] =	ssyncset.done $0x0  }
0x39: {  	s31 =	simm.s32 $0x8640;
	[sflag:s18] =	ssyncadd.s32 $0xFFFFE000  }
0x3a: {  	[tilespmem:s11], [sflag:$0x7] =	stream.indirect.gather [spmem:s2], $0x80, s31, s3, $0xb8;
	[tilespmem:$0x1C700] =	vst v63  }
0x3b: {  	_ =	swait.ge [sflag:s18], $0x2000  }
0x3c: {  	[sflag:s18] =	ssyncset.done $0x0  }
0x3d: {  	s8 =	rddreg [dreg:$0xe];
	[sflag:s18] =	ssyncadd.s32 $0xFFFFE000  }
0x3e: {  	[hbm4b:s8+s4] =	stream.linear.scatter [tilespmem:s11], [sflag:$0x7], $0x2000, $0x38;
	[tilespmem:$0x1C700] =	vst v63  }
0x3f: {  	_ =	swait.ge [sflag:s18], $0x2000  }
0x40: {  	[sflag:s18] =	ssyncset.done $0x0  }
0x41: {  	s25 =	simm.s32 $0x8680;
	s9 =	rddreg [dreg:$0xf];
	[sflag:s18] =	ssyncadd.s32 $0xFFFFE000  }
0x42: {  	[tilespmem:s25], [sflag:$0x7] =	stream.linear.gather [hbm4b:s9+s4], $0x40, $0x38;
	[tilespmem:$0x1C700] =	vst v63  }
0x43: {  	_ =	swait.ge [sflag:s18], $0x40  }
0x44: {  	[sflag:s18] =	ssyncset.done $0x0  }
0x45: {  	[sflag:s18] =	ssyncadd.s32 $0xFFFFFFC0  }
0x46: {  	[tilespmem:s14], [sflag:$0x7] =	stream.indirect.gather [hbm4b:s1+s3], $0x80, s25, s3, $0xb8;
	[tilespmem:$0x1C700] =	vst v63  }
0x47: {  	_ =	swait.ge [sflag:s18], $0x2000  }
0x48: {  	[sflag:s18] =	ssyncset.done $0x0  }
0x49: {  	s26 =	rddreg [dreg:$0x10];
	[sflag:s18] =	ssyncadd.s32 $0xFFFFE000  }
0x4a: {  	[hbm4b:s26+s4] =	stream.linear.scatter [tilespmem:s14], [sflag:$0x7], $0x2000, $0x38;
	[tilespmem:$0x1C700] =	vst v63  }
0x4b: {  	_ =	swait.ge [sflag:s18], $0x2000  }
0x4c: {  	s28 =	sadd.s32 $0x1, s28;
	s31 =	rddreg [dreg:$0x11]  }
0x4d: {  	p1 =	sne.s32 s28, s31  }
.Ltmp1:
0x4e: {  	_ = 	snop;
	(pc) =	sbr.rel @!p1 .LBB2_11-.Ltmp1, $3  }
0x4f: {  	_ =	sdelay $0x1  }
0x50: {  	[sflag:s18] =	ssyncset.done $0x0  }
0x51: {  	s9 =	simm.s32 $0x0;
	[sflag:s18] =	ssyncadd.s32 $0xFFFFE000  }
.LBB2_1:
0x52: {  	s7 =	simm.s32 $0x0;
	s25 =	simm.s32 $0x200  }
.LBB2_2:
0x53: {  	p1 =	sne.s32 s25, $0x7E00;
	[tilespmem:s7+$0x670] =	vst v0  }
0x54: {  	[tilespmem:s7+$0x600] =	vst v0  }
0x55: {  	[tilespmem:s7+$0x610] =	vst v0  }
.Ltmp2:
0x56: {  	[tilespmem:s7+$0x620] =	vst v0;
	(pc) =	sbr.rel @p1 .LBB2_2-.Ltmp2, $4  }
0x57: {  	[tilespmem:s7+$0x630] =	vst v0  }
0x58: {  	[tilespmem:s7+$0x640] =	vst v0  }
0x59: {  	[tilespmem:s7+$0x650] =	vst v0  }
0x5a: {  	[tilespmem:s7+$0x660] =	vst v0;
	s7 =	sshra.s32 s25, $0x2;
	s25 =	sadd.s32 $0x200, s25  }
0x5b: {  	[tilespmem:s7+$0x670] =	vst v0  }
0x5c: {  	[tilespmem:s7+$0x600] =	vst v0  }
0x5d: {  	[tilespmem:s7+$0x610] =	vst v0  }
0x5e: {  	[tilespmem:s7+$0x620] =	vst v0  }
0x5f: {  	[tilespmem:s7+$0x630] =	vst v0  }
0x60: {  	[tilespmem:s7+$0x640] =	vst v0  }
0x61: {  	[tilespmem:s7+$0x650] =	vst v0  }
0x62: {  	[tilespmem:s7+$0x660] =	vst v0;
	s4 =	rddreg [dreg:$0x8]  }
0x63: {  	[spmem:s4] =	stream.linear.scatter [tilespmem:s29], [sflag:$0x1], $0x2000, $0x38;
	[tilespmem:$0x1C700] =	vst v63  }
0x64: {  	s31 =	rddreg [dreg:$0x12]  }
0x65: {  	[spmem:s31] =	stream.linear.scatter [tilespmem:s29], [sflag:$0x1], $0x2000, $0x38;
	[tilespmem:$0x1C700] =	vst v63  }
0x66: {  	s7 =	rddreg [dreg:$0x13]  }
0x67: {  	[spmem:s7] =	stream.linear.scatter [tilespmem:s29], [sflag:$0x1], $0x2000, $0x38;
	[tilespmem:$0x1C700] =	vst v63  }
0x68: {  	s8 =	rddreg [dreg:$0x14]  }
0x69: {  	[spmem:s8] =	stream.linear.scatter [tilespmem:s29], [sflag:$0x1], $0x2000, $0x38;
	[tilespmem:$0x1C700] =	vst v63  }
0x6a: {  	s25 =	rddreg [dreg:$0x15]  }
0x6b: {  	[spmem:s25] =	stream.linear.scatter [tilespmem:s29], [sflag:$0x1], $0x2000, $0x38;
	[tilespmem:$0x1C700] =	vst v63  }
0x6c: {  	s26 =	rddreg [dreg:$0x16]  }
0x6d: {  	[spmem:s26] =	stream.linear.scatter [tilespmem:s29], [sflag:$0x1], $0x2000, $0x38;
	[tilespmem:$0x1C700] =	vst v63  }
0x6e: {  	s31 =	rddreg [dreg:$0x17]  }
0x6f: {  	[spmem:s31] =	stream.linear.scatter [tilespmem:s29], [sflag:$0x1], $0x2000, $0x38;
	[tilespmem:$0x1C700] =	vst v63  }
0x70: {  	s7 =	rddreg [dreg:$0x18]  }
0x71: {  	[spmem:s7] =	stream.linear.scatter [tilespmem:s29], [sflag:$0x1], $0x2000, $0x38;
	[tilespmem:$0x1C700] =	vst v63  }
0x72: {  	s8 =	rddreg [dreg:$0x1a]  }
0x73: {  	[spmem:s8] =	stream.linear.scatter [tilespmem:s29], [sflag:$0x1], $0x2000, $0x38;
	[tilespmem:$0x1C700] =	vst v63  }
0x74: {  	s25 =	rddreg [dreg:$0x1b]  }
0x75: {  	[spmem:s25] =	stream.linear.scatter [tilespmem:s29], [sflag:$0x1], $0x2000, $0x38;
	[tilespmem:$0x1C700] =	vst v63  }
0x76: {  	_ =	swait.ge [sflag:s30], $0x2000  }
0x77: {  	[sflag:s30] =	ssyncset.done $0x0  }
0x78: {  	[sflag:s30] =	ssyncadd.s32 $0xFFFFE000  }
0x79: {  	_ =	swait.ge [sflag:s30], $0x2000  }
0x7a: {  	[sflag:s30] =	ssyncset.done $0x0  }
0x7b: {  	[sflag:s30] =	ssyncadd.s32 $0xFFFFE000  }
0x7c: {  	_ =	swait.ge [sflag:s30], $0x2000  }
0x7d: {  	[sflag:s30] =	ssyncset.done $0x0  }
0x7e: {  	[sflag:s30] =	ssyncadd.s32 $0xFFFFE000  }
0x7f: {  	_ =	swait.ge [sflag:s30], $0x2000  }
0x80: {  	[sflag:s30] =	ssyncset.done $0x0  }
0x81: {  	[sflag:s30] =	ssyncadd.s32 $0xFFFFE000  }
0x82: {  	_ =	swait.ge [sflag:s30], $0x2000  }
0x83: {  	[sflag:s30] =	ssyncset.done $0x0  }
0x84: {  	[sflag:s30] =	ssyncadd.s32 $0xFFFFE000  }
0x85: {  	_ =	swait.ge [sflag:s30], $0x2000  }
0x86: {  	[sflag:s30] =	ssyncset.done $0x0  }
0x87: {  	[sflag:s30] =	ssyncadd.s32 $0xFFFFE000  }
0x88: {  	_ =	swait.ge [sflag:s30], $0x2000  }
0x89: {  	[sflag:s30] =	ssyncset.done $0x0  }
0x8a: {  	[sflag:s30] =	ssyncadd.s32 $0xFFFFE000  }
0x8b: {  	_ =	swait.ge [sflag:s30], $0x2000  }
0x8c: {  	[sflag:s30] =	ssyncset.done $0x0  }
0x8d: {  	[sflag:s30] =	ssyncadd.s32 $0xFFFFE000  }
0x8e: {  	_ =	swait.ge [sflag:s30], $0x2000  }
0x8f: {  	[sflag:s30] =	ssyncset.done $0x0  }
0x90: {  	[sflag:s30] =	ssyncadd.s32 $0xFFFFE000  }
0x91: {  	_ =	swait.ge [sflag:s30], $0x2000  }
0x92: {  	[sflag:s30] =	ssyncset.done $0x0  }
0x93: {  	[sflag:s30] =	ssyncadd.s32 $0xFFFFE000  }
0x94: {  	[bflag:$0x0] =	sbarrier.arrive $0xFFFF  }
0x95: {  	s25 =	simm.s32 $0x0;
	s26 =	rddreg [dreg:$0x7]  }
0x96: {  	[tilespmem:s25], [sflag:$0x5] =	stream.linear.gather [hbm4b:s26+s25], $0x100, $0x38;
	[tilespmem:$0x1C700] =	vst v63  }
0x97: {  	s7 =	simm.s32 $0x100;
	s31 =	rddreg [dreg:$0x9]  }
0x98: {  	[tilespmem:s7], [sflag:$0x6] =	stream.linear.gather [hbm4b:s31+s25], $0x100, $0x38;
	[tilespmem:$0x1C700] =	vst v63  }
0x99: {  	_ =	swait.ge [sflag:s0], $0x100  }
0x9a: {  	[sflag:s0] =	ssyncset.done $0x0  }
0x9b: {  	[sflag:s0] =	ssyncadd.s32 $0xFFFFFF00  }
0x9c: {  	v1 =	vld [tilespmem:$0x0]  }
0x9d: {  	v2 =	vld [tilespmem:$0x80]  }
0x9e: {  	v3 =	vld [tilespmem:$0x10]  }
0x9f: {  	v4 =	vld [tilespmem:$0x90]  }
0xa0: {  	v5 =	vld [tilespmem:$0x20]  }
0xa1: {  	[tilespmem:$0x200] =	vst v1;
	v1 =	vld [tilespmem:$0xA0]  }
0xa2: {  	[tilespmem:$0x400] =	vst v2;
	v2 =	vld [tilespmem:$0x30]  }
0xa3: {  	[tilespmem:$0x210] =	vst v3;
	v3 =	vld [tilespmem:$0xB0]  }
0xa4: {  	[tilespmem:$0x410] =	vst v4  }
0xa5: {  	[tilespmem:$0x220] =	vst v5  }
0xa6: {  	[tilespmem:$0x420] =	vst v1  }
0xa7: {  	[tilespmem:$0x230] =	vst v2  }
0xa8: {  	s8 =	simm.s32 $0x200;
	[tilespmem:$0x430] =	vst v3  }
0xa9: {  	[tilespmem:s29], [sflag:$0x1] =	stream.indirect.gather [hbm4b:s1+s3], $0x80, s8, s3, $0xb8;
	[tilespmem:$0x1C700] =	vst v63  }
0xaa: {  	v1 =	vld [tilespmem:$0x40]  }
0xab: {  	v2 =	vld [tilespmem:$0xC0]  }
0xac: {  	v3 =	vld [tilespmem:$0x50]  }
0xad: {  	v58 =	vld [tilespmem:$0xD0]  }
0xae: {  	v59 =	vld [tilespmem:$0x60]  }
0xaf: {  	[tilespmem:$0x280] =	vst v1;
	v1 =	vld [tilespmem:$0xE0]  }
0xb0: {  	[tilespmem:$0x480] =	vst v2;
	v2 =	vld [tilespmem:$0x70]  }
0xb1: {  	[tilespmem:$0x290] =	vst v3;
	v3 =	vld [tilespmem:$0xF0]  }
0xb2: {  	[tilespmem:$0x490] =	vst v58  }
0xb3: {  	[tilespmem:$0x2A0] =	vst v59  }
0xb4: {  	[tilespmem:$0x4A0] =	vst v1  }
0xb5: {  	[tilespmem:$0x2B0] =	vst v2  }
0xb6: {  	[tilespmem:$0x4B0] =	vst v3  }
0xb7: {  	[tilespmem:s11], [sflag:$0x2] =	stream.indirect.gather [hbm4b:s1+s3], $0x80, s10, s3, $0xb8;
	[tilespmem:$0x1C700] =	vst v63  }
0xb8: {  	_ =	swait.ge [sflag:s12], $0x100  }
0xb9: {  	[sflag:s12] =	ssyncset.done $0x0  }
0xba: {  	[sflag:s12] =	ssyncadd.s32 $0xFFFFFF00  }
0xbb: {  	v1 =	vld [tilespmem:$0x100]  }
0xbc: {  	v2 =	vld [tilespmem:$0x180]  }
0xbd: {  	v3 =	vld [tilespmem:$0x110]  }
0xbe: {  	v60 =	vld [tilespmem:$0x190]  }
0xbf: {  	v61 =	vld [tilespmem:$0x120]  }
0xc0: {  	[tilespmem:$0x300] =	vst v1;
	v1 =	vld [tilespmem:$0x1A0]  }
0xc1: {  	[tilespmem:$0x500] =	vst v2;
	v2 =	vld [tilespmem:$0x130]  }
0xc2: {  	[tilespmem:$0x310] =	vst v3;
	v3 =	vld [tilespmem:$0x1B0]  }
0xc3: {  	[tilespmem:$0x510] =	vst v60  }
0xc4: {  	[tilespmem:$0x320] =	vst v61  }
0xc5: {  	[tilespmem:$0x520] =	vst v1  }
0xc6: {  	[tilespmem:$0x330] =	vst v2  }
0xc7: {  	[tilespmem:$0x530] =	vst v3  }
0xc8: {  	[tilespmem:s14], [sflag:$0x3] =	stream.indirect.gather [hbm4b:s1+s3], $0x80, s13, s3, $0xb8;
	[tilespmem:$0x1C700] =	vst v63  }
0xc9: {  	v1 =	vld [tilespmem:$0x140]  }
0xca: {  	v2 =	vld [tilespmem:$0x1C0]  }
0xcb: {  	v3 =	vld [tilespmem:$0x150]  }
0xcc: {  	v62 =	vld [tilespmem:$0x1D0]  }
0xcd: {  	v63 =	vld [tilespmem:$0x160]  }
0xce: {  	[tilespmem:$0x380] =	vst v1;
	v1 =	vld [tilespmem:$0x1E0]  }
0xcf: {  	[tilespmem:$0x580] =	vst v2;
	v2 =	vld [tilespmem:$0x170]  }
0xd0: {  	[tilespmem:$0x390] =	vst v3;
	v3 =	vld [tilespmem:$0x1F0]  }
0xd1: {  	[tilespmem:$0x590] =	vst v62  }
0xd2: {  	[tilespmem:$0x3A0] =	vst v63  }
0xd3: {  	[tilespmem:$0x5A0] =	vst v1  }
0xd4: {  	[tilespmem:$0x3B0] =	vst v2  }
0xd5: {  	[tilespmem:$0x5B0] =	vst v3  }
0xd6: {  	[tilespmem:s16], [sflag:$0x4] =	stream.indirect.gather [hbm4b:s1+s3], $0x80, s15, s3, $0xb8;
	[tilespmem:$0x1C700] =	vst v63  }
0xd7: {  	s26 =	rddreg [dreg:$0xa]  }
0xd8: {  	[tilespmem:s25], [sflag:$0x5] =	stream.linear.gather [hbm4b:s26+s25], $0x100, $0x38;
	[tilespmem:$0x1C700] =	vst v63  }
0xd9: {  	s31 =	rddreg [dreg:$0xb]  }
0xda: {  	[tilespmem:s7], [sflag:$0x6] =	stream.linear.gather [hbm4b:s31+s25], $0x100, $0x38;
	[tilespmem:$0x1C700] =	vst v63  }
0xdb: {  	s8 =	rddreg [dreg:$0x19];
	s7 =	simm.s32 $0xFFFFF000  }
.LBB2_4:
0xdc: {  	_ =	swait.ge [sflag:s30], $0x2000  }
0xdd: {  	p1 =	seq.s32 s7, $0x3E00;
	[sflag:s30] =	ssyncset.done $0x0  }
.Ltmp3:
0xde: {  	[sflag:s30] =	ssyncadd.s32 $0xFFFFE000;
	(pc) =	sbr.rel @!p1 .LBB2_5-.Ltmp3, $4  }
0xdf: {  	[spmem:s2] =	stream.indirect.scatter.add.f32 [tilespmem:s29], [sflag:$0x7], $0x80, s17, s3, $0xb8;
	[tilespmem:$0x1C700] =	vst v63  }
0xe0: {  	_ =	swait.ge [sflag:s18], $0x2000  }
0xe1: {  	[sflag:s18] =	ssyncset.done $0x0  }
0xe2: {  	[sflag:s18] =	ssyncadd.s32 $0xFFFFE000  }
0xe3: {  	_ =	swait.ge [sflag:s19], $0x2000  }
0xe4: {  	[sflag:s19] =	ssyncset.done $0x0  }
.Ltmp4:
0xe5: {  	[sflag:s19] =	ssyncadd.s32 $0xFFFFE000;
	(pc) =	sbr.rel .LBB2_8-.Ltmp4, $4  }
0xe6: {  	[spmem:s2] =	stream.indirect.scatter.add.f32 [tilespmem:s11], [sflag:$0x7], $0x80, s20, s3, $0xb8;
	[tilespmem:$0x1C700] =	vst v63  }
0xe7: {  	_ =	swait.ge [sflag:s18], $0x2000  }
0xe8: {  	[sflag:s18] =	ssyncset.done $0x0  }
0xe9: {  	[sflag:s18] =	ssyncadd.s32 $0xFFFFE000  }
.LBB2_5:
0xea: {  	_ =	swait.ge [sflag:s0], $0x100  }
0xeb: {  	[sflag:s0] =	ssyncset.done $0x0  }
0xec: {  	[sflag:s0] =	ssyncadd.s32 $0xFFFFFF00  }
0xed: {  	v1 =	vld [tilespmem:$0x0]  }
0xee: {  	v2 =	vld [tilespmem:$0x80]  }
0xef: {  	v3 =	vld [tilespmem:$0x10]  }
0xf0: {  	v4 =	vld [tilespmem:$0x90]  }
0xf1: {  	v5 =	vld [tilespmem:$0x20]  }
0xf2: {  	[tilespmem:$0x200] =	vst v1;
	v1 =	vld [tilespmem:$0xA0]  }
0xf3: {  	[tilespmem:$0x400] =	vst v2;
	v2 =	vld [tilespmem:$0x30]  }
0xf4: {  	[tilespmem:$0x210] =	vst v3;
	v3 =	vld [tilespmem:$0xB0]  }
0xf5: {  	[tilespmem:$0x410] =	vst v4  }
0xf6: {  	[tilespmem:$0x220] =	vst v5  }
0xf7: {  	[tilespmem:$0x420] =	vst v1  }
0xf8: {  	[tilespmem:$0x230] =	vst v2  }
0xf9: {  	s4 =	simm.s32 $0x200;
	[tilespmem:$0x430] =	vst v3  }
0xfa: {  	[tilespmem:s29], [sflag:$0x1] =	stream.indirect.gather [hbm4b:s1+s3], $0x80, s4, s3, $0xb8;
	[tilespmem:$0x1C700] =	vst v63  }
0xfb: {  	_ =	swait.ge [sflag:s19], $0x2000  }
0xfc: {  	[sflag:s19] =	ssyncset.done $0x0  }
0xfd: {  	[sflag:s19] =	ssyncadd.s32 $0xFFFFE000  }
0xfe: {  	[spmem:s2] =	stream.indirect.scatter.add.f32 [tilespmem:s11], [sflag:$0x7], $0x80, s20, s3, $0xb8;
	[tilespmem:$0x1C700] =	vst v63  }
0xff: {  	_ =	swait.ge [sflag:s18], $0x2000  }
0x100: {  	[sflag:s18] =	ssyncset.done $0x0  }
0x101: {  	[sflag:s18] =	ssyncadd.s32 $0xFFFFE000  }
0x102: {  	v1 =	vld [tilespmem:$0x40]  }
0x103: {  	v2 =	vld [tilespmem:$0xC0]  }
0x104: {  	v3 =	vld [tilespmem:$0x50]  }
0x105: {  	v62 =	vld [tilespmem:$0xD0]  }
0x106: {  	v63 =	vld [tilespmem:$0x60]  }
0x107: {  	[tilespmem:$0x280] =	vst v1;
	v1 =	vld [tilespmem:$0xE0]  }
0x108: {  	[tilespmem:$0x480] =	vst v2;
	v2 =	vld [tilespmem:$0x70]  }
0x109: {  	[tilespmem:$0x290] =	vst v3;
	v3 =	vld [tilespmem:$0xF0]  }
0x10a: {  	p2 =	sgt.u32 s25, $0x25;
	[tilespmem:$0x490] =	vst v62  }
.Ltmp5:
0x10b: {  	[tilespmem:$0x2A0] =	vst v63;
	(pc) =	sbr.rel @p2 .LBB2_8-.Ltmp5, $4  }
0x10c: {  	[tilespmem:$0x4A0] =	vst v1  }
0x10d: {  	[tilespmem:$0x2B0] =	vst v2  }
0x10e: {  	[tilespmem:$0x4B0] =	vst v3  }
0x10f: {  	[tilespmem:s11], [sflag:$0x2] =	stream.indirect.gather [hbm4b:s1+s3], $0x80, s10, s3, $0xb8;
	[tilespmem:$0x1C700] =	vst v63  }
0x110: {  	p2 =	slt.u32 @!p0 s25, $0x8  }
0x111: {  	p2 =	por p0, p2  }
0x112: {  	s26 =	sadd.s32 @p2 $0xFFFFFFE0, s8  }
0x113: {  	s26 =	sshrl.u32 @!p2 s7, $0x3  }
0x114: {  	s26 =	sadd.s32 @!p2 s6, s26  }
0x115: {  	[tilespmem:s9], [sflag:$0x5] =	stream.linear.gather [hbm4b:s26+s9], $0x100, $0x38;
	[tilespmem:$0x1C700] =	vst v63  }
.LBB2_8:
0x116: {  	_ =	swait.ge [sflag:s21], $0x2000  }
0x117: {  	[sflag:s21] =	ssyncset.done $0x0  }
.Ltmp6:
0x118: {  	[sflag:s21] =	ssyncadd.s32 $0xFFFFE000;
	(pc) =	sbr.rel @p1 .LBB2_12-.Ltmp6, $4  }
0x119: {  	[spmem:s2] =	stream.indirect.scatter.add.f32 [tilespmem:s14], [sflag:$0x7], $0x80, s22, s3, $0xb8;
	[tilespmem:$0x1C700] =	vst v63  }
0x11a: {  	_ =	swait.ge [sflag:s18], $0x2000  }
0x11b: {  	[sflag:s18] =	ssyncset.done $0x0  }
0x11c: {  	[sflag:s18] =	ssyncadd.s32 $0xFFFFE000  }
0x11d: {  	_ =	swait.ge [sflag:s12], $0x100  }
0x11e: {  	[sflag:s12] =	ssyncset.done $0x0  }
0x11f: {  	[sflag:s12] =	ssyncadd.s32 $0xFFFFFF00  }
0x120: {  	v1 =	vld [tilespmem:$0x100]  }
0x121: {  	v2 =	vld [tilespmem:$0x180]  }
0x122: {  	v3 =	vld [tilespmem:$0x110]  }
0x123: {  	v4 =	vld [tilespmem:$0x190]  }
0x124: {  	v5 =	vld [tilespmem:$0x120]  }
0x125: {  	[tilespmem:$0x300] =	vst v1;
	v1 =	vld [tilespmem:$0x1A0]  }
0x126: {  	[tilespmem:$0x500] =	vst v2;
	v2 =	vld [tilespmem:$0x130]  }
0x127: {  	[tilespmem:$0x310] =	vst v3;
	v3 =	vld [tilespmem:$0x1B0]  }
0x128: {  	[tilespmem:$0x510] =	vst v4  }
0x129: {  	[tilespmem:$0x320] =	vst v5  }
0x12a: {  	[tilespmem:$0x520] =	vst v1  }
0x12b: {  	[tilespmem:$0x330] =	vst v2  }
0x12c: {  	[tilespmem:$0x530] =	vst v3  }
0x12d: {  	[tilespmem:s14], [sflag:$0x3] =	stream.indirect.gather [hbm4b:s1+s3], $0x80, s13, s3, $0xb8;
	[tilespmem:$0x1C700] =	vst v63  }
0x12e: {  	_ =	swait.ge [sflag:s23], $0x2000  }
0x12f: {  	[sflag:s23] =	ssyncset.done $0x0  }
0x130: {  	[sflag:s23] =	ssyncadd.s32 $0xFFFFE000  }
0x131: {  	[spmem:s2] =	stream.indirect.scatter.add.f32 [tilespmem:s16], [sflag:$0x7], $0x80, s24, s3, $0xb8;
	[tilespmem:$0x1C700] =	vst v63  }
0x132: {  	_ =	swait.ge [sflag:s18], $0x2000  }
0x133: {  	[sflag:s18] =	ssyncset.done $0x0  }
0x134: {  	[sflag:s18] =	ssyncadd.s32 $0xFFFFE000  }
0x135: {  	v1 =	vld [tilespmem:$0x140]  }
0x136: {  	v2 =	vld [tilespmem:$0x1C0]  }
0x137: {  	v3 =	vld [tilespmem:$0x150]  }
0x138: {  	v62 =	vld [tilespmem:$0x1D0]  }
0x139: {  	v63 =	vld [tilespmem:$0x160]  }
0x13a: {  	[tilespmem:$0x380] =	vst v1;
	v1 =	vld [tilespmem:$0x1E0]  }
0x13b: {  	[tilespmem:$0x580] =	vst v2;
	v2 =	vld [tilespmem:$0x170]  }
0x13c: {  	[tilespmem:$0x390] =	vst v3;
	v3 =	vld [tilespmem:$0x1F0]  }
0x13d: {  	p1 =	sgt.u32 s25, $0x25;
	[tilespmem:$0x590] =	vst v62  }
0x13e: {  	s31 =	smov.u32 s8;
	s26 =	sadd.s32 @!p1 $0x100, s7;
	[tilespmem:$0x3A0] =	vst v63  }
0x13f: {  	p2 =	slt.u32 @!p1 s25, $0x8;
	p3 =	sne.s32 @!p1 s5, $0x1F;
	s26 =	sshrl.u32 @!p1 s26, $0x3;
	[tilespmem:$0x5A0] =	vst v1  }
0x140: {  	s4 =	simm.s32 @!p1 $0x100;
	p2 =	por !p2, p1;
	s26 =	sadd.s32 @!p1 s6, s26;
	[tilespmem:$0x3B0] =	vst v2  }
0x141: {  	s31 =	smov.u32 @p2 s26;
	p2 =	por !p3, p1;
	s26 =	smov.u32 s8;
	[tilespmem:$0x5B0] =	vst v3  }
0x142: {  	[tilespmem:s16], [sflag:$0x4] =	stream.indirect.gather [hbm4b:s1+s3], $0x80, s15, s3, $0xb8;
	[tilespmem:$0x1C700] =	vst v63  }
0x143: {  	s7 =	sadd.s32 $0x200, s7;
	s26 =	smov.u32 @p2 s31;
	s31 =	simm.s32 @!p1 $0x0  }
0x144: {  	[tilespmem:s4], [sflag:$0x6] =	stream.linear.gather @!p1 [hbm4b:s26+s31], $0x100, $0x38;
	[tilespmem:$0x1C700] =	vst v63  }
0x145: {  	p1 =	sne.s32 s7, $0x4000  }
.Ltmp7:
0x146: {  	_ = 	snop;
	(pc) =	sbr.rel @p1 .LBB2_4-.Ltmp7, $4  }
.Ltmp8:
0x147: {  	_ = 	snop;
	(pc) =	sbr.rel @!p1 .LBB2_10-.Ltmp8, $4  }
0x148: {  	_ = 	snop  }
0x149: {  	_ = 	snop  }
0x14a: {  	s25 =	sadd.s32 $0x1, s25;
	s8 =	sadd.s32 $0x40, s8  }
0x14b: {  	_ = 	snop  }
.LBB2_11:
0x14c: {  	_ =	sfence.sel $0x180000  }
0x14d: {  	[bflag:$0x0] =	sbarrier.arrive $0xFFFF  }
0x14e: {  	_ =	strace $0x90000047  }
0x14f: {  	s0 =	stileid.u32;
	[bflag:$0x2] =	sbarrier.arrive $0xFFFF  }
0x150: {  	p0 =	sne.s32 s0, $0x0;
	s0 =	rddreg [dreg:$0x6]  }
0x151: {  	s0 =	sadd.s32 @!p0 $0x100000, s0  }
0x152: {  	[sflag:s0] =	ssyncadd.tile.s32 @!p0 $0x1;
	_ =	shalt  }
.Lfunc_end2:
_tile_overlayer_lowered:
.L_overlay_start_2:
0x153: {  	(tag) =	ssettag $0x2  }
0x154: {  	s0 =	rddreg [dreg:$0x0];
	s2 =	stileid.u32  }
0x155: {  	s1 =	rddreg [dreg:$0x1];
	p0 =	sne.s32 s2, $0x0  }
0x156: {  	s3 =	rddreg [dreg:$0x2];
	[bflag:$0x3] =	sbarrier.arrive $0xFFFF;
	s2 =	simm.s32 @!p0 $0x1C07  }
0x157: {  	[timem:s3], [sflag:s2] =	dma.local @!p0 [hbm:s0], s1  }
0x158: {  	s0 =	simm.s32 @!p0 $0x7  }
0x159: {  	_ =	swait.ge @!p0 [sflag:s0], s1  }
0x15a: {  	s1 =	ssub.s32 @!p0 $0x0, s1;
	[sflag:s0] =	ssyncset.done @!p0 $0x0  }
0x15b: {  	[sflag:s0] =	ssyncadd.s32 @!p0 s1  }
0x15c: {  	[bflag:$0x3] =	sbarrier.arrive $0xFFFF  }
0x15d: {  	_ =	shalt  }

</sc_bundles>
